<compile_context>
chip_gen: v7x
topology: tpu7x:2x2x1
jax: 0.10.2.dev20260603
libtpu: 0.0.44.dev20260713+nightly
codegen_flags: <defaults>
</compile_context>

<pallas_src>
import functools

import jax
import jax.numpy as jnp
from jax import lax
from jax.experimental import pallas as pl
from jax.experimental.pallas import tpu as pltpu
from jax.experimental.pallas import tpu_sc as plsc

N_NODES = 10000
N_PAD = 10240
N_EDGES = 320000
NC = 2
NS = 16
NW = NC * NS
EPT = N_EDGES // NW
CHUNK = 80
NCHUNK = 126
IDXC = NCHUNK + 1
TILE_IDX = IDXC * CHUNK
ROWS_PT = N_PAD // NS


def _mesh():
  return plsc.VectorSubcoreMesh(core_axis_name="c", subcore_axis_name="s",
                                num_cores=NC, num_subcores=NS)


@functools.cache
def _make_seg():
  scratch = [
      pltpu.VMEM_SHARED((N_PAD, 128), jnp.float32),
      pltpu.VMEM((CHUNK,), jnp.int32),
      pltpu.VMEM((CHUNK,), jnp.int32),
      pltpu.VMEM((CHUNK,), jnp.int32),
      pltpu.VMEM((CHUNK,), jnp.int32),
      pltpu.VMEM((CHUNK, 128), jnp.float32),
      pltpu.VMEM((CHUNK, 128), jnp.float32),
      pltpu.SemaphoreType.DMA,
      pltpu.SemaphoreType.DMA,
      pltpu.SemaphoreType.DMA,
      pltpu.SemaphoreType.DMA,
  ]

  def body(p_hbm, src_hbm, dst_hbm, zd_hbm, part_hbm,
           acc, sb0, db0, sb1, db1, rows0, rows1, sg0, sg1, si0, si1):
    c = lax.axis_index("c")
    s = lax.axis_index("s")
    wid = c * NS + s
    r0 = s * ROWS_PT
    pltpu.sync_copy(zd_hbm.at[pl.ds(0, CHUNK)], rows0)

    def zstep(j, carry):
      pltpu.sync_copy(rows0, acc.at[pl.ds(r0 + j * CHUNK, CHUNK)])
      return carry

    lax.fori_loop(0, ROWS_PT // CHUNK, zstep, 0)

    ibase = wid * TILE_IDX
    pltpu.sync_copy(src_hbm.at[pl.ds(ibase, CHUNK)], sb0)
    pltpu.sync_copy(dst_hbm.at[pl.ds(ibase, CHUNK)], db0)
    plsc.subcore_barrier()

    def step(g, carry):
      o = ibase + 2 * g * CHUNK
      pltpu.async_copy(src_hbm.at[pl.ds(o + CHUNK, CHUNK)], sb1, si1)
      pltpu.async_copy(dst_hbm.at[pl.ds(o + CHUNK, CHUNK)], db1, si1)
      pltpu.async_copy(p_hbm.at[sb0], rows0, sg0).wait()
      pltpu.sync_copy(rows0, acc.at[db0], add=True)
      pltpu.make_async_copy(src_hbm.at[pl.ds(o, CHUNK)], sb1, si1).wait()
      pltpu.make_async_copy(src_hbm.at[pl.ds(o, CHUNK)], db1, si1).wait()
      pltpu.async_copy(src_hbm.at[pl.ds(o + 2 * CHUNK, CHUNK)], sb0, si0)
      pltpu.async_copy(dst_hbm.at[pl.ds(o + 2 * CHUNK, CHUNK)], db0, si0)
      pltpu.async_copy(p_hbm.at[sb1], rows1, sg1).wait()
      pltpu.sync_copy(rows1, acc.at[db1], add=True)
      pltpu.make_async_copy(src_hbm.at[pl.ds(o, CHUNK)], sb0, si0).wait()
      pltpu.make_async_copy(src_hbm.at[pl.ds(o, CHUNK)], db0, si0).wait()
      return carry

    lax.fori_loop(0, NCHUNK // 2, step, 0)
    plsc.subcore_barrier()

    def wstep(j, carry):
      o = r0 + j * CHUNK
      pltpu.sync_copy(acc.at[pl.ds(o, CHUNK)], rows0)
      pltpu.sync_copy(rows0, part_hbm.at[c, pl.ds(o, CHUNK)])
      return carry

    lax.fori_loop(0, ROWS_PT // CHUNK, wstep, 0)

  return pl.kernel(
      body,
      out_type=jax.ShapeDtypeStruct((NC, N_PAD, 128), jnp.float32),
      mesh=_mesh(), scratch_types=scratch)


@functools.cache
def _make_cnt():
  scratch = [
      pltpu.VMEM_SHARED((N_PAD, 128), jnp.float32),
      pltpu.VMEM((CHUNK,), jnp.int32),
      pltpu.VMEM((CHUNK,), jnp.int32),
      pltpu.VMEM((CHUNK, 128), jnp.float32),
      pltpu.SemaphoreType.DMA,
  ]

  def body(dst_hbm, zd_hbm, ones_hbm, cnt_hbm, cacc, db0, db1, cbuf, si):
    c = lax.axis_index("c")
    s = lax.axis_index("s")
    wid = c * NS + s
    r0 = s * ROWS_PT
    pltpu.sync_copy(zd_hbm.at[pl.ds(0, CHUNK)], cbuf)

    def zstep(j, carry):
      pltpu.sync_copy(cbuf, cacc.at[pl.ds(r0 + j * CHUNK, CHUNK)])
      return carry

    lax.fori_loop(0, ROWS_PT // CHUNK, zstep, 0)
    pltpu.sync_copy(ones_hbm, cbuf)
    ibase = wid * TILE_IDX
    pltpu.sync_copy(dst_hbm.at[pl.ds(ibase, CHUNK)], db0)
    plsc.subcore_barrier()

    def step(g, carry):
      o = ibase + 2 * g * CHUNK
      pltpu.async_copy(dst_hbm.at[pl.ds(o + CHUNK, CHUNK)], db1, si)
      pltpu.sync_copy(cbuf, cacc.at[db0], add=True)
      pltpu.make_async_copy(dst_hbm.at[pl.ds(o + CHUNK, CHUNK)], db1, si).wait()
      pltpu.async_copy(dst_hbm.at[pl.ds(o + 2 * CHUNK, CHUNK)], db0, si)
      pltpu.sync_copy(cbuf, cacc.at[db1], add=True)
      pltpu.make_async_copy(dst_hbm.at[pl.ds(o + 2 * CHUNK, CHUNK)], db0, si).wait()
      return carry

    lax.fori_loop(0, NCHUNK // 2, step, 0)
    plsc.subcore_barrier()

    def wstep(j, carry):
      o = r0 + j * CHUNK
      pltpu.sync_copy(cacc.at[pl.ds(o, CHUNK)], cbuf)
      pltpu.sync_copy(cbuf, cnt_hbm.at[c, pl.ds(o, CHUNK)])
      return carry

    lax.fori_loop(0, ROWS_PT // CHUNK, wstep, 0)

  return pl.kernel(
      body,
      out_type=jax.ShapeDtypeStruct((NC, N_PAD, 128), jnp.float32),
      mesh=_mesh(), scratch_types=scratch)


def _seg128(*args):
  return _make_seg()(*args)


def _cnt128(*args):
  return _make_cnt()(*args)



_GRID = 10
_R = N_PAD // _GRID


def _proj_body(x_ref, wl_ref, wr_ref, b_ref, p_ref, q_ref):
  xb = x_ref[...]
  p_ref[...] = jnp.dot(xb, wl_ref[...], preferred_element_type=jnp.float32)
  q_ref[...] = (jnp.dot(xb, wr_ref[...], preferred_element_type=jnp.float32)
                + b_ref[...])


def _combine_body(part_ref, cnt_ref, q_ref, wl_ref, wr_ref, b_ref,
                  p_ref, qn_ref):
  agg = part_ref[0] + part_ref[1]
  cnt = cnt_ref[0, :, 0:1] + cnt_ref[1, :, 0:1]
  inv = 1.0 / jnp.maximum(cnt, 1.0)
  h = jnp.maximum(agg * inv + q_ref[...], 0.0)
  p_ref[...] = jnp.dot(h, wl_ref[...], preferred_element_type=jnp.float32)
  qn_ref[...] = (jnp.dot(h, wr_ref[...], preferred_element_type=jnp.float32)
                 + b_ref[...])


def _last_body(part_ref, cnt_ref, q_ref, wr_ref, b_ref, h_ref, qn_ref):
  agg = part_ref[0] + part_ref[1]
  cnt = cnt_ref[0, :, 0:1] + cnt_ref[1, :, 0:1]
  inv = 1.0 / jnp.maximum(cnt, 1.0)
  h = jnp.maximum(agg * inv + q_ref[...], 0.0)
  h_ref[...] = h
  qn_ref[...] = (jnp.dot(h, wr_ref[...], preferred_element_type=jnp.float32)
                 + b_ref[...])


def _final_body(part_ref, cnt_ref, q_ref, wl_ref, o_ref):
  agg = part_ref[0] + part_ref[1]
  cnt = cnt_ref[0, :, 0:1] + cnt_ref[1, :, 0:1]
  inv = 1.0 / jnp.maximum(cnt, 1.0)
  h = (jnp.dot(agg * inv, wl_ref[...], preferred_element_type=jnp.float32)
       + q_ref[...])
  n = jnp.sqrt(jnp.sum(h * h, axis=1, keepdims=True))
  o_ref[...] = h / jnp.maximum(n, 1e-12)


def _proj_call(xp, wlT, wrT, b, dout):
  return pl.pallas_call(
      _proj_body,
      grid=(_GRID,),
      in_specs=[
          pl.BlockSpec((_R, 128), lambda i: (i, 0)),
          pl.BlockSpec((128, dout), lambda i: (0, 0)),
          pl.BlockSpec((128, dout), lambda i: (0, 0)),
          pl.BlockSpec((1, dout), lambda i: (0, 0)),
      ],
      out_specs=[
          pl.BlockSpec((_R, dout), lambda i: (i, 0)),
          pl.BlockSpec((_R, dout), lambda i: (i, 0)),
      ],
      out_shape=[
          jax.ShapeDtypeStruct((N_PAD, dout), jnp.float32),
          jax.ShapeDtypeStruct((N_PAD, dout), jnp.float32),
      ],
  )(xp, wlT, wrT, b)


def _combine_call(part, cnt, q, wlT, wrT, b, din, dout):
  return pl.pallas_call(
      _combine_body,
      grid=(_GRID,),
      in_specs=[
          pl.BlockSpec((NC, _R, din), lambda i: (0, i, 0)),
          pl.BlockSpec((NC, _R, 128), lambda i: (0, i, 0)),
          pl.BlockSpec((_R, din), lambda i: (i, 0)),
          pl.BlockSpec((din, dout), lambda i: (0, 0)),
          pl.BlockSpec((din, dout), lambda i: (0, 0)),
          pl.BlockSpec((1, dout), lambda i: (0, 0)),
      ],
      out_specs=[
          pl.BlockSpec((_R, dout), lambda i: (i, 0)),
          pl.BlockSpec((_R, dout), lambda i: (i, 0)),
      ],
      out_shape=[
          jax.ShapeDtypeStruct((N_PAD, dout), jnp.float32),
          jax.ShapeDtypeStruct((N_PAD, dout), jnp.float32),
      ],
  )(part, cnt, q, wlT, wrT, b)


def _last_call(part, cnt, q, wrT, b):
  return pl.pallas_call(
      _last_body,
      grid=(_GRID,),
      in_specs=[
          pl.BlockSpec((NC, _R, 128), lambda i: (0, i, 0)),
          pl.BlockSpec((NC, _R, 128), lambda i: (0, i, 0)),
          pl.BlockSpec((_R, 128), lambda i: (i, 0)),
          pl.BlockSpec((128, 64), lambda i: (0, 0)),
          pl.BlockSpec((1, 64), lambda i: (0, 0)),
      ],
      out_specs=[
          pl.BlockSpec((_R, 128), lambda i: (i, 0)),
          pl.BlockSpec((_R, 64), lambda i: (i, 0)),
      ],
      out_shape=[
          jax.ShapeDtypeStruct((N_PAD, 128), jnp.float32),
          jax.ShapeDtypeStruct((N_PAD, 64), jnp.float32),
      ],
  )(part, cnt, q, wrT, b)


def _final_call(part, cnt, q, wlT):
  return pl.pallas_call(
      _final_body,
      grid=(_GRID,),
      in_specs=[
          pl.BlockSpec((NC, _R, 128), lambda i: (0, i, 0)),
          pl.BlockSpec((NC, _R, 128), lambda i: (0, i, 0)),
          pl.BlockSpec((_R, 64), lambda i: (i, 0)),
          pl.BlockSpec((128, 64), lambda i: (0, 0)),
      ],
      out_specs=pl.BlockSpec((_R, 64), lambda i: (i, 0)),
      out_shape=jax.ShapeDtypeStruct((N_PAD, 64), jnp.float32),
  )(part, cnt, q, wlT)


@jax.jit
def kernel(x, edge_index, W1l, b1l, W1r, W2l, b2l, W2r, W3l, b3l, W3r):
  xp = jnp.pad(x, ((0, N_PAD - N_NODES), (0, 0)))
  ei = jnp.reshape(edge_index, (2, NW, EPT))
  ei = jnp.pad(ei, ((0, 0), (0, 0), (0, TILE_IDX - EPT)),
               constant_values=N_PAD - 1)
  src_p = jnp.reshape(ei[0], (NW * TILE_IDX,))
  dst_p = jnp.reshape(ei[1], (NW * TILE_IDX,))
  z128 = jnp.zeros((N_PAD, 128), jnp.float32)
  ones = jnp.ones((CHUNK, 128), jnp.float32)

  cnt = _cnt128(dst_p, z128, ones)
  p1, q1 = _proj_call(xp, W1l.T, W1r.T, b1l[None], 128)
  part1 = _seg128(p1, src_p, dst_p, z128)
  p2, q2 = _combine_call(part1, cnt, q1, W2l.T, W2r.T, b2l[None], 128, 128)
  part2 = _seg128(p2, src_p, dst_p, z128)
  h2, q3 = _last_call(part2, cnt, q2, W3r.T, b3l[None])
  part3 = _seg128(h2, src_p, dst_p, z128)
  out = _final_call(part3, cnt, q3, W3l.T)
  return out[:N_NODES]

# --- scband reference (transcript-rebuilt; emitter-appended) ---
"""Pipeline reference for scband-simple-sage-36747740184682 (READ-ONLY COPY).

The authoritative reference and input builder live on the scoring server;
editing this copy changes nothing except your own understanding.
"""

import jax, jax.numpy as jnp
import numpy as np

N = 10000
E = 320000
D_IN = 128
D_HID = 128
D_OUT = 64

def _init_linear(key, out_f, in_f):
    bound = 1.0 / np.sqrt(in_f)
    kw, kb = jax.random.split(key)
    W = jax.random.uniform(kw, (out_f, in_f), minval=-bound, maxval=bound, dtype=jnp.float32)
    b = jax.random.uniform(kb, (out_f,), minval=-bound, maxval=bound, dtype=jnp.float32)
    return W, b

def setup_inputs(seed: int = 0):
    key = jax.random.key(seed)
    ks = jax.random.split(key, 8)
    x = jax.random.normal(ks[0], (N, D_IN), dtype=jnp.float32)
    edge_index = jax.random.randint(ks[1], (2, E), 0, N, dtype=jnp.int32)
    W1l, b1l = _init_linear(ks[2], D_HID, D_IN)
    W1r, _ = _init_linear(ks[3], D_HID, D_IN)
    W2l, b2l = _init_linear(ks[4], D_HID, D_HID)
    W2r, _ = _init_linear(ks[5], D_HID, D_HID)
    W3l, b3l = _init_linear(ks[6], D_OUT, D_HID)
    W3r, _ = _init_linear(ks[7], D_OUT, D_HID)
    return {"x": x, "edge_index": edge_index,
            "W1l": W1l, "b1l": b1l, "W1r": W1r,
            "W2l": W2l, "b2l": b2l, "W2r": W2r,
            "W3l": W3l, "b3l": b3l, "W3r": W3r}

def _sage_conv(x, edge_index, Wl, bl, Wr):
    # PyG SAGEConv (aggr='mean'): out = lin_l(mean_agg(x_src -> dst)) + lin_r(x)
    src = edge_index[0]
    dst = edge_index[1]
    msg = jnp.take(x, src, axis=0)
    agg = jax.ops.segment_sum(msg, dst, num_segments=N)
    cnt = jax.ops.segment_sum(jnp.ones((msg.shape[0],), dtype=x.dtype), dst, num_segments=N)
    mean = agg / jnp.clip(cnt, 1.0, None)[:, None]
    return mean @ Wl.T + bl + x @ Wr.T

def reference(x, edge_index, W1l, b1l, W1r, W2l, b2l, W2r, W3l, b3l, W3r):
    # dropout is identity in eval mode
    h = jax.nn.relu(_sage_conv(x, edge_index, W1l, b1l, W1r))
    h = jax.nn.relu(_sage_conv(h, edge_index, W2l, b2l, W2r))
    h = _sage_conv(h, edge_index, W3l, b3l, W3r)
    norm = jnp.linalg.norm(h, ord=2, axis=1, keepdims=True)
    return h / jnp.maximum(norm, 1e-12)

if __name__ == "__main__":
    import jax
    _d = setup_inputs()
    print(jax.jit(kernel)(*tuple(_d.values())))

</pallas_src>

<mosaic_0001>
#map = affine_map<(d0, d1) -> (0)>
#map1 = affine_map<(d0, d1) -> (0, 0)>
#map2 = affine_map<(d0, d1) -> (0, 0, 0)>
module attributes {stable_mosaic.version = 14 : i64} {
  func.func @body(%arg0: i32, %arg1: i32, %arg2: memref<325120xi32, #tpu.memory_space<hbm>>, %arg3: memref<10240x128xf32, #tpu.memory_space<hbm>>, %arg4: memref<80x128xf32, #tpu.memory_space<hbm>>, %arg5: memref<2x10240x128xf32, #tpu.memory_space<hbm>>, %arg6: memref<10240x128xf32, #tpu.memory_space<vmem_shared>>, %arg7: memref<80xi32, #tpu.memory_space<vmem>>, %arg8: memref<80xi32, #tpu.memory_space<vmem>>, %arg9: memref<80x128xf32, #tpu.memory_space<vmem>>, %arg10: memref<!tpu.dma_semaphore, #tpu.memory_space<semaphore_mem>>) attributes {dimension_semantics = [#tpu.dimension_semantics<core_parallel>, #tpu.dimension_semantics<subcore_parallel>], iteration_bounds = array<i64: 2, 16>, scalar_prefetch = 0 : i64, scratch_operands = 5 : i64, tpu.core_type = #tpu.core_type<sc_vector_subcore>, window_params = [{transform_indices = #map}, {transform_indices = #map1}, {transform_indices = #map1}, {transform_indices = #map2}]} {
    %mul3A = arith.constant 16 : i32
    %mul3A_0 = arith.muli %arg0, %mul3A : i32
    %add3A = arith.addi %mul3A_0, %arg1 : i32
    %mul3A_1 = arith.constant 640 : i32
    %mul3A_2 = arith.muli %arg1, %mul3A_1 : i32
    "tpu.region"() ({
      %run_scoped3A = tpu.sem_alloc : memref<!tpu.dma_semaphore, #tpu.memory_space<semaphore_mem>>
      %dma_start3A = arith.constant 0 : i32
      %dma_start3A_23 = arith.constant 0 : i32
      %dma_start3A_24 = tpu.memref_slice %arg3[%dma_start3A, %dma_start3A_23] : memref<10240x128xf32, #tpu.memory_space<hbm>> -> memref<80x128xf32, #tpu.memory_space<hbm>>
      %dma_start3A_25 = arith.constant 0 : i32
      %dma_start3A_26 = arith.constant 0 : i32
      %dma_start3A_27 = tpu.memref_slice %arg3[%dma_start3A_25, %dma_start3A_26] : memref<10240x128xf32, #tpu.memory_space<hbm>> -> memref<80x128xf32, #tpu.memory_space<hbm>>
      tpu.enqueue_dma source(%dma_start3A_27 : memref<80x128xf32, #tpu.memory_space<hbm>>) target(%arg9 : memref<80x128xf32, #tpu.memory_space<vmem>>) target_semaphore(%run_scoped3A : memref<!tpu.dma_semaphore, #tpu.memory_space<semaphore_mem>>)
      %dma_wait3A = arith.constant 0 : i32
      %dma_wait3A_28 = arith.constant 0 : i32
      %dma_wait3A_29 = tpu.memref_slice %arg3[%dma_wait3A, %dma_wait3A_28] : memref<10240x128xf32, #tpu.memory_space<hbm>> -> memref<80x128xf32, #tpu.memory_space<hbm>>
      %dma_wait3A_30 = arith.constant 0 : i32
      %dma_wait3A_31 = arith.constant 0 : i32
      %dma_wait3A_32 = tpu.memref_slice %arg3[%dma_wait3A_30, %dma_wait3A_31] : memref<10240x128xf32, #tpu.memory_space<hbm>> -> memref<80x128xf32, #tpu.memory_space<hbm>>
      tpu.wait_dma2 semaphore(%run_scoped3A : memref<!tpu.dma_semaphore, #tpu.memory_space<semaphore_mem>>) src(%dma_wait3A_32 : memref<80x128xf32, #tpu.memory_space<hbm>>) dst(%arg9 : memref<80x128xf32, #tpu.memory_space<vmem>>)
      tpu.yield
    }) : () -> ()
    %scan3A = arith.constant 0 : i32
    %scan3A_3 = arith.constant 0 : i32
    %scan3A_4 = arith.constant 8 : i32
    %scan3A_5 = arith.addi %scan3A_3, %scan3A_4 : i32
    %scan3A_6 = arith.constant 1 : i32
    scf.for %scan3A_23 = %scan3A_3 to %scan3A_5 step %scan3A_6  : i32 {
      %mul3A_24 = arith.constant 80 : i32
      %mul3A_25 = arith.muli %scan3A_23, %mul3A_24 : i32
      %add3A_26 = arith.addi %mul3A_2, %mul3A_25 : i32
      "tpu.region"() ({
        %run_scoped3A = tpu.sem_alloc : memref<!tpu.dma_semaphore, #tpu.memory_space<semaphore_mem>>
        %dma_start3A = arith.constant 0 : i32
        %dma_start3A_27 = tpu.memref_slice %arg6[%add3A_26, %dma_start3A] : memref<10240x128xf32, #tpu.memory_space<vmem_shared>> -> memref<80x128xf32, #tpu.memory_space<vmem_shared>>
        %dma_start3A_28 = arith.constant 0 : i32
        %dma_start3A_29 = tpu.memref_slice %arg6[%add3A_26, %dma_start3A_28] : memref<10240x128xf32, #tpu.memory_space<vmem_shared>> -> memref<80x128xf32, #tpu.memory_space<vmem_shared>>
        tpu.enqueue_dma source(%arg9 : memref<80x128xf32, #tpu.memory_space<vmem>>) target(%dma_start3A_29 : memref<80x128xf32, #tpu.memory_space<vmem_shared>>) target_semaphore(%run_scoped3A : memref<!tpu.dma_semaphore, #tpu.memory_space<semaphore_mem>>)
        %dma_wait3A = arith.constant 0 : i32
        %dma_wait3A_30 = tpu.memref_slice %arg6[%add3A_26, %dma_wait3A] : memref<10240x128xf32, #tpu.memory_space<vmem_shared>> -> memref<80x128xf32, #tpu.memory_space<vmem_shared>>
        %dma_wait3A_31 = arith.constant 0 : i32
        %dma_wait3A_32 = tpu.memref_slice %arg6[%add3A_26, %dma_wait3A_31] : memref<10240x128xf32, #tpu.memory_space<vmem_shared>> -> memref<80x128xf32, #tpu.memory_space<vmem_shared>>
        tpu.wait_dma2 semaphore(%run_scoped3A : memref<!tpu.dma_semaphore, #tpu.memory_space<semaphore_mem>>) src(%arg9 : memref<80x128xf32, #tpu.memory_space<vmem>>) dst(%dma_wait3A_32 : memref<80x128xf32, #tpu.memory_space<vmem_shared>>)
        tpu.yield
      }) : () -> ()
    }
    %scan3A_7 = arith.constant 8 : i32
    "tpu.region"() ({
      %run_scoped3A = tpu.sem_alloc : memref<!tpu.dma_semaphore, #tpu.memory_space<semaphore_mem>>
      tpu.enqueue_dma source(%arg4 : memref<80x128xf32, #tpu.memory_space<hbm>>) target(%arg9 : memref<80x128xf32, #tpu.memory_space<vmem>>) target_semaphore(%run_scoped3A : memref<!tpu.dma_semaphore, #tpu.memory_space<semaphore_mem>>)
      tpu.wait_dma2 semaphore(%run_scoped3A : memref<!tpu.dma_semaphore, #tpu.memory_space<semaphore_mem>>) src(%arg4 : memref<80x128xf32, #tpu.memory_space<hbm>>) dst(%arg9 : memref<80x128xf32, #tpu.memory_space<vmem>>)
      tpu.yield
    }) : () -> ()
    %mul3A_8 = arith.constant 10160 : i32
    %mul3A_9 = arith.muli %add3A, %mul3A_8 : i32
    "tpu.region"() ({
      %run_scoped3A = tpu.sem_alloc : memref<!tpu.dma_semaphore, #tpu.memory_space<semaphore_mem>>
      %dma_start3A = tpu.memref_slice %arg2[%mul3A_9] : memref<325120xi32, #tpu.memory_space<hbm>> -> memref<80xi32, #tpu.memory_space<hbm>>
      %dma_start3A_23 = tpu.memref_slice %arg2[%mul3A_9] : memref<325120xi32, #tpu.memory_space<hbm>> -> memref<80xi32, #tpu.memory_space<hbm>>
      tpu.enqueue_dma source(%dma_start3A_23 : memref<80xi32, #tpu.memory_space<hbm>>) target(%arg7 : memref<80xi32, #tpu.memory_space<vmem>>) target_semaphore(%run_scoped3A : memref<!tpu.dma_semaphore, #tpu.memory_space<semaphore_mem>>)
      %dma_wait3A = tpu.memref_slice %arg2[%mul3A_9] : memref<325120xi32, #tpu.memory_space<hbm>> -> memref<80xi32, #tpu.memory_space<hbm>>
      %dma_wait3A_24 = tpu.memref_slice %arg2[%mul3A_9] : memref<325120xi32, #tpu.memory_space<hbm>> -> memref<80xi32, #tpu.memory_space<hbm>>
      tpu.wait_dma2 semaphore(%run_scoped3A : memref<!tpu.dma_semaphore, #tpu.memory_space<semaphore_mem>>) src(%dma_wait3A_24 : memref<80xi32, #tpu.memory_space<hbm>>) dst(%arg7 : memref<80xi32, #tpu.memory_space<vmem>>)
      tpu.yield
    }) : () -> ()
    %barrier3A = arith.constant 0 : index
    tpu.barrier barrier_id(%barrier3A)
    %scan3A_10 = arith.constant 0 : i32
    %scan3A_11 = arith.constant 0 : i32
    %scan3A_12 = arith.constant 63 : i32
    %scan3A_13 = arith.addi %scan3A_11, %scan3A_12 : i32
    %scan3A_14 = arith.constant 1 : i32
    scf.for %scan3A_23 = %scan3A_11 to %scan3A_13 step %scan3A_14  : i32 {
      %mul3A_24 = arith.constant 2 : i32
      %mul3A_25 = arith.muli %mul3A_24, %scan3A_23 : i32
      %mul3A_26 = arith.constant 80 : i32
      %mul3A_27 = arith.muli %mul3A_25, %mul3A_26 : i32
      %add3A_28 = arith.addi %mul3A_9, %mul3A_27 : i32
      %add3A_29 = arith.constant 80 : i32
      %add3A_30 = arith.addi %add3A_28, %add3A_29 : i32
      %dma_start3A = tpu.memref_slice %arg2[%add3A_30] : memref<325120xi32, #tpu.memory_space<hbm>> -> memref<80xi32, #tpu.memory_space<hbm>>
      %dma_start3A_31 = tpu.memref_slice %arg2[%add3A_30] : memref<325120xi32, #tpu.memory_space<hbm>> -> memref<80xi32, #tpu.memory_space<hbm>>
      tpu.enqueue_dma source(%dma_start3A_31 : memref<80xi32, #tpu.memory_space<hbm>>) target(%arg8 : memref<80xi32, #tpu.memory_space<vmem>>) target_semaphore(%arg10 : memref<!tpu.dma_semaphore, #tpu.memory_space<semaphore_mem>>)
      "tpu.region"() ({
        %run_scoped3A = tpu.sem_alloc : memref<!tpu.dma_semaphore, #tpu.memory_space<semaphore_mem>>
        %dma_start3A_43 = arith.constant 0 : i32
        %dma_start3A_44 = arith.constant 0 : i32
        %dma_start3A_45 = tpu.memref_slice %arg6[%dma_start3A_43, %dma_start3A_44] : memref<10240x128xf32, #tpu.memory_space<vmem_shared>> -> memref<10240x128xf32, #tpu.memory_space<vmem_shared>>
        tpu.enqueue_indirect_dma source(%arg9 : memref<80x128xf32, #tpu.memory_space<vmem>>) target(%dma_start3A_45 : memref<10240x128xf32, #tpu.memory_space<vmem_shared>>) offsets(%arg7 : memref<80xi32, #tpu.memory_space<vmem>>) semaphore(%run_scoped3A : memref<!tpu.dma_semaphore, #tpu.memory_space<semaphore_mem>>) {add = true}
        %dma_wait3A_46 = arith.constant 0 : i32
        %dma_wait3A_47 = arith.constant 0 : i32
        %dma_wait3A_48 = tpu.memref_slice %arg6[%dma_wait3A_46, %dma_wait3A_47] : memref<10240x128xf32, #tpu.memory_space<vmem_shared>> -> memref<10240x128xf32, #tpu.memory_space<vmem_shared>>
        tpu.wait_indirect_dma semaphore(%run_scoped3A : memref<!tpu.dma_semaphore, #tpu.memory_space<semaphore_mem>>) src(%arg9 : memref<80x128xf32, #tpu.memory_space<vmem>>) dst(%dma_wait3A_48 : memref<10240x128xf32, #tpu.memory_space<vmem_shared>>)
        tpu.yield
      }) : () -> ()
      %add3A_32 = arith.constant 80 : i32
      %add3A_33 = arith.addi %add3A_28, %add3A_32 : i32
      %dma_wait3A = tpu.memref_slice %arg2[%add3A_33] : memref<325120xi32, #tpu.memory_space<hbm>> -> memref<80xi32, #tpu.memory_space<hbm>>
      %dma_wait3A_34 = tpu.memref_slice %arg2[%add3A_33] : memref<325120xi32, #tpu.memory_space<hbm>> -> memref<80xi32, #tpu.memory_space<hbm>>
      tpu.wait_dma2 semaphore(%arg10 : memref<!tpu.dma_semaphore, #tpu.memory_space<semaphore_mem>>) src(%dma_wait3A_34 : memref<80xi32, #tpu.memory_space<hbm>>) dst(%arg8 : memref<80xi32, #tpu.memory_space<vmem>>)
      %add3A_35 = arith.constant 160 : i32
      %add3A_36 = arith.addi %add3A_28, %add3A_35 : i32
      %dma_start3A_37 = tpu.memref_slice %arg2[%add3A_36] : memref<325120xi32, #tpu.memory_space<hbm>> -> memref<80xi32, #tpu.memory_space<hbm>>
      %dma_start3A_38 = tpu.memref_slice %arg2[%add3A_36] : memref<325120xi32, #tpu.memory_space<hbm>> -> memref<80xi32, #tpu.memory_space<hbm>>
      tpu.enqueue_dma source(%dma_start3A_38 : memref<80xi32, #tpu.memory_space<hbm>>) target(%arg7 : memref<80xi32, #tpu.memory_space<vmem>>) target_semaphore(%arg10 : memref<!tpu.dma_semaphore, #tpu.memory_space<semaphore_mem>>)
      "tpu.region"() ({
        %run_scoped3A = tpu.sem_alloc : memref<!tpu.dma_semaphore, #tpu.memory_space<semaphore_mem>>
        %dma_start3A_43 = arith.constant 0 : i32
        %dma_start3A_44 = arith.constant 0 : i32
        %dma_start3A_45 = tpu.memref_slice %arg6[%dma_start3A_43, %dma_start3A_44] : memref<10240x128xf32, #tpu.memory_space<vmem_shared>> -> memref<10240x128xf32, #tpu.memory_space<vmem_shared>>
        tpu.enqueue_indirect_dma source(%arg9 : memref<80x128xf32, #tpu.memory_space<vmem>>) target(%dma_start3A_45 : memref<10240x128xf32, #tpu.memory_space<vmem_shared>>) offsets(%arg8 : memref<80xi32, #tpu.memory_space<vmem>>) semaphore(%run_scoped3A : memref<!tpu.dma_semaphore, #tpu.memory_space<semaphore_mem>>) {add = true}
        %dma_wait3A_46 = arith.constant 0 : i32
        %dma_wait3A_47 = arith.constant 0 : i32
        %dma_wait3A_48 = tpu.memref_slice %arg6[%dma_wait3A_46, %dma_wait3A_47] : memref<10240x128xf32, #tpu.memory_space<vmem_shared>> -> memref<10240x128xf32, #tpu.memory_space<vmem_shared>>
        tpu.wait_indirect_dma semaphore(%run_scoped3A : memref<!tpu.dma_semaphore, #tpu.memory_space<semaphore_mem>>) src(%arg9 : memref<80x128xf32, #tpu.memory_space<vmem>>) dst(%dma_wait3A_48 : memref<10240x128xf32, #tpu.memory_space<vmem_shared>>)
        tpu.yield
      }) : () -> ()
      %add3A_39 = arith.constant 160 : i32
      %add3A_40 = arith.addi %add3A_28, %add3A_39 : i32
      %dma_wait3A_41 = tpu.memref_slice %arg2[%add3A_40] : memref<325120xi32, #tpu.memory_space<hbm>> -> memref<80xi32, #tpu.memory_space<hbm>>
      %dma_wait3A_42 = tpu.memref_slice %arg2[%add3A_40] : memref<325120xi32, #tpu.memory_space<hbm>> -> memref<80xi32, #tpu.memory_space<hbm>>
      tpu.wait_dma2 semaphore(%arg10 : memref<!tpu.dma_semaphore, #tpu.memory_space<semaphore_mem>>) src(%dma_wait3A_42 : memref<80xi32, #tpu.memory_space<hbm>>) dst(%arg7 : memref<80xi32, #tpu.memory_space<vmem>>)
    }
    %scan3A_15 = arith.constant 63 : i32
    %barrier3A_16 = arith.constant 0 : index
    tpu.barrier barrier_id(%barrier3A_16)
    %scan3A_17 = arith.constant 0 : i32
    %scan3A_18 = arith.constant 0 : i32
    %scan3A_19 = arith.constant 8 : i32
    %scan3A_20 = arith.addi %scan3A_18, %scan3A_19 : i32
    %scan3A_21 = arith.constant 1 : i32
    scf.for %scan3A_23 = %scan3A_18 to %scan3A_20 step %scan3A_21  : i32 {
      %mul3A_24 = arith.constant 80 : i32
      %mul3A_25 = arith.muli %scan3A_23, %mul3A_24 : i32
      %add3A_26 = arith.addi %mul3A_2, %mul3A_25 : i32
      "tpu.region"() ({
        %run_scoped3A = tpu.sem_alloc : memref<!tpu.dma_semaphore, #tpu.memory_space<semaphore_mem>>
        %dma_start3A = arith.constant 0 : i32
        %dma_start3A_27 = tpu.memref_slice %arg6[%add3A_26, %dma_start3A] : memref<10240x128xf32, #tpu.memory_space<vmem_shared>> -> memref<80x128xf32, #tpu.memory_space<vmem_shared>>
        %dma_start3A_28 = arith.constant 0 : i32
        %dma_start3A_29 = tpu.memref_slice %arg6[%add3A_26, %dma_start3A_28] : memref<10240x128xf32, #tpu.memory_space<vmem_shared>> -> memref<80x128xf32, #tpu.memory_space<vmem_shared>>
        tpu.enqueue_dma source(%dma_start3A_29 : memref<80x128xf32, #tpu.memory_space<vmem_shared>>) target(%arg9 : memref<80x128xf32, #tpu.memory_space<vmem>>) target_semaphore(%run_scoped3A : memref<!tpu.dma_semaphore, #tpu.memory_space<semaphore_mem>>)
        %dma_wait3A = arith.constant 0 : i32
        %dma_wait3A_30 = tpu.memref_slice %arg6[%add3A_26, %dma_wait3A] : memref<10240x128xf32, #tpu.memory_space<vmem_shared>> -> memref<80x128xf32, #tpu.memory_space<vmem_shared>>
        %dma_wait3A_31 = arith.constant 0 : i32
        %dma_wait3A_32 = tpu.memref_slice %arg6[%add3A_26, %dma_wait3A_31] : memref<10240x128xf32, #tpu.memory_space<vmem_shared>> -> memref<80x128xf32, #tpu.memory_space<vmem_shared>>
        tpu.wait_dma2 semaphore(%run_scoped3A : memref<!tpu.dma_semaphore, #tpu.memory_space<semaphore_mem>>) src(%dma_wait3A_32 : memref<80x128xf32, #tpu.memory_space<vmem_shared>>) dst(%arg9 : memref<80x128xf32, #tpu.memory_space<vmem>>)
        tpu.yield
      }) : () -> ()
      "tpu.region"() ({
        %run_scoped3A = tpu.sem_alloc : memref<!tpu.dma_semaphore, #tpu.memory_space<semaphore_mem>>
        %dma_start3A = arith.constant 0 : i32
        %dma_start3A_27 = tpu.memref_slice %arg5[%arg0, %add3A_26, %dma_start3A] : memref<2x10240x128xf32, #tpu.memory_space<hbm>> -> memref<1x80x128xf32, #tpu.memory_space<hbm>>
        %dma_start3A_28 = tpu.memref_squeeze %dma_start3A_27 : memref<1x80x128xf32, #tpu.memory_space<hbm>> -> memref<80x128xf32, #tpu.memory_space<hbm>>
        %dma_start3A_29 = arith.constant 0 : i32
        %dma_start3A_30 = tpu.memref_slice %arg5[%arg0, %add3A_26, %dma_start3A_29] : memref<2x10240x128xf32, #tpu.memory_space<hbm>> -> memref<1x80x128xf32, #tpu.memory_space<hbm>>
        %dma_start3A_31 = tpu.memref_squeeze %dma_start3A_30 : memref<1x80x128xf32, #tpu.memory_space<hbm>> -> memref<80x128xf32, #tpu.memory_space<hbm>>
        tpu.enqueue_dma source(%arg9 : memref<80x128xf32, #tpu.memory_space<vmem>>) target(%dma_start3A_31 : memref<80x128xf32, #tpu.memory_space<hbm>>) target_semaphore(%run_scoped3A : memref<!tpu.dma_semaphore, #tpu.memory_space<semaphore_mem>>)
        %dma_wait3A = arith.constant 0 : i32
        %dma_wait3A_32 = tpu.memref_slice %arg5[%arg0, %add3A_26, %dma_wait3A] : memref<2x10240x128xf32, #tpu.memory_space<hbm>> -> memref<1x80x128xf32, #tpu.memory_space<hbm>>
        %dma_wait3A_33 = tpu.memref_squeeze %dma_wait3A_32 : memref<1x80x128xf32, #tpu.memory_space<hbm>> -> memref<80x128xf32, #tpu.memory_space<hbm>>
        %dma_wait3A_34 = arith.constant 0 : i32
        %dma_wait3A_35 = tpu.memref_slice %arg5[%arg0, %add3A_26, %dma_wait3A_34] : memref<2x10240x128xf32, #tpu.memory_space<hbm>> -> memref<1x80x128xf32, #tpu.memory_space<hbm>>
        %dma_wait3A_36 = tpu.memref_squeeze %dma_wait3A_35 : memref<1x80x128xf32, #tpu.memory_space<hbm>> -> memref<80x128xf32, #tpu.memory_space<hbm>>
        tpu.wait_dma2 semaphore(%run_scoped3A : memref<!tpu.dma_semaphore, #tpu.memory_space<semaphore_mem>>) src(%arg9 : memref<80x128xf32, #tpu.memory_space<vmem>>) dst(%dma_wait3A_36 : memref<80x128xf32, #tpu.memory_space<hbm>>)
        tpu.yield
      }) : () -> ()
    }
    %scan3A_22 = arith.constant 8 : i32
    return
  }
}

#map = affine_map<(d0, d1) -> (0, 0)>
#map1 = affine_map<(d0, d1) -> (0)>
#map2 = affine_map<(d0, d1) -> (0, 0, 0)>
module attributes {stable_mosaic.version = 14 : i64} {
  func.func @body(%arg0: i32, %arg1: i32, %arg2: memref<10240x128xf32, #tpu.memory_space<hbm>>, %arg3: memref<325120xi32, #tpu.memory_space<hbm>>, %arg4: memref<325120xi32, #tpu.memory_space<hbm>>, %arg5: memref<10240x128xf32, #tpu.memory_space<hbm>>, %arg6: memref<2x10240x128xf32, #tpu.memory_space<hbm>>, %arg7: memref<10240x128xf32, #tpu.memory_space<vmem_shared>>, %arg8: memref<80xi32, #tpu.memory_space<vmem>>, %arg9: memref<80xi32, #tpu.memory_space<vmem>>, %arg10: memref<80xi32, #tpu.memory_space<vmem>>, %arg11: memref<80xi32, #tpu.memory_space<vmem>>, %arg12: memref<80x128xf32, #tpu.memory_space<vmem>>, %arg13: memref<80x128xf32, #tpu.memory_space<vmem>>, %arg14: memref<!tpu.dma_semaphore, #tpu.memory_space<semaphore_mem>>, %arg15: memref<!tpu.dma_semaphore, #tpu.memory_space<semaphore_mem>>, %arg16: memref<!tpu.dma_semaphore, #tpu.memory_space<semaphore_mem>>, %arg17: memref<!tpu.dma_semaphore, #tpu.memory_space<semaphore_mem>>) attributes {dimension_semantics = [#tpu.dimension_semantics<core_parallel>, #tpu.dimension_semantics<subcore_parallel>], iteration_bounds = array<i64: 2, 16>, scalar_prefetch = 0 : i64, scratch_operands = 11 : i64, tpu.core_type = #tpu.core_type<sc_vector_subcore>, window_params = [{transform_indices = #map}, {transform_indices = #map1}, {transform_indices = #map1}, {transform_indices = #map}, {transform_indices = #map2}]} {
    %mul3A = arith.constant 16 : i32
    %mul3A_0 = arith.muli %arg0, %mul3A : i32
    %add3A = arith.addi %mul3A_0, %arg1 : i32
    %mul3A_1 = arith.constant 640 : i32
    %mul3A_2 = arith.muli %arg1, %mul3A_1 : i32
    "tpu.region"() ({
      %run_scoped3A = tpu.sem_alloc : memref<!tpu.dma_semaphore, #tpu.memory_space<semaphore_mem>>
      %dma_start3A = arith.constant 0 : i32
      %dma_start3A_23 = arith.constant 0 : i32
      %dma_start3A_24 = tpu.memref_slice %arg5[%dma_start3A, %dma_start3A_23] : memref<10240x128xf32, #tpu.memory_space<hbm>> -> memref<80x128xf32, #tpu.memory_space<hbm>>
      %dma_start3A_25 = arith.constant 0 : i32
      %dma_start3A_26 = arith.constant 0 : i32
      %dma_start3A_27 = tpu.memref_slice %arg5[%dma_start3A_25, %dma_start3A_26] : memref<10240x128xf32, #tpu.memory_space<hbm>> -> memref<80x128xf32, #tpu.memory_space<hbm>>
      tpu.enqueue_dma source(%dma_start3A_27 : memref<80x128xf32, #tpu.memory_space<hbm>>) target(%arg12 : memref<80x128xf32, #tpu.memory_space<vmem>>) target_semaphore(%run_scoped3A : memref<!tpu.dma_semaphore, #tpu.memory_space<semaphore_mem>>)
      %dma_wait3A = arith.constant 0 : i32
      %dma_wait3A_28 = arith.constant 0 : i32
      %dma_wait3A_29 = tpu.memref_slice %arg5[%dma_wait3A, %dma_wait3A_28] : memref<10240x128xf32, #tpu.memory_space<hbm>> -> memref<80x128xf32, #tpu.memory_space<hbm>>
      %dma_wait3A_30 = arith.constant 0 : i32
      %dma_wait3A_31 = arith.constant 0 : i32
      %dma_wait3A_32 = tpu.memref_slice %arg5[%dma_wait3A_30, %dma_wait3A_31] : memref<10240x128xf32, #tpu.memory_space<hbm>> -> memref<80x128xf32, #tpu.memory_space<hbm>>
      tpu.wait_dma2 semaphore(%run_scoped3A : memref<!tpu.dma_semaphore, #tpu.memory_space<semaphore_mem>>) src(%dma_wait3A_32 : memref<80x128xf32, #tpu.memory_space<hbm>>) dst(%arg12 : memref<80x128xf32, #tpu.memory_space<vmem>>)
      tpu.yield
    }) : () -> ()
    %scan3A = arith.constant 0 : i32
    %scan3A_3 = arith.constant 0 : i32
    %scan3A_4 = arith.constant 8 : i32
    %scan3A_5 = arith.addi %scan3A_3, %scan3A_4 : i32
    %scan3A_6 = arith.constant 1 : i32
    scf.for %scan3A_23 = %scan3A_3 to %scan3A_5 step %scan3A_6  : i32 {
      %mul3A_24 = arith.constant 80 : i32
      %mul3A_25 = arith.muli %scan3A_23, %mul3A_24 : i32
      %add3A_26 = arith.addi %mul3A_2, %mul3A_25 : i32
      "tpu.region"() ({
        %run_scoped3A = tpu.sem_alloc : memref<!tpu.dma_semaphore, #tpu.memory_space<semaphore_mem>>
        %dma_start3A = arith.constant 0 : i32
        %dma_start3A_27 = tpu.memref_slice %arg7[%add3A_26, %dma_start3A] : memref<10240x128xf32, #tpu.memory_space<vmem_shared>> -> memref<80x128xf32, #tpu.memory_space<vmem_shared>>
        %dma_start3A_28 = arith.constant 0 : i32
        %dma_start3A_29 = tpu.memref_slice %arg7[%add3A_26, %dma_start3A_28] : memref<10240x128xf32, #tpu.memory_space<vmem_shared>> -> memref<80x128xf32, #tpu.memory_space<vmem_shared>>
        tpu.enqueue_dma source(%arg12 : memref<80x128xf32, #tpu.memory_space<vmem>>) target(%dma_start3A_29 : memref<80x128xf32, #tpu.memory_space<vmem_shared>>) target_semaphore(%run_scoped3A : memref<!tpu.dma_semaphore, #tpu.memory_space<semaphore_mem>>)
        %dma_wait3A = arith.constant 0 : i32
        %dma_wait3A_30 = tpu.memref_slice %arg7[%add3A_26, %dma_wait3A] : memref<10240x128xf32, #tpu.memory_space<vmem_shared>> -> memref<80x128xf32, #tpu.memory_space<vmem_shared>>
        %dma_wait3A_31 = arith.constant 0 : i32
        %dma_wait3A_32 = tpu.memref_slice %arg7[%add3A_26, %dma_wait3A_31] : memref<10240x128xf32, #tpu.memory_space<vmem_shared>> -> memref<80x128xf32, #tpu.memory_space<vmem_shared>>
        tpu.wait_dma2 semaphore(%run_scoped3A : memref<!tpu.dma_semaphore, #tpu.memory_space<semaphore_mem>>) src(%arg12 : memref<80x128xf32, #tpu.memory_space<vmem>>) dst(%dma_wait3A_32 : memref<80x128xf32, #tpu.memory_space<vmem_shared>>)
        tpu.yield
      }) : () -> ()
    }
    %scan3A_7 = arith.constant 8 : i32
    %mul3A_8 = arith.constant 10160 : i32
    %mul3A_9 = arith.muli %add3A, %mul3A_8 : i32
    "tpu.region"() ({
      %run_scoped3A = tpu.sem_alloc : memref<!tpu.dma_semaphore, #tpu.memory_space<semaphore_mem>>
      %dma_start3A = tpu.memref_slice %arg3[%mul3A_9] : memref<325120xi32, #tpu.memory_space<hbm>> -> memref<80xi32, #tpu.memory_space<hbm>>
      %dma_start3A_23 = tpu.memref_slice %arg3[%mul3A_9] : memref<325120xi32, #tpu.memory_space<hbm>> -> memref<80xi32, #tpu.memory_space<hbm>>
      tpu.enqueue_dma source(%dma_start3A_23 : memref<80xi32, #tpu.memory_space<hbm>>) target(%arg8 : memref<80xi32, #tpu.memory_space<vmem>>) target_semaphore(%run_scoped3A : memref<!tpu.dma_semaphore, #tpu.memory_space<semaphore_mem>>)
      %dma_wait3A = tpu.memref_slice %arg3[%mul3A_9] : memref<325120xi32, #tpu.memory_space<hbm>> -> memref<80xi32, #tpu.memory_space<hbm>>
      %dma_wait3A_24 = tpu.memref_slice %arg3[%mul3A_9] : memref<325120xi32, #tpu.memory_space<hbm>> -> memref<80xi32, #tpu.memory_space<hbm>>
      tpu.wait_dma2 semaphore(%run_scoped3A : memref<!tpu.dma_semaphore, #tpu.memory_space<semaphore_mem>>) src(%dma_wait3A_24 : memref<80xi32, #tpu.memory_space<hbm>>) dst(%arg8 : memref<80xi32, #tpu.memory_space<vmem>>)
      tpu.yield
    }) : () -> ()
    "tpu.region"() ({
      %run_scoped3A = tpu.sem_alloc : memref<!tpu.dma_semaphore, #tpu.memory_space<semaphore_mem>>
      %dma_start3A = tpu.memref_slice %arg4[%mul3A_9] : memref<325120xi32, #tpu.memory_space<hbm>> -> memref<80xi32, #tpu.memory_space<hbm>>
      %dma_start3A_23 = tpu.memref_slice %arg4[%mul3A_9] : memref<325120xi32, #tpu.memory_space<hbm>> -> memref<80xi32, #tpu.memory_space<hbm>>
      tpu.enqueue_dma source(%dma_start3A_23 : memref<80xi32, #tpu.memory_space<hbm>>) target(%arg9 : memref<80xi32, #tpu.memory_space<vmem>>) target_semaphore(%run_scoped3A : memref<!tpu.dma_semaphore, #tpu.memory_space<semaphore_mem>>)
      %dma_wait3A = tpu.memref_slice %arg4[%mul3A_9] : memref<325120xi32, #tpu.memory_space<hbm>> -> memref<80xi32, #tpu.memory_space<hbm>>
      %dma_wait3A_24 = tpu.memref_slice %arg4[%mul3A_9] : memref<325120xi32, #tpu.memory_space<hbm>> -> memref<80xi32, #tpu.memory_space<hbm>>
      tpu.wait_dma2 semaphore(%run_scoped3A : memref<!tpu.dma_semaphore, #tpu.memory_space<semaphore_mem>>) src(%dma_wait3A_24 : memref<80xi32, #tpu.memory_space<hbm>>) dst(%arg9 : memref<80xi32, #tpu.memory_space<vmem>>)
      tpu.yield
    }) : () -> ()
    %barrier3A = arith.constant 0 : index
    tpu.barrier barrier_id(%barrier3A)
    %scan3A_10 = arith.constant 0 : i32
    %scan3A_11 = arith.constant 0 : i32
    %scan3A_12 = arith.constant 63 : i32
    %scan3A_13 = arith.addi %scan3A_11, %scan3A_12 : i32
    %scan3A_14 = arith.constant 1 : i32
    scf.for %scan3A_23 = %scan3A_11 to %scan3A_13 step %scan3A_14  : i32 {
      %mul3A_24 = arith.constant 2 : i32
      %mul3A_25 = arith.muli %mul3A_24, %scan3A_23 : i32
      %mul3A_26 = arith.constant 80 : i32
      %mul3A_27 = arith.muli %mul3A_25, %mul3A_26 : i32
      %add3A_28 = arith.addi %mul3A_9, %mul3A_27 : i32
      %add3A_29 = arith.constant 80 : i32
      %add3A_30 = arith.addi %add3A_28, %add3A_29 : i32
      %dma_start3A = tpu.memref_slice %arg3[%add3A_30] : memref<325120xi32, #tpu.memory_space<hbm>> -> memref<80xi32, #tpu.memory_space<hbm>>
      %dma_start3A_31 = tpu.memref_slice %arg3[%add3A_30] : memref<325120xi32, #tpu.memory_space<hbm>> -> memref<80xi32, #tpu.memory_space<hbm>>
      tpu.enqueue_dma source(%dma_start3A_31 : memref<80xi32, #tpu.memory_space<hbm>>) target(%arg10 : memref<80xi32, #tpu.memory_space<vmem>>) target_semaphore(%arg17 : memref<!tpu.dma_semaphore, #tpu.memory_space<semaphore_mem>>)
      %add3A_32 = arith.constant 80 : i32
      %add3A_33 = arith.addi %add3A_28, %add3A_32 : i32
      %dma_start3A_34 = tpu.memref_slice %arg4[%add3A_33] : memref<325120xi32, #tpu.memory_space<hbm>> -> memref<80xi32, #tpu.memory_space<hbm>>
      %dma_start3A_35 = tpu.memref_slice %arg4[%add3A_33] : memref<325120xi32, #tpu.memory_space<hbm>> -> memref<80xi32, #tpu.memory_space<hbm>>
      tpu.enqueue_dma source(%dma_start3A_35 : memref<80xi32, #tpu.memory_space<hbm>>) target(%arg11 : memref<80xi32, #tpu.memory_space<vmem>>) target_semaphore(%arg17 : memref<!tpu.dma_semaphore, #tpu.memory_space<semaphore_mem>>)
      %dma_start3A_36 = arith.constant 0 : i32
      %dma_start3A_37 = arith.constant 0 : i32
      %dma_start3A_38 = tpu.memref_slice %arg2[%dma_start3A_36, %dma_start3A_37] : memref<10240x128xf32, #tpu.memory_space<hbm>> -> memref<10240x128xf32, #tpu.memory_space<hbm>>
      tpu.enqueue_indirect_dma source(%dma_start3A_38 : memref<10240x128xf32, #tpu.memory_space<hbm>>) target(%arg12 : memref<80x128xf32, #tpu.memory_space<vmem>>) offsets(%arg8 : memref<80xi32, #tpu.memory_space<vmem>>) semaphore(%arg14 : memref<!tpu.dma_semaphore, #tpu.memory_space<semaphore_mem>>)
      %dma_wait3A = arith.constant 0 : i32
      %dma_wait3A_39 = arith.constant 0 : i32
      %dma_wait3A_40 = tpu.memref_slice %arg2[%dma_wait3A, %dma_wait3A_39] : memref<10240x128xf32, #tpu.memory_space<hbm>> -> memref<10240x128xf32, #tpu.memory_space<hbm>>
      tpu.wait_indirect_dma semaphore(%arg14 : memref<!tpu.dma_semaphore, #tpu.memory_space<semaphore_mem>>) src(%dma_wait3A_40 : memref<10240x128xf32, #tpu.memory_space<hbm>>) dst(%arg12 : memref<80x128xf32, #tpu.memory_space<vmem>>)
      "tpu.region"() ({
        %run_scoped3A = tpu.sem_alloc : memref<!tpu.dma_semaphore, #tpu.memory_space<semaphore_mem>>
        %dma_start3A_63 = arith.constant 0 : i32
        %dma_start3A_64 = arith.constant 0 : i32
        %dma_start3A_65 = tpu.memref_slice %arg7[%dma_start3A_63, %dma_start3A_64] : memref<10240x128xf32, #tpu.memory_space<vmem_shared>> -> memref<10240x128xf32, #tpu.memory_space<vmem_shared>>
        tpu.enqueue_indirect_dma source(%arg12 : memref<80x128xf32, #tpu.memory_space<vmem>>) target(%dma_start3A_65 : memref<10240x128xf32, #tpu.memory_space<vmem_shared>>) offsets(%arg9 : memref<80xi32, #tpu.memory_space<vmem>>) semaphore(%run_scoped3A : memref<!tpu.dma_semaphore, #tpu.memory_space<semaphore_mem>>) {add = true}
        %dma_wait3A_66 = arith.constant 0 : i32
        %dma_wait3A_67 = arith.constant 0 : i32
        %dma_wait3A_68 = tpu.memref_slice %arg7[%dma_wait3A_66, %dma_wait3A_67] : memref<10240x128xf32, #tpu.memory_space<vmem_shared>> -> memref<10240x128xf32, #tpu.memory_space<vmem_shared>>
        tpu.wait_indirect_dma semaphore(%run_scoped3A : memref<!tpu.dma_semaphore, #tpu.memory_space<semaphore_mem>>) src(%arg12 : memref<80x128xf32, #tpu.memory_space<vmem>>) dst(%dma_wait3A_68 : memref<10240x128xf32, #tpu.memory_space<vmem_shared>>)
        tpu.yield
      }) : () -> ()
      %dma_wait3A_41 = tpu.memref_slice %arg3[%add3A_28] : memref<325120xi32, #tpu.memory_space<hbm>> -> memref<80xi32, #tpu.memory_space<hbm>>
      %dma_wait3A_42 = tpu.memref_slice %arg3[%add3A_28] : memref<325120xi32, #tpu.memory_space<hbm>> -> memref<80xi32, #tpu.memory_space<hbm>>
      tpu.wait_dma2 semaphore(%arg17 : memref<!tpu.dma_semaphore, #tpu.memory_space<semaphore_mem>>) src(%dma_wait3A_42 : memref<80xi32, #tpu.memory_space<hbm>>) dst(%arg10 : memref<80xi32, #tpu.memory_space<vmem>>)
      %dma_wait3A_43 = tpu.memref_slice %arg3[%add3A_28] : memref<325120xi32, #tpu.memory_space<hbm>> -> memref<80xi32, #tpu.memory_space<hbm>>
      %dma_wait3A_44 = tpu.memref_slice %arg3[%add3A_28] : memref<325120xi32, #tpu.memory_space<hbm>> -> memref<80xi32, #tpu.memory_space<hbm>>
      tpu.wait_dma2 semaphore(%arg17 : memref<!tpu.dma_semaphore, #tpu.memory_space<semaphore_mem>>) src(%dma_wait3A_44 : memref<80xi32, #tpu.memory_space<hbm>>) dst(%arg11 : memref<80xi32, #tpu.memory_space<vmem>>)
      %add3A_45 = arith.constant 160 : i32
      %add3A_46 = arith.addi %add3A_28, %add3A_45 : i32
      %dma_start3A_47 = tpu.memref_slice %arg3[%add3A_46] : memref<325120xi32, #tpu.memory_space<hbm>> -> memref<80xi32, #tpu.memory_space<hbm>>
      %dma_start3A_48 = tpu.memref_slice %arg3[%add3A_46] : memref<325120xi32, #tpu.memory_space<hbm>> -> memref<80xi32, #tpu.memory_space<hbm>>
      tpu.enqueue_dma source(%dma_start3A_48 : memref<80xi32, #tpu.memory_space<hbm>>) target(%arg8 : memref<80xi32, #tpu.memory_space<vmem>>) target_semaphore(%arg16 : memref<!tpu.dma_semaphore, #tpu.memory_space<semaphore_mem>>)
      %add3A_49 = arith.constant 160 : i32
      %add3A_50 = arith.addi %add3A_28, %add3A_49 : i32
      %dma_start3A_51 = tpu.memref_slice %arg4[%add3A_50] : memref<325120xi32, #tpu.memory_space<hbm>> -> memref<80xi32, #tpu.memory_space<hbm>>
      %dma_start3A_52 = tpu.memref_slice %arg4[%add3A_50] : memref<325120xi32, #tpu.memory_space<hbm>> -> memref<80xi32, #tpu.memory_space<hbm>>
      tpu.enqueue_dma source(%dma_start3A_52 : memref<80xi32, #tpu.memory_space<hbm>>) target(%arg9 : memref<80xi32, #tpu.memory_space<vmem>>) target_semaphore(%arg16 : memref<!tpu.dma_semaphore, #tpu.memory_space<semaphore_mem>>)
      %dma_start3A_53 = arith.constant 0 : i32
      %dma_start3A_54 = arith.constant 0 : i32
      %dma_start3A_55 = tpu.memref_slice %arg2[%dma_start3A_53, %dma_start3A_54] : memref<10240x128xf32, #tpu.memory_space<hbm>> -> memref<10240x128xf32, #tpu.memory_space<hbm>>
      tpu.enqueue_indirect_dma source(%dma_start3A_55 : memref<10240x128xf32, #tpu.memory_space<hbm>>) target(%arg13 : memref<80x128xf32, #tpu.memory_space<vmem>>) offsets(%arg10 : memref<80xi32, #tpu.memory_space<vmem>>) semaphore(%arg15 : memref<!tpu.dma_semaphore, #tpu.memory_space<semaphore_mem>>)
      %dma_wait3A_56 = arith.constant 0 : i32
      %dma_wait3A_57 = arith.constant 0 : i32
      %dma_wait3A_58 = tpu.memref_slice %arg2[%dma_wait3A_56, %dma_wait3A_57] : memref<10240x128xf32, #tpu.memory_space<hbm>> -> memref<10240x128xf32, #tpu.memory_space<hbm>>
      tpu.wait_indirect_dma semaphore(%arg15 : memref<!tpu.dma_semaphore, #tpu.memory_space<semaphore_mem>>) src(%dma_wait3A_58 : memref<10240x128xf32, #tpu.memory_space<hbm>>) dst(%arg13 : memref<80x128xf32, #tpu.memory_space<vmem>>)
      "tpu.region"() ({
        %run_scoped3A = tpu.sem_alloc : memref<!tpu.dma_semaphore, #tpu.memory_space<semaphore_mem>>
        %dma_start3A_63 = arith.constant 0 : i32
        %dma_start3A_64 = arith.constant 0 : i32
        %dma_start3A_65 = tpu.memref_slice %arg7[%dma_start3A_63, %dma_start3A_64] : memref<10240x128xf32, #tpu.memory_space<vmem_shared>> -> memref<10240x128xf32, #tpu.memory_space<vmem_shared>>
        tpu.enqueue_indirect_dma source(%arg13 : memref<80x128xf32, #tpu.memory_space<vmem>>) target(%dma_start3A_65 : memref<10240x128xf32, #tpu.memory_space<vmem_shared>>) offsets(%arg11 : memref<80xi32, #tpu.memory_space<vmem>>) semaphore(%run_scoped3A : memref<!tpu.dma_semaphore, #tpu.memory_space<semaphore_mem>>) {add = true}
        %dma_wait3A_66 = arith.constant 0 : i32
        %dma_wait3A_67 = arith.constant 0 : i32
        %dma_wait3A_68 = tpu.memref_slice %arg7[%dma_wait3A_66, %dma_wait3A_67] : memref<10240x128xf32, #tpu.memory_space<vmem_shared>> -> memref<10240x128xf32, #tpu.memory_space<vmem_shared>>
        tpu.wait_indirect_dma semaphore(%run_scoped3A : memref<!tpu.dma_semaphore, #tpu.memory_space<semaphore_mem>>) src(%arg13 : memref<80x128xf32, #tpu.memory_space<vmem>>) dst(%dma_wait3A_68 : memref<10240x128xf32, #tpu.memory_space<vmem_shared>>)
        tpu.yield
      }) : () -> ()
      %dma_wait3A_59 = tpu.memref_slice %arg3[%add3A_28] : memref<325120xi32, #tpu.memory_space<hbm>> -> memref<80xi32, #tpu.memory_space<hbm>>
      %dma_wait3A_60 = tpu.memref_slice %arg3[%add3A_28] : memref<325120xi32, #tpu.memory_space<hbm>> -> memref<80xi32, #tpu.memory_space<hbm>>
      tpu.wait_dma2 semaphore(%arg16 : memref<!tpu.dma_semaphore, #tpu.memory_space<semaphore_mem>>) src(%dma_wait3A_60 : memref<80xi32, #tpu.memory_space<hbm>>) dst(%arg8 : memref<80xi32, #tpu.memory_space<vmem>>)
      %dma_wait3A_61 = tpu.memref_slice %arg3[%add3A_28] : memref<325120xi32, #tpu.memory_space<hbm>> -> memref<80xi32, #tpu.memory_space<hbm>>
      %dma_wait3A_62 = tpu.memref_slice %arg3[%add3A_28] : memref<325120xi32, #tpu.memory_space<hbm>> -> memref<80xi32, #tpu.memory_space<hbm>>
      tpu.wait_dma2 semaphore(%arg16 : memref<!tpu.dma_semaphore, #tpu.memory_space<semaphore_mem>>) src(%dma_wait3A_62 : memref<80xi32, #tpu.memory_space<hbm>>) dst(%arg9 : memref<80xi32, #tpu.memory_space<vmem>>)
    }
    %scan3A_15 = arith.constant 63 : i32
    %barrier3A_16 = arith.constant 0 : index
    tpu.barrier barrier_id(%barrier3A_16)
    %scan3A_17 = arith.constant 0 : i32
    %scan3A_18 = arith.constant 0 : i32
    %scan3A_19 = arith.constant 8 : i32
    %scan3A_20 = arith.addi %scan3A_18, %scan3A_19 : i32
    %scan3A_21 = arith.constant 1 : i32
    scf.for %scan3A_23 = %scan3A_18 to %scan3A_20 step %scan3A_21  : i32 {
      %mul3A_24 = arith.constant 80 : i32
      %mul3A_25 = arith.muli %scan3A_23, %mul3A_24 : i32
      %add3A_26 = arith.addi %mul3A_2, %mul3A_25 : i32
      "tpu.region"() ({
        %run_scoped3A = tpu.sem_alloc : memref<!tpu.dma_semaphore, #tpu.memory_space<semaphore_mem>>
        %dma_start3A = arith.constant 0 : i32
        %dma_start3A_27 = tpu.memref_slice %arg7[%add3A_26, %dma_start3A] : memref<10240x128xf32, #tpu.memory_space<vmem_shared>> -> memref<80x128xf32, #tpu.memory_space<vmem_shared>>
        %dma_start3A_28 = arith.constant 0 : i32
        %dma_start3A_29 = tpu.memref_slice %arg7[%add3A_26, %dma_start3A_28] : memref<10240x128xf32, #tpu.memory_space<vmem_shared>> -> memref<80x128xf32, #tpu.memory_space<vmem_shared>>
        tpu.enqueue_dma source(%dma_start3A_29 : memref<80x128xf32, #tpu.memory_space<vmem_shared>>) target(%arg12 : memref<80x128xf32, #tpu.memory_space<vmem>>) target_semaphore(%run_scoped3A : memref<!tpu.dma_semaphore, #tpu.memory_space<semaphore_mem>>)
        %dma_wait3A = arith.constant 0 : i32
        %dma_wait3A_30 = tpu.memref_slice %arg7[%add3A_26, %dma_wait3A] : memref<10240x128xf32, #tpu.memory_space<vmem_shared>> -> memref<80x128xf32, #tpu.memory_space<vmem_shared>>
        %dma_wait3A_31 = arith.constant 0 : i32
        %dma_wait3A_32 = tpu.memref_slice %arg7[%add3A_26, %dma_wait3A_31] : memref<10240x128xf32, #tpu.memory_space<vmem_shared>> -> memref<80x128xf32, #tpu.memory_space<vmem_shared>>
        tpu.wait_dma2 semaphore(%run_scoped3A : memref<!tpu.dma_semaphore, #tpu.memory_space<semaphore_mem>>) src(%dma_wait3A_32 : memref<80x128xf32, #tpu.memory_space<vmem_shared>>) dst(%arg12 : memref<80x128xf32, #tpu.memory_space<vmem>>)
        tpu.yield
      }) : () -> ()
      "tpu.region"() ({
        %run_scoped3A = tpu.sem_alloc : memref<!tpu.dma_semaphore, #tpu.memory_space<semaphore_mem>>
        %dma_start3A = arith.constant 0 : i32
        %dma_start3A_27 = tpu.memref_slice %arg6[%arg0, %add3A_26, %dma_start3A] : memref<2x10240x128xf32, #tpu.memory_space<hbm>> -> memref<1x80x128xf32, #tpu.memory_space<hbm>>
        %dma_start3A_28 = tpu.memref_squeeze %dma_start3A_27 : memref<1x80x128xf32, #tpu.memory_space<hbm>> -> memref<80x128xf32, #tpu.memory_space<hbm>>
        %dma_start3A_29 = arith.constant 0 : i32
        %dma_start3A_30 = tpu.memref_slice %arg6[%arg0, %add3A_26, %dma_start3A_29] : memref<2x10240x128xf32, #tpu.memory_space<hbm>> -> memref<1x80x128xf32, #tpu.memory_space<hbm>>
        %dma_start3A_31 = tpu.memref_squeeze %dma_start3A_30 : memref<1x80x128xf32, #tpu.memory_space<hbm>> -> memref<80x128xf32, #tpu.memory_space<hbm>>
        tpu.enqueue_dma source(%arg12 : memref<80x128xf32, #tpu.memory_space<vmem>>) target(%dma_start3A_31 : memref<80x128xf32, #tpu.memory_space<hbm>>) target_semaphore(%run_scoped3A : memref<!tpu.dma_semaphore, #tpu.memory_space<semaphore_mem>>)
        %dma_wait3A = arith.constant 0 : i32
        %dma_wait3A_32 = tpu.memref_slice %arg6[%arg0, %add3A_26, %dma_wait3A] : memref<2x10240x128xf32, #tpu.memory_space<hbm>> -> memref<1x80x128xf32, #tpu.memory_space<hbm>>
        %dma_wait3A_33 = tpu.memref_squeeze %dma_wait3A_32 : memref<1x80x128xf32, #tpu.memory_space<hbm>> -> memref<80x128xf32, #tpu.memory_space<hbm>>
        %dma_wait3A_34 = arith.constant 0 : i32
        %dma_wait3A_35 = tpu.memref_slice %arg6[%arg0, %add3A_26, %dma_wait3A_34] : memref<2x10240x128xf32, #tpu.memory_space<hbm>> -> memref<1x80x128xf32, #tpu.memory_space<hbm>>
        %dma_wait3A_36 = tpu.memref_squeeze %dma_wait3A_35 : memref<1x80x128xf32, #tpu.memory_space<hbm>> -> memref<80x128xf32, #tpu.memory_space<hbm>>
        tpu.wait_dma2 semaphore(%run_scoped3A : memref<!tpu.dma_semaphore, #tpu.memory_space<semaphore_mem>>) src(%arg12 : memref<80x128xf32, #tpu.memory_space<vmem>>) dst(%dma_wait3A_36 : memref<80x128xf32, #tpu.memory_space<hbm>>)
        tpu.yield
      }) : () -> ()
    }
    %scan3A_22 = arith.constant 8 : i32
    return
  }
}

#map = affine_map<(d0, d1) -> (0, 0)>
#map1 = affine_map<(d0, d1) -> (0)>
#map2 = affine_map<(d0, d1) -> (0, 0, 0)>
module attributes {stable_mosaic.version = 14 : i64} {
  func.func @body(%arg0: i32, %arg1: i32, %arg2: memref<10240x128xf32, #tpu.memory_space<hbm>>, %arg3: memref<325120xi32, #tpu.memory_space<hbm>>, %arg4: memref<325120xi32, #tpu.memory_space<hbm>>, %arg5: memref<10240x128xf32, #tpu.memory_space<hbm>>, %arg6: memref<2x10240x128xf32, #tpu.memory_space<hbm>>, %arg7: memref<10240x128xf32, #tpu.memory_space<vmem_shared>>, %arg8: memref<80xi32, #tpu.memory_space<vmem>>, %arg9: memref<80xi32, #tpu.memory_space<vmem>>, %arg10: memref<80xi32, #tpu.memory_space<vmem>>, %arg11: memref<80xi32, #tpu.memory_space<vmem>>, %arg12: memref<80x128xf32, #tpu.memory_space<vmem>>, %arg13: memref<80x128xf32, #tpu.memory_space<vmem>>, %arg14: memref<!tpu.dma_semaphore, #tpu.memory_space<semaphore_mem>>, %arg15: memref<!tpu.dma_semaphore, #tpu.memory_space<semaphore_mem>>, %arg16: memref<!tpu.dma_semaphore, #tpu.memory_space<semaphore_mem>>, %arg17: memref<!tpu.dma_semaphore, #tpu.memory_space<semaphore_mem>>) attributes {dimension_semantics = [#tpu.dimension_semantics<core_parallel>, #tpu.dimension_semantics<subcore_parallel>], iteration_bounds = array<i64: 2, 16>, scalar_prefetch = 0 : i64, scratch_operands = 11 : i64, tpu.core_type = #tpu.core_type<sc_vector_subcore>, window_params = [{transform_indices = #map}, {transform_indices = #map1}, {transform_indices = #map1}, {transform_indices = #map}, {transform_indices = #map2}]} {
    %mul3A = arith.constant 16 : i32
    %mul3A_0 = arith.muli %arg0, %mul3A : i32
    %add3A = arith.addi %mul3A_0, %arg1 : i32
    %mul3A_1 = arith.constant 640 : i32
    %mul3A_2 = arith.muli %arg1, %mul3A_1 : i32
    "tpu.region"() ({
      %run_scoped3A = tpu.sem_alloc : memref<!tpu.dma_semaphore, #tpu.memory_space<semaphore_mem>>
      %dma_start3A = arith.constant 0 : i32
      %dma_start3A_23 = arith.constant 0 : i32
      %dma_start3A_24 = tpu.memref_slice %arg5[%dma_start3A, %dma_start3A_23] : memref<10240x128xf32, #tpu.memory_space<hbm>> -> memref<80x128xf32, #tpu.memory_space<hbm>>
      %dma_start3A_25 = arith.constant 0 : i32
      %dma_start3A_26 = arith.constant 0 : i32
      %dma_start3A_27 = tpu.memref_slice %arg5[%dma_start3A_25, %dma_start3A_26] : memref<10240x128xf32, #tpu.memory_space<hbm>> -> memref<80x128xf32, #tpu.memory_space<hbm>>
      tpu.enqueue_dma source(%dma_start3A_27 : memref<80x128xf32, #tpu.memory_space<hbm>>) target(%arg12 : memref<80x128xf32, #tpu.memory_space<vmem>>) target_semaphore(%run_scoped3A : memref<!tpu.dma_semaphore, #tpu.memory_space<semaphore_mem>>)
      %dma_wait3A = arith.constant 0 : i32
      %dma_wait3A_28 = arith.constant 0 : i32
      %dma_wait3A_29 = tpu.memref_slice %arg5[%dma_wait3A, %dma_wait3A_28] : memref<10240x128xf32, #tpu.memory_space<hbm>> -> memref<80x128xf32, #tpu.memory_space<hbm>>
      %dma_wait3A_30 = arith.constant 0 : i32
      %dma_wait3A_31 = arith.constant 0 : i32
      %dma_wait3A_32 = tpu.memref_slice %arg5[%dma_wait3A_30, %dma_wait3A_31] : memref<10240x128xf32, #tpu.memory_space<hbm>> -> memref<80x128xf32, #tpu.memory_space<hbm>>
      tpu.wait_dma2 semaphore(%run_scoped3A : memref<!tpu.dma_semaphore, #tpu.memory_space<semaphore_mem>>) src(%dma_wait3A_32 : memref<80x128xf32, #tpu.memory_space<hbm>>) dst(%arg12 : memref<80x128xf32, #tpu.memory_space<vmem>>)
      tpu.yield
    }) : () -> ()
    %scan3A = arith.constant 0 : i32
    %scan3A_3 = arith.constant 0 : i32
    %scan3A_4 = arith.constant 8 : i32
    %scan3A_5 = arith.addi %scan3A_3, %scan3A_4 : i32
    %scan3A_6 = arith.constant 1 : i32
    scf.for %scan3A_23 = %scan3A_3 to %scan3A_5 step %scan3A_6  : i32 {
      %mul3A_24 = arith.constant 80 : i32
      %mul3A_25 = arith.muli %scan3A_23, %mul3A_24 : i32
      %add3A_26 = arith.addi %mul3A_2, %mul3A_25 : i32
      "tpu.region"() ({
        %run_scoped3A = tpu.sem_alloc : memref<!tpu.dma_semaphore, #tpu.memory_space<semaphore_mem>>
        %dma_start3A = arith.constant 0 : i32
        %dma_start3A_27 = tpu.memref_slice %arg7[%add3A_26, %dma_start3A] : memref<10240x128xf32, #tpu.memory_space<vmem_shared>> -> memref<80x128xf32, #tpu.memory_space<vmem_shared>>
        %dma_start3A_28 = arith.constant 0 : i32
        %dma_start3A_29 = tpu.memref_slice %arg7[%add3A_26, %dma_start3A_28] : memref<10240x128xf32, #tpu.memory_space<vmem_shared>> -> memref<80x128xf32, #tpu.memory_space<vmem_shared>>
        tpu.enqueue_dma source(%arg12 : memref<80x128xf32, #tpu.memory_space<vmem>>) target(%dma_start3A_29 : memref<80x128xf32, #tpu.memory_space<vmem_shared>>) target_semaphore(%run_scoped3A : memref<!tpu.dma_semaphore, #tpu.memory_space<semaphore_mem>>)
        %dma_wait3A = arith.constant 0 : i32
        %dma_wait3A_30 = tpu.memref_slice %arg7[%add3A_26, %dma_wait3A] : memref<10240x128xf32, #tpu.memory_space<vmem_shared>> -> memref<80x128xf32, #tpu.memory_space<vmem_shared>>
        %dma_wait3A_31 = arith.constant 0 : i32
        %dma_wait3A_32 = tpu.memref_slice %arg7[%add3A_26, %dma_wait3A_31] : memref<10240x128xf32, #tpu.memory_space<vmem_shared>> -> memref<80x128xf32, #tpu.memory_space<vmem_shared>>
        tpu.wait_dma2 semaphore(%run_scoped3A : memref<!tpu.dma_semaphore, #tpu.memory_space<semaphore_mem>>) src(%arg12 : memref<80x128xf32, #tpu.memory_space<vmem>>) dst(%dma_wait3A_32 : memref<80x128xf32, #tpu.memory_space<vmem_shared>>)
        tpu.yield
      }) : () -> ()
    }
    %scan3A_7 = arith.constant 8 : i32
    %mul3A_8 = arith.constant 10160 : i32
    %mul3A_9 = arith.muli %add3A, %mul3A_8 : i32
    "tpu.region"() ({
      %run_scoped3A = tpu.sem_alloc : memref<!tpu.dma_semaphore, #tpu.memory_space<semaphore_mem>>
      %dma_start3A = tpu.memref_slice %arg3[%mul3A_9] : memref<325120xi32, #tpu.memory_space<hbm>> -> memref<80xi32, #tpu.memory_space<hbm>>
      %dma_start3A_23 = tpu.memref_slice %arg3[%mul3A_9] : memref<325120xi32, #tpu.memory_space<hbm>> -> memref<80xi32, #tpu.memory_space<hbm>>
      tpu.enqueue_dma source(%dma_start3A_23 : memref<80xi32, #tpu.memory_space<hbm>>) target(%arg8 : memref<80xi32, #tpu.memory_space<vmem>>) target_semaphore(%run_scoped3A : memref<!tpu.dma_semaphore, #tpu.memory_space<semaphore_mem>>)
      %dma_wait3A = tpu.memref_slice %arg3[%mul3A_9] : memref<325120xi32, #tpu.memory_space<hbm>> -> memref<80xi32, #tpu.memory_space<hbm>>
      %dma_wait3A_24 = tpu.memref_slice %arg3[%mul3A_9] : memref<325120xi32, #tpu.memory_space<hbm>> -> memref<80xi32, #tpu.memory_space<hbm>>
      tpu.wait_dma2 semaphore(%run_scoped3A : memref<!tpu.dma_semaphore, #tpu.memory_space<semaphore_mem>>) src(%dma_wait3A_24 : memref<80xi32, #tpu.memory_space<hbm>>) dst(%arg8 : memref<80xi32, #tpu.memory_space<vmem>>)
      tpu.yield
    }) : () -> ()
    "tpu.region"() ({
      %run_scoped3A = tpu.sem_alloc : memref<!tpu.dma_semaphore, #tpu.memory_space<semaphore_mem>>
      %dma_start3A = tpu.memref_slice %arg4[%mul3A_9] : memref<325120xi32, #tpu.memory_space<hbm>> -> memref<80xi32, #tpu.memory_space<hbm>>
      %dma_start3A_23 = tpu.memref_slice %arg4[%mul3A_9] : memref<325120xi32, #tpu.memory_space<hbm>> -> memref<80xi32, #tpu.memory_space<hbm>>
      tpu.enqueue_dma source(%dma_start3A_23 : memref<80xi32, #tpu.memory_space<hbm>>) target(%arg9 : memref<80xi32, #tpu.memory_space<vmem>>) target_semaphore(%run_scoped3A : memref<!tpu.dma_semaphore, #tpu.memory_space<semaphore_mem>>)
      %dma_wait3A = tpu.memref_slice %arg4[%mul3A_9] : memref<325120xi32, #tpu.memory_space<hbm>> -> memref<80xi32, #tpu.memory_space<hbm>>
      %dma_wait3A_24 = tpu.memref_slice %arg4[%mul3A_9] : memref<325120xi32, #tpu.memory_space<hbm>> -> memref<80xi32, #tpu.memory_space<hbm>>
      tpu.wait_dma2 semaphore(%run_scoped3A : memref<!tpu.dma_semaphore, #tpu.memory_space<semaphore_mem>>) src(%dma_wait3A_24 : memref<80xi32, #tpu.memory_space<hbm>>) dst(%arg9 : memref<80xi32, #tpu.memory_space<vmem>>)
      tpu.yield
    }) : () -> ()
    %barrier3A = arith.constant 0 : index
    tpu.barrier barrier_id(%barrier3A)
    %scan3A_10 = arith.constant 0 : i32
    %scan3A_11 = arith.constant 0 : i32
    %scan3A_12 = arith.constant 63 : i32
    %scan3A_13 = arith.addi %scan3A_11, %scan3A_12 : i32
    %scan3A_14 = arith.constant 1 : i32
    scf.for %scan3A_23 = %scan3A_11 to %scan3A_13 step %scan3A_14  : i32 {
      %mul3A_24 = arith.constant 2 : i32
      %mul3A_25 = arith.muli %mul3A_24, %scan3A_23 : i32
      %mul3A_26 = arith.constant 80 : i32
      %mul3A_27 = arith.muli %mul3A_25, %mul3A_26 : i32
      %add3A_28 = arith.addi %mul3A_9, %mul3A_27 : i32
      %add3A_29 = arith.constant 80 : i32
      %add3A_30 = arith.addi %add3A_28, %add3A_29 : i32
      %dma_start3A = tpu.memref_slice %arg3[%add3A_30] : memref<325120xi32, #tpu.memory_space<hbm>> -> memref<80xi32, #tpu.memory_space<hbm>>
      %dma_start3A_31 = tpu.memref_slice %arg3[%add3A_30] : memref<325120xi32, #tpu.memory_space<hbm>> -> memref<80xi32, #tpu.memory_space<hbm>>
      tpu.enqueue_dma source(%dma_start3A_31 : memref<80xi32, #tpu.memory_space<hbm>>) target(%arg10 : memref<80xi32, #tpu.memory_space<vmem>>) target_semaphore(%arg17 : memref<!tpu.dma_semaphore, #tpu.memory_space<semaphore_mem>>)
      %add3A_32 = arith.constant 80 : i32
      %add3A_33 = arith.addi %add3A_28, %add3A_32 : i32
      %dma_start3A_34 = tpu.memref_slice %arg4[%add3A_33] : memref<325120xi32, #tpu.memory_space<hbm>> -> memref<80xi32, #tpu.memory_space<hbm>>
      %dma_start3A_35 = tpu.memref_slice %arg4[%add3A_33] : memref<325120xi32, #tpu.memory_space<hbm>> -> memref<80xi32, #tpu.memory_space<hbm>>
      tpu.enqueue_dma source(%dma_start3A_35 : memref<80xi32, #tpu.memory_space<hbm>>) target(%arg11 : memref<80xi32, #tpu.memory_space<vmem>>) target_semaphore(%arg17 : memref<!tpu.dma_semaphore, #tpu.memory_space<semaphore_mem>>)
      %dma_start3A_36 = arith.constant 0 : i32
      %dma_start3A_37 = arith.constant 0 : i32
      %dma_start3A_38 = tpu.memref_slice %arg2[%dma_start3A_36, %dma_start3A_37] : memref<10240x128xf32, #tpu.memory_space<hbm>> -> memref<10240x128xf32, #tpu.memory_space<hbm>>
      tpu.enqueue_indirect_dma source(%dma_start3A_38 : memref<10240x128xf32, #tpu.memory_space<hbm>>) target(%arg12 : memref<80x128xf32, #tpu.memory_space<vmem>>) offsets(%arg8 : memref<80xi32, #tpu.memory_space<vmem>>) semaphore(%arg14 : memref<!tpu.dma_semaphore, #tpu.memory_space<semaphore_mem>>)
      %dma_wait3A = arith.constant 0 : i32
      %dma_wait3A_39 = arith.constant 0 : i32
      %dma_wait3A_40 = tpu.memref_slice %arg2[%dma_wait3A, %dma_wait3A_39] : memref<10240x128xf32, #tpu.memory_space<hbm>> -> memref<10240x128xf32, #tpu.memory_space<hbm>>
      tpu.wait_indirect_dma semaphore(%arg14 : memref<!tpu.dma_semaphore, #tpu.memory_space<semaphore_mem>>) src(%dma_wait3A_40 : memref<10240x128xf32, #tpu.memory_space<hbm>>) dst(%arg12 : memref<80x128xf32, #tpu.memory_space<vmem>>)
      "tpu.region"() ({
        %run_scoped3A = tpu.sem_alloc : memref<!tpu.dma_semaphore, #tpu.memory_space<semaphore_mem>>
        %dma_start3A_63 = arith.constant 0 : i32
        %dma_start3A_64 = arith.constant 0 : i32
        %dma_start3A_65 = tpu.memref_slice %arg7[%dma_start3A_63, %dma_start3A_64] : memref<10240x128xf32, #tpu.memory_space<vmem_shared>> -> memref<10240x128xf32, #tpu.memory_space<vmem_shared>>
        tpu.enqueue_indirect_dma source(%arg12 : memref<80x128xf32, #tpu.memory_space<vmem>>) target(%dma_start3A_65 : memref<10240x128xf32, #tpu.memory_space<vmem_shared>>) offsets(%arg9 : memref<80xi32, #tpu.memory_space<vmem>>) semaphore(%run_scoped3A : memref<!tpu.dma_semaphore, #tpu.memory_space<semaphore_mem>>) {add = true}
        %dma_wait3A_66 = arith.constant 0 : i32
        %dma_wait3A_67 = arith.constant 0 : i32
        %dma_wait3A_68 = tpu.memref_slice %arg7[%dma_wait3A_66, %dma_wait3A_67] : memref<10240x128xf32, #tpu.memory_space<vmem_shared>> -> memref<10240x128xf32, #tpu.memory_space<vmem_shared>>
        tpu.wait_indirect_dma semaphore(%run_scoped3A : memref<!tpu.dma_semaphore, #tpu.memory_space<semaphore_mem>>) src(%arg12 : memref<80x128xf32, #tpu.memory_space<vmem>>) dst(%dma_wait3A_68 : memref<10240x128xf32, #tpu.memory_space<vmem_shared>>)
        tpu.yield
      }) : () -> ()
      %dma_wait3A_41 = tpu.memref_slice %arg3[%add3A_28] : memref<325120xi32, #tpu.memory_space<hbm>> -> memref<80xi32, #tpu.memory_space<hbm>>
      %dma_wait3A_42 = tpu.memref_slice %arg3[%add3A_28] : memref<325120xi32, #tpu.memory_space<hbm>> -> memref<80xi32, #tpu.memory_space<hbm>>
      tpu.wait_dma2 semaphore(%arg17 : memref<!tpu.dma_semaphore, #tpu.memory_space<semaphore_mem>>) src(%dma_wait3A_42 : memref<80xi32, #tpu.memory_space<hbm>>) dst(%arg10 : memref<80xi32, #tpu.memory_space<vmem>>)
      %dma_wait3A_43 = tpu.memref_slice %arg3[%add3A_28] : memref<325120xi32, #tpu.memory_space<hbm>> -> memref<80xi32, #tpu.memory_space<hbm>>
      %dma_wait3A_44 = tpu.memref_slice %arg3[%add3A_28] : memref<325120xi32, #tpu.memory_space<hbm>> -> memref<80xi32, #tpu.memory_space<hbm>>
      tpu.wait_dma2 semaphore(%arg17 : memref<!tpu.dma_semaphore, #tpu.memory_space<semaphore_mem>>) src(%dma_wait3A_44 : memref<80xi32, #tpu.memory_space<hbm>>) dst(%arg11 : memref<80xi32, #tpu.memory_space<vmem>>)
      %add3A_45 = arith.constant 160 : i32
      %add3A_46 = arith.addi %add3A_28, %add3A_45 : i32
      %dma_start3A_47 = tpu.memref_slice %arg3[%add3A_46] : memref<325120xi32, #tpu.memory_space<hbm>> -> memref<80xi32, #tpu.memory_space<hbm>>
      %dma_start3A_48 = tpu.memref_slice %arg3[%add3A_46] : memref<325120xi32, #tpu.memory_space<hbm>> -> memref<80xi32, #tpu.memory_space<hbm>>
      tpu.enqueue_dma source(%dma_start3A_48 : memref<80xi32, #tpu.memory_space<hbm>>) target(%arg8 : memref<80xi32, #tpu.memory_space<vmem>>) target_semaphore(%arg16 : memref<!tpu.dma_semaphore, #tpu.memory_space<semaphore_mem>>)
      %add3A_49 = arith.constant 160 : i32
      %add3A_50 = arith.addi %add3A_28, %add3A_49 : i32
      %dma_start3A_51 = tpu.memref_slice %arg4[%add3A_50] : memref<325120xi32, #tpu.memory_space<hbm>> -> memref<80xi32, #tpu.memory_space<hbm>>
      %dma_start3A_52 = tpu.memref_slice %arg4[%add3A_50] : memref<325120xi32, #tpu.memory_space<hbm>> -> memref<80xi32, #tpu.memory_space<hbm>>
      tpu.enqueue_dma source(%dma_start3A_52 : memref<80xi32, #tpu.memory_space<hbm>>) target(%arg9 : memref<80xi32, #tpu.memory_space<vmem>>) target_semaphore(%arg16 : memref<!tpu.dma_semaphore, #tpu.memory_space<semaphore_mem>>)
      %dma_start3A_53 = arith.constant 0 : i32
      %dma_start3A_54 = arith.constant 0 : i32
      %dma_start3A_55 = tpu.memref_slice %arg2[%dma_start3A_53, %dma_start3A_54] : memref<10240x128xf32, #tpu.memory_space<hbm>> -> memref<10240x128xf32, #tpu.memory_space<hbm>>
      tpu.enqueue_indirect_dma source(%dma_start3A_55 : memref<10240x128xf32, #tpu.memory_space<hbm>>) target(%arg13 : memref<80x128xf32, #tpu.memory_space<vmem>>) offsets(%arg10 : memref<80xi32, #tpu.memory_space<vmem>>) semaphore(%arg15 : memref<!tpu.dma_semaphore, #tpu.memory_space<semaphore_mem>>)
      %dma_wait3A_56 = arith.constant 0 : i32
      %dma_wait3A_57 = arith.constant 0 : i32
      %dma_wait3A_58 = tpu.memref_slice %arg2[%dma_wait3A_56, %dma_wait3A_57] : memref<10240x128xf32, #tpu.memory_space<hbm>> -> memref<10240x128xf32, #tpu.memory_space<hbm>>
      tpu.wait_indirect_dma semaphore(%arg15 : memref<!tpu.dma_semaphore, #tpu.memory_space<semaphore_mem>>) src(%dma_wait3A_58 : memref<10240x128xf32, #tpu.memory_space<hbm>>) dst(%arg13 : memref<80x128xf32, #tpu.memory_space<vmem>>)
      "tpu.region"() ({
        %run_scoped3A = tpu.sem_alloc : memref<!tpu.dma_semaphore, #tpu.memory_space<semaphore_mem>>
        %dma_start3A_63 = arith.constant 0 : i32
        %dma_start3A_64 = arith.constant 0 : i32
        %dma_start3A_65 = tpu.memref_slice %arg7[%dma_start3A_63, %dma_start3A_64] : memref<10240x128xf32, #tpu.memory_space<vmem_shared>> -> memref<10240x128xf32, #tpu.memory_space<vmem_shared>>
        tpu.enqueue_indirect_dma source(%arg13 : memref<80x128xf32, #tpu.memory_space<vmem>>) target(%dma_start3A_65 : memref<10240x128xf32, #tpu.memory_space<vmem_shared>>) offsets(%arg11 : memref<80xi32, #tpu.memory_space<vmem>>) semaphore(%run_scoped3A : memref<!tpu.dma_semaphore, #tpu.memory_space<semaphore_mem>>) {add = true}
        %dma_wait3A_66 = arith.constant 0 : i32
        %dma_wait3A_67 = arith.constant 0 : i32
        %dma_wait3A_68 = tpu.memref_slice %arg7[%dma_wait3A_66, %dma_wait3A_67] : memref<10240x128xf32, #tpu.memory_space<vmem_shared>> -> memref<10240x128xf32, #tpu.memory_space<vmem_shared>>
        tpu.wait_indirect_dma semaphore(%run_scoped3A : memref<!tpu.dma_semaphore, #tpu.memory_space<semaphore_mem>>) src(%arg13 : memref<80x128xf32, #tpu.memory_space<vmem>>) dst(%dma_wait3A_68 : memref<10240x128xf32, #tpu.memory_space<vmem_shared>>)
        tpu.yield
      }) : () -> ()
      %dma_wait3A_59 = tpu.memref_slice %arg3[%add3A_28] : memref<325120xi32, #tpu.memory_space<hbm>> -> memref<80xi32, #tpu.memory_space<hbm>>
      %dma_wait3A_60 = tpu.memref_slice %arg3[%add3A_28] : memref<325120xi32, #tpu.memory_space<hbm>> -> memref<80xi32, #tpu.memory_space<hbm>>
      tpu.wait_dma2 semaphore(%arg16 : memref<!tpu.dma_semaphore, #tpu.memory_space<semaphore_mem>>) src(%dma_wait3A_60 : memref<80xi32, #tpu.memory_space<hbm>>) dst(%arg8 : memref<80xi32, #tpu.memory_space<vmem>>)
      %dma_wait3A_61 = tpu.memref_slice %arg3[%add3A_28] : memref<325120xi32, #tpu.memory_space<hbm>> -> memref<80xi32, #tpu.memory_space<hbm>>
      %dma_wait3A_62 = tpu.memref_slice %arg3[%add3A_28] : memref<325120xi32, #tpu.memory_space<hbm>> -> memref<80xi32, #tpu.memory_space<hbm>>
      tpu.wait_dma2 semaphore(%arg16 : memref<!tpu.dma_semaphore, #tpu.memory_space<semaphore_mem>>) src(%dma_wait3A_62 : memref<80xi32, #tpu.memory_space<hbm>>) dst(%arg9 : memref<80xi32, #tpu.memory_space<vmem>>)
    }
    %scan3A_15 = arith.constant 63 : i32
    %barrier3A_16 = arith.constant 0 : index
    tpu.barrier barrier_id(%barrier3A_16)
    %scan3A_17 = arith.constant 0 : i32
    %scan3A_18 = arith.constant 0 : i32
    %scan3A_19 = arith.constant 8 : i32
    %scan3A_20 = arith.addi %scan3A_18, %scan3A_19 : i32
    %scan3A_21 = arith.constant 1 : i32
    scf.for %scan3A_23 = %scan3A_18 to %scan3A_20 step %scan3A_21  : i32 {
      %mul3A_24 = arith.constant 80 : i32
      %mul3A_25 = arith.muli %scan3A_23, %mul3A_24 : i32
      %add3A_26 = arith.addi %mul3A_2, %mul3A_25 : i32
      "tpu.region"() ({
        %run_scoped3A = tpu.sem_alloc : memref<!tpu.dma_semaphore, #tpu.memory_space<semaphore_mem>>
        %dma_start3A = arith.constant 0 : i32
        %dma_start3A_27 = tpu.memref_slice %arg7[%add3A_26, %dma_start3A] : memref<10240x128xf32, #tpu.memory_space<vmem_shared>> -> memref<80x128xf32, #tpu.memory_space<vmem_shared>>
        %dma_start3A_28 = arith.constant 0 : i32
        %dma_start3A_29 = tpu.memref_slice %arg7[%add3A_26, %dma_start3A_28] : memref<10240x128xf32, #tpu.memory_space<vmem_shared>> -> memref<80x128xf32, #tpu.memory_space<vmem_shared>>
        tpu.enqueue_dma source(%dma_start3A_29 : memref<80x128xf32, #tpu.memory_space<vmem_shared>>) target(%arg12 : memref<80x128xf32, #tpu.memory_space<vmem>>) target_semaphore(%run_scoped3A : memref<!tpu.dma_semaphore, #tpu.memory_space<semaphore_mem>>)
        %dma_wait3A = arith.constant 0 : i32
        %dma_wait3A_30 = tpu.memref_slice %arg7[%add3A_26, %dma_wait3A] : memref<10240x128xf32, #tpu.memory_space<vmem_shared>> -> memref<80x128xf32, #tpu.memory_space<vmem_shared>>
        %dma_wait3A_31 = arith.constant 0 : i32
        %dma_wait3A_32 = tpu.memref_slice %arg7[%add3A_26, %dma_wait3A_31] : memref<10240x128xf32, #tpu.memory_space<vmem_shared>> -> memref<80x128xf32, #tpu.memory_space<vmem_shared>>
        tpu.wait_dma2 semaphore(%run_scoped3A : memref<!tpu.dma_semaphore, #tpu.memory_space<semaphore_mem>>) src(%dma_wait3A_32 : memref<80x128xf32, #tpu.memory_space<vmem_shared>>) dst(%arg12 : memref<80x128xf32, #tpu.memory_space<vmem>>)
        tpu.yield
      }) : () -> ()
      "tpu.region"() ({
        %run_scoped3A = tpu.sem_alloc : memref<!tpu.dma_semaphore, #tpu.memory_space<semaphore_mem>>
        %dma_start3A = arith.constant 0 : i32
        %dma_start3A_27 = tpu.memref_slice %arg6[%arg0, %add3A_26, %dma_start3A] : memref<2x10240x128xf32, #tpu.memory_space<hbm>> -> memref<1x80x128xf32, #tpu.memory_space<hbm>>
        %dma_start3A_28 = tpu.memref_squeeze %dma_start3A_27 : memref<1x80x128xf32, #tpu.memory_space<hbm>> -> memref<80x128xf32, #tpu.memory_space<hbm>>
        %dma_start3A_29 = arith.constant 0 : i32
        %dma_start3A_30 = tpu.memref_slice %arg6[%arg0, %add3A_26, %dma_start3A_29] : memref<2x10240x128xf32, #tpu.memory_space<hbm>> -> memref<1x80x128xf32, #tpu.memory_space<hbm>>
        %dma_start3A_31 = tpu.memref_squeeze %dma_start3A_30 : memref<1x80x128xf32, #tpu.memory_space<hbm>> -> memref<80x128xf32, #tpu.memory_space<hbm>>
        tpu.enqueue_dma source(%arg12 : memref<80x128xf32, #tpu.memory_space<vmem>>) target(%dma_start3A_31 : memref<80x128xf32, #tpu.memory_space<hbm>>) target_semaphore(%run_scoped3A : memref<!tpu.dma_semaphore, #tpu.memory_space<semaphore_mem>>)
        %dma_wait3A = arith.constant 0 : i32
        %dma_wait3A_32 = tpu.memref_slice %arg6[%arg0, %add3A_26, %dma_wait3A] : memref<2x10240x128xf32, #tpu.memory_space<hbm>> -> memref<1x80x128xf32, #tpu.memory_space<hbm>>
        %dma_wait3A_33 = tpu.memref_squeeze %dma_wait3A_32 : memref<1x80x128xf32, #tpu.memory_space<hbm>> -> memref<80x128xf32, #tpu.memory_space<hbm>>
        %dma_wait3A_34 = arith.constant 0 : i32
        %dma_wait3A_35 = tpu.memref_slice %arg6[%arg0, %add3A_26, %dma_wait3A_34] : memref<2x10240x128xf32, #tpu.memory_space<hbm>> -> memref<1x80x128xf32, #tpu.memory_space<hbm>>
        %dma_wait3A_36 = tpu.memref_squeeze %dma_wait3A_35 : memref<1x80x128xf32, #tpu.memory_space<hbm>> -> memref<80x128xf32, #tpu.memory_space<hbm>>
        tpu.wait_dma2 semaphore(%run_scoped3A : memref<!tpu.dma_semaphore, #tpu.memory_space<semaphore_mem>>) src(%arg12 : memref<80x128xf32, #tpu.memory_space<vmem>>) dst(%dma_wait3A_36 : memref<80x128xf32, #tpu.memory_space<hbm>>)
        tpu.yield
      }) : () -> ()
    }
    %scan3A_22 = arith.constant 8 : i32
    return
  }
}

#map = affine_map<(d0, d1) -> (0, 0)>
#map1 = affine_map<(d0, d1) -> (0)>
#map2 = affine_map<(d0, d1) -> (0, 0, 0)>
module attributes {stable_mosaic.version = 14 : i64} {
  func.func @body(%arg0: i32, %arg1: i32, %arg2: memref<10240x128xf32, #tpu.memory_space<hbm>>, %arg3: memref<325120xi32, #tpu.memory_space<hbm>>, %arg4: memref<325120xi32, #tpu.memory_space<hbm>>, %arg5: memref<10240x128xf32, #tpu.memory_space<hbm>>, %arg6: memref<2x10240x128xf32, #tpu.memory_space<hbm>>, %arg7: memref<10240x128xf32, #tpu.memory_space<vmem_shared>>, %arg8: memref<80xi32, #tpu.memory_space<vmem>>, %arg9: memref<80xi32, #tpu.memory_space<vmem>>, %arg10: memref<80xi32, #tpu.memory_space<vmem>>, %arg11: memref<80xi32, #tpu.memory_space<vmem>>, %arg12: memref<80x128xf32, #tpu.memory_space<vmem>>, %arg13: memref<80x128xf32, #tpu.memory_space<vmem>>, %arg14: memref<!tpu.dma_semaphore, #tpu.memory_space<semaphore_mem>>, %arg15: memref<!tpu.dma_semaphore, #tpu.memory_space<semaphore_mem>>, %arg16: memref<!tpu.dma_semaphore, #tpu.memory_space<semaphore_mem>>, %arg17: memref<!tpu.dma_semaphore, #tpu.memory_space<semaphore_mem>>) attributes {dimension_semantics = [#tpu.dimension_semantics<core_parallel>, #tpu.dimension_semantics<subcore_parallel>], iteration_bounds = array<i64: 2, 16>, scalar_prefetch = 0 : i64, scratch_operands = 11 : i64, tpu.core_type = #tpu.core_type<sc_vector_subcore>, window_params = [{transform_indices = #map}, {transform_indices = #map1}, {transform_indices = #map1}, {transform_indices = #map}, {transform_indices = #map2}]} {
    %mul3A = arith.constant 16 : i32
    %mul3A_0 = arith.muli %arg0, %mul3A : i32
    %add3A = arith.addi %mul3A_0, %arg1 : i32
    %mul3A_1 = arith.constant 640 : i32
    %mul3A_2 = arith.muli %arg1, %mul3A_1 : i32
    "tpu.region"() ({
      %run_scoped3A = tpu.sem_alloc : memref<!tpu.dma_semaphore, #tpu.memory_space<semaphore_mem>>
      %dma_start3A = arith.constant 0 : i32
      %dma_start3A_23 = arith.constant 0 : i32
      %dma_start3A_24 = tpu.memref_slice %arg5[%dma_start3A, %dma_start3A_23] : memref<10240x128xf32, #tpu.memory_space<hbm>> -> memref<80x128xf32, #tpu.memory_space<hbm>>
      %dma_start3A_25 = arith.constant 0 : i32
      %dma_start3A_26 = arith.constant 0 : i32
      %dma_start3A_27 = tpu.memref_slice %arg5[%dma_start3A_25, %dma_start3A_26] : memref<10240x128xf32, #tpu.memory_space<hbm>> -> memref<80x128xf32, #tpu.memory_space<hbm>>
      tpu.enqueue_dma source(%dma_start3A_27 : memref<80x128xf32, #tpu.memory_space<hbm>>) target(%arg12 : memref<80x128xf32, #tpu.memory_space<vmem>>) target_semaphore(%run_scoped3A : memref<!tpu.dma_semaphore, #tpu.memory_space<semaphore_mem>>)
      %dma_wait3A = arith.constant 0 : i32
      %dma_wait3A_28 = arith.constant 0 : i32
      %dma_wait3A_29 = tpu.memref_slice %arg5[%dma_wait3A, %dma_wait3A_28] : memref<10240x128xf32, #tpu.memory_space<hbm>> -> memref<80x128xf32, #tpu.memory_space<hbm>>
      %dma_wait3A_30 = arith.constant 0 : i32
      %dma_wait3A_31 = arith.constant 0 : i32
      %dma_wait3A_32 = tpu.memref_slice %arg5[%dma_wait3A_30, %dma_wait3A_31] : memref<10240x128xf32, #tpu.memory_space<hbm>> -> memref<80x128xf32, #tpu.memory_space<hbm>>
      tpu.wait_dma2 semaphore(%run_scoped3A : memref<!tpu.dma_semaphore, #tpu.memory_space<semaphore_mem>>) src(%dma_wait3A_32 : memref<80x128xf32, #tpu.memory_space<hbm>>) dst(%arg12 : memref<80x128xf32, #tpu.memory_space<vmem>>)
      tpu.yield
    }) : () -> ()
    %scan3A = arith.constant 0 : i32
    %scan3A_3 = arith.constant 0 : i32
    %scan3A_4 = arith.constant 8 : i32
    %scan3A_5 = arith.addi %scan3A_3, %scan3A_4 : i32
    %scan3A_6 = arith.constant 1 : i32
    scf.for %scan3A_23 = %scan3A_3 to %scan3A_5 step %scan3A_6  : i32 {
      %mul3A_24 = arith.constant 80 : i32
      %mul3A_25 = arith.muli %scan3A_23, %mul3A_24 : i32
      %add3A_26 = arith.addi %mul3A_2, %mul3A_25 : i32
      "tpu.region"() ({
        %run_scoped3A = tpu.sem_alloc : memref<!tpu.dma_semaphore, #tpu.memory_space<semaphore_mem>>
        %dma_start3A = arith.constant 0 : i32
        %dma_start3A_27 = tpu.memref_slice %arg7[%add3A_26, %dma_start3A] : memref<10240x128xf32, #tpu.memory_space<vmem_shared>> -> memref<80x128xf32, #tpu.memory_space<vmem_shared>>
        %dma_start3A_28 = arith.constant 0 : i32
        %dma_start3A_29 = tpu.memref_slice %arg7[%add3A_26, %dma_start3A_28] : memref<10240x128xf32, #tpu.memory_space<vmem_shared>> -> memref<80x128xf32, #tpu.memory_space<vmem_shared>>
        tpu.enqueue_dma source(%arg12 : memref<80x128xf32, #tpu.memory_space<vmem>>) target(%dma_start3A_29 : memref<80x128xf32, #tpu.memory_space<vmem_shared>>) target_semaphore(%run_scoped3A : memref<!tpu.dma_semaphore, #tpu.memory_space<semaphore_mem>>)
        %dma_wait3A = arith.constant 0 : i32
        %dma_wait3A_30 = tpu.memref_slice %arg7[%add3A_26, %dma_wait3A] : memref<10240x128xf32, #tpu.memory_space<vmem_shared>> -> memref<80x128xf32, #tpu.memory_space<vmem_shared>>
        %dma_wait3A_31 = arith.constant 0 : i32
        %dma_wait3A_32 = tpu.memref_slice %arg7[%add3A_26, %dma_wait3A_31] : memref<10240x128xf32, #tpu.memory_space<vmem_shared>> -> memref<80x128xf32, #tpu.memory_space<vmem_shared>>
        tpu.wait_dma2 semaphore(%run_scoped3A : memref<!tpu.dma_semaphore, #tpu.memory_space<semaphore_mem>>) src(%arg12 : memref<80x128xf32, #tpu.memory_space<vmem>>) dst(%dma_wait3A_32 : memref<80x128xf32, #tpu.memory_space<vmem_shared>>)
        tpu.yield
      }) : () -> ()
    }
    %scan3A_7 = arith.constant 8 : i32
    %mul3A_8 = arith.constant 10160 : i32
    %mul3A_9 = arith.muli %add3A, %mul3A_8 : i32
    "tpu.region"() ({
      %run_scoped3A = tpu.sem_alloc : memref<!tpu.dma_semaphore, #tpu.memory_space<semaphore_mem>>
      %dma_start3A = tpu.memref_slice %arg3[%mul3A_9] : memref<325120xi32, #tpu.memory_space<hbm>> -> memref<80xi32, #tpu.memory_space<hbm>>
      %dma_start3A_23 = tpu.memref_slice %arg3[%mul3A_9] : memref<325120xi32, #tpu.memory_space<hbm>> -> memref<80xi32, #tpu.memory_space<hbm>>
      tpu.enqueue_dma source(%dma_start3A_23 : memref<80xi32, #tpu.memory_space<hbm>>) target(%arg8 : memref<80xi32, #tpu.memory_space<vmem>>) target_semaphore(%run_scoped3A : memref<!tpu.dma_semaphore, #tpu.memory_space<semaphore_mem>>)
      %dma_wait3A = tpu.memref_slice %arg3[%mul3A_9] : memref<325120xi32, #tpu.memory_space<hbm>> -> memref<80xi32, #tpu.memory_space<hbm>>
      %dma_wait3A_24 = tpu.memref_slice %arg3[%mul3A_9] : memref<325120xi32, #tpu.memory_space<hbm>> -> memref<80xi32, #tpu.memory_space<hbm>>
      tpu.wait_dma2 semaphore(%run_scoped3A : memref<!tpu.dma_semaphore, #tpu.memory_space<semaphore_mem>>) src(%dma_wait3A_24 : memref<80xi32, #tpu.memory_space<hbm>>) dst(%arg8 : memref<80xi32, #tpu.memory_space<vmem>>)
      tpu.yield
    }) : () -> ()
    "tpu.region"() ({
      %run_scoped3A = tpu.sem_alloc : memref<!tpu.dma_semaphore, #tpu.memory_space<semaphore_mem>>
      %dma_start3A = tpu.memref_slice %arg4[%mul3A_9] : memref<325120xi32, #tpu.memory_space<hbm>> -> memref<80xi32, #tpu.memory_space<hbm>>
      %dma_start3A_23 = tpu.memref_slice %arg4[%mul3A_9] : memref<325120xi32, #tpu.memory_space<hbm>> -> memref<80xi32, #tpu.memory_space<hbm>>
      tpu.enqueue_dma source(%dma_start3A_23 : memref<80xi32, #tpu.memory_space<hbm>>) target(%arg9 : memref<80xi32, #tpu.memory_space<vmem>>) target_semaphore(%run_scoped3A : memref<!tpu.dma_semaphore, #tpu.memory_space<semaphore_mem>>)
      %dma_wait3A = tpu.memref_slice %arg4[%mul3A_9] : memref<325120xi32, #tpu.memory_space<hbm>> -> memref<80xi32, #tpu.memory_space<hbm>>
      %dma_wait3A_24 = tpu.memref_slice %arg4[%mul3A_9] : memref<325120xi32, #tpu.memory_space<hbm>> -> memref<80xi32, #tpu.memory_space<hbm>>
      tpu.wait_dma2 semaphore(%run_scoped3A : memref<!tpu.dma_semaphore, #tpu.memory_space<semaphore_mem>>) src(%dma_wait3A_24 : memref<80xi32, #tpu.memory_space<hbm>>) dst(%arg9 : memref<80xi32, #tpu.memory_space<vmem>>)
      tpu.yield
    }) : () -> ()
    %barrier3A = arith.constant 0 : index
    tpu.barrier barrier_id(%barrier3A)
    %scan3A_10 = arith.constant 0 : i32
    %scan3A_11 = arith.constant 0 : i32
    %scan3A_12 = arith.constant 63 : i32
    %scan3A_13 = arith.addi %scan3A_11, %scan3A_12 : i32
    %scan3A_14 = arith.constant 1 : i32
    scf.for %scan3A_23 = %scan3A_11 to %scan3A_13 step %scan3A_14  : i32 {
      %mul3A_24 = arith.constant 2 : i32
      %mul3A_25 = arith.muli %mul3A_24, %scan3A_23 : i32
      %mul3A_26 = arith.constant 80 : i32
      %mul3A_27 = arith.muli %mul3A_25, %mul3A_26 : i32
      %add3A_28 = arith.addi %mul3A_9, %mul3A_27 : i32
      %add3A_29 = arith.constant 80 : i32
      %add3A_30 = arith.addi %add3A_28, %add3A_29 : i32
      %dma_start3A = tpu.memref_slice %arg3[%add3A_30] : memref<325120xi32, #tpu.memory_space<hbm>> -> memref<80xi32, #tpu.memory_space<hbm>>
      %dma_start3A_31 = tpu.memref_slice %arg3[%add3A_30] : memref<325120xi32, #tpu.memory_space<hbm>> -> memref<80xi32, #tpu.memory_space<hbm>>
      tpu.enqueue_dma source(%dma_start3A_31 : memref<80xi32, #tpu.memory_space<hbm>>) target(%arg10 : memref<80xi32, #tpu.memory_space<vmem>>) target_semaphore(%arg17 : memref<!tpu.dma_semaphore, #tpu.memory_space<semaphore_mem>>)
      %add3A_32 = arith.constant 80 : i32
      %add3A_33 = arith.addi %add3A_28, %add3A_32 : i32
      %dma_start3A_34 = tpu.memref_slice %arg4[%add3A_33] : memref<325120xi32, #tpu.memory_space<hbm>> -> memref<80xi32, #tpu.memory_space<hbm>>
      %dma_start3A_35 = tpu.memref_slice %arg4[%add3A_33] : memref<325120xi32, #tpu.memory_space<hbm>> -> memref<80xi32, #tpu.memory_space<hbm>>
      tpu.enqueue_dma source(%dma_start3A_35 : memref<80xi32, #tpu.memory_space<hbm>>) target(%arg11 : memref<80xi32, #tpu.memory_space<vmem>>) target_semaphore(%arg17 : memref<!tpu.dma_semaphore, #tpu.memory_space<semaphore_mem>>)
      %dma_start3A_36 = arith.constant 0 : i32
      %dma_start3A_37 = arith.constant 0 : i32
      %dma_start3A_38 = tpu.memref_slice %arg2[%dma_start3A_36, %dma_start3A_37] : memref<10240x128xf32, #tpu.memory_space<hbm>> -> memref<10240x128xf32, #tpu.memory_space<hbm>>
      tpu.enqueue_indirect_dma source(%dma_start3A_38 : memref<10240x128xf32, #tpu.memory_space<hbm>>) target(%arg12 : memref<80x128xf32, #tpu.memory_space<vmem>>) offsets(%arg8 : memref<80xi32, #tpu.memory_space<vmem>>) semaphore(%arg14 : memref<!tpu.dma_semaphore, #tpu.memory_space<semaphore_mem>>)
      %dma_wait3A = arith.constant 0 : i32
      %dma_wait3A_39 = arith.constant 0 : i32
      %dma_wait3A_40 = tpu.memref_slice %arg2[%dma_wait3A, %dma_wait3A_39] : memref<10240x128xf32, #tpu.memory_space<hbm>> -> memref<10240x128xf32, #tpu.memory_space<hbm>>
      tpu.wait_indirect_dma semaphore(%arg14 : memref<!tpu.dma_semaphore, #tpu.memory_space<semaphore_mem>>) src(%dma_wait3A_40 : memref<10240x128xf32, #tpu.memory_space<hbm>>) dst(%arg12 : memref<80x128xf32, #tpu.memory_space<vmem>>)
      "tpu.region"() ({
        %run_scoped3A = tpu.sem_alloc : memref<!tpu.dma_semaphore, #tpu.memory_space<semaphore_mem>>
        %dma_start3A_63 = arith.constant 0 : i32
        %dma_start3A_64 = arith.constant 0 : i32
        %dma_start3A_65 = tpu.memref_slice %arg7[%dma_start3A_63, %dma_start3A_64] : memref<10240x128xf32, #tpu.memory_space<vmem_shared>> -> memref<10240x128xf32, #tpu.memory_space<vmem_shared>>
        tpu.enqueue_indirect_dma source(%arg12 : memref<80x128xf32, #tpu.memory_space<vmem>>) target(%dma_start3A_65 : memref<10240x128xf32, #tpu.memory_space<vmem_shared>>) offsets(%arg9 : memref<80xi32, #tpu.memory_space<vmem>>) semaphore(%run_scoped3A : memref<!tpu.dma_semaphore, #tpu.memory_space<semaphore_mem>>) {add = true}
        %dma_wait3A_66 = arith.constant 0 : i32
        %dma_wait3A_67 = arith.constant 0 : i32
        %dma_wait3A_68 = tpu.memref_slice %arg7[%dma_wait3A_66, %dma_wait3A_67] : memref<10240x128xf32, #tpu.memory_space<vmem_shared>> -> memref<10240x128xf32, #tpu.memory_space<vmem_shared>>
        tpu.wait_indirect_dma semaphore(%run_scoped3A : memref<!tpu.dma_semaphore, #tpu.memory_space<semaphore_mem>>) src(%arg12 : memref<80x128xf32, #tpu.memory_space<vmem>>) dst(%dma_wait3A_68 : memref<10240x128xf32, #tpu.memory_space<vmem_shared>>)
        tpu.yield
      }) : () -> ()
      %dma_wait3A_41 = tpu.memref_slice %arg3[%add3A_28] : memref<325120xi32, #tpu.memory_space<hbm>> -> memref<80xi32, #tpu.memory_space<hbm>>
      %dma_wait3A_42 = tpu.memref_slice %arg3[%add3A_28] : memref<325120xi32, #tpu.memory_space<hbm>> -> memref<80xi32, #tpu.memory_space<hbm>>
      tpu.wait_dma2 semaphore(%arg17 : memref<!tpu.dma_semaphore, #tpu.memory_space<semaphore_mem>>) src(%dma_wait3A_42 : memref<80xi32, #tpu.memory_space<hbm>>) dst(%arg10 : memref<80xi32, #tpu.memory_space<vmem>>)
      %dma_wait3A_43 = tpu.memref_slice %arg3[%add3A_28] : memref<325120xi32, #tpu.memory_space<hbm>> -> memref<80xi32, #tpu.memory_space<hbm>>
      %dma_wait3A_44 = tpu.memref_slice %arg3[%add3A_28] : memref<325120xi32, #tpu.memory_space<hbm>> -> memref<80xi32, #tpu.memory_space<hbm>>
      tpu.wait_dma2 semaphore(%arg17 : memref<!tpu.dma_semaphore, #tpu.memory_space<semaphore_mem>>) src(%dma_wait3A_44 : memref<80xi32, #tpu.memory_space<hbm>>) dst(%arg11 : memref<80xi32, #tpu.memory_space<vmem>>)
      %add3A_45 = arith.constant 160 : i32
      %add3A_46 = arith.addi %add3A_28, %add3A_45 : i32
      %dma_start3A_47 = tpu.memref_slice %arg3[%add3A_46] : memref<325120xi32, #tpu.memory_space<hbm>> -> memref<80xi32, #tpu.memory_space<hbm>>
      %dma_start3A_48 = tpu.memref_slice %arg3[%add3A_46] : memref<325120xi32, #tpu.memory_space<hbm>> -> memref<80xi32, #tpu.memory_space<hbm>>
      tpu.enqueue_dma source(%dma_start3A_48 : memref<80xi32, #tpu.memory_space<hbm>>) target(%arg8 : memref<80xi32, #tpu.memory_space<vmem>>) target_semaphore(%arg16 : memref<!tpu.dma_semaphore, #tpu.memory_space<semaphore_mem>>)
      %add3A_49 = arith.constant 160 : i32
      %add3A_50 = arith.addi %add3A_28, %add3A_49 : i32
      %dma_start3A_51 = tpu.memref_slice %arg4[%add3A_50] : memref<325120xi32, #tpu.memory_space<hbm>> -> memref<80xi32, #tpu.memory_space<hbm>>
      %dma_start3A_52 = tpu.memref_slice %arg4[%add3A_50] : memref<325120xi32, #tpu.memory_space<hbm>> -> memref<80xi32, #tpu.memory_space<hbm>>
      tpu.enqueue_dma source(%dma_start3A_52 : memref<80xi32, #tpu.memory_space<hbm>>) target(%arg9 : memref<80xi32, #tpu.memory_space<vmem>>) target_semaphore(%arg16 : memref<!tpu.dma_semaphore, #tpu.memory_space<semaphore_mem>>)
      %dma_start3A_53 = arith.constant 0 : i32
      %dma_start3A_54 = arith.constant 0 : i32
      %dma_start3A_55 = tpu.memref_slice %arg2[%dma_start3A_53, %dma_start3A_54] : memref<10240x128xf32, #tpu.memory_space<hbm>> -> memref<10240x128xf32, #tpu.memory_space<hbm>>
      tpu.enqueue_indirect_dma source(%dma_start3A_55 : memref<10240x128xf32, #tpu.memory_space<hbm>>) target(%arg13 : memref<80x128xf32, #tpu.memory_space<vmem>>) offsets(%arg10 : memref<80xi32, #tpu.memory_space<vmem>>) semaphore(%arg15 : memref<!tpu.dma_semaphore, #tpu.memory_space<semaphore_mem>>)
      %dma_wait3A_56 = arith.constant 0 : i32
      %dma_wait3A_57 = arith.constant 0 : i32
      %dma_wait3A_58 = tpu.memref_slice %arg2[%dma_wait3A_56, %dma_wait3A_57] : memref<10240x128xf32, #tpu.memory_space<hbm>> -> memref<10240x128xf32, #tpu.memory_space<hbm>>
      tpu.wait_indirect_dma semaphore(%arg15 : memref<!tpu.dma_semaphore, #tpu.memory_space<semaphore_mem>>) src(%dma_wait3A_58 : memref<10240x128xf32, #tpu.memory_space<hbm>>) dst(%arg13 : memref<80x128xf32, #tpu.memory_space<vmem>>)
      "tpu.region"() ({
        %run_scoped3A = tpu.sem_alloc : memref<!tpu.dma_semaphore, #tpu.memory_space<semaphore_mem>>
        %dma_start3A_63 = arith.constant 0 : i32
        %dma_start3A_64 = arith.constant 0 : i32
        %dma_start3A_65 = tpu.memref_slice %arg7[%dma_start3A_63, %dma_start3A_64] : memref<10240x128xf32, #tpu.memory_space<vmem_shared>> -> memref<10240x128xf32, #tpu.memory_space<vmem_shared>>
        tpu.enqueue_indirect_dma source(%arg13 : memref<80x128xf32, #tpu.memory_space<vmem>>) target(%dma_start3A_65 : memref<10240x128xf32, #tpu.memory_space<vmem_shared>>) offsets(%arg11 : memref<80xi32, #tpu.memory_space<vmem>>) semaphore(%run_scoped3A : memref<!tpu.dma_semaphore, #tpu.memory_space<semaphore_mem>>) {add = true}
        %dma_wait3A_66 = arith.constant 0 : i32
        %dma_wait3A_67 = arith.constant 0 : i32
        %dma_wait3A_68 = tpu.memref_slice %arg7[%dma_wait3A_66, %dma_wait3A_67] : memref<10240x128xf32, #tpu.memory_space<vmem_shared>> -> memref<10240x128xf32, #tpu.memory_space<vmem_shared>>
        tpu.wait_indirect_dma semaphore(%run_scoped3A : memref<!tpu.dma_semaphore, #tpu.memory_space<semaphore_mem>>) src(%arg13 : memref<80x128xf32, #tpu.memory_space<vmem>>) dst(%dma_wait3A_68 : memref<10240x128xf32, #tpu.memory_space<vmem_shared>>)
        tpu.yield
      }) : () -> ()
      %dma_wait3A_59 = tpu.memref_slice %arg3[%add3A_28] : memref<325120xi32, #tpu.memory_space<hbm>> -> memref<80xi32, #tpu.memory_space<hbm>>
      %dma_wait3A_60 = tpu.memref_slice %arg3[%add3A_28] : memref<325120xi32, #tpu.memory_space<hbm>> -> memref<80xi32, #tpu.memory_space<hbm>>
      tpu.wait_dma2 semaphore(%arg16 : memref<!tpu.dma_semaphore, #tpu.memory_space<semaphore_mem>>) src(%dma_wait3A_60 : memref<80xi32, #tpu.memory_space<hbm>>) dst(%arg8 : memref<80xi32, #tpu.memory_space<vmem>>)
      %dma_wait3A_61 = tpu.memref_slice %arg3[%add3A_28] : memref<325120xi32, #tpu.memory_space<hbm>> -> memref<80xi32, #tpu.memory_space<hbm>>
      %dma_wait3A_62 = tpu.memref_slice %arg3[%add3A_28] : memref<325120xi32, #tpu.memory_space<hbm>> -> memref<80xi32, #tpu.memory_space<hbm>>
      tpu.wait_dma2 semaphore(%arg16 : memref<!tpu.dma_semaphore, #tpu.memory_space<semaphore_mem>>) src(%dma_wait3A_62 : memref<80xi32, #tpu.memory_space<hbm>>) dst(%arg9 : memref<80xi32, #tpu.memory_space<vmem>>)
    }
    %scan3A_15 = arith.constant 63 : i32
    %barrier3A_16 = arith.constant 0 : index
    tpu.barrier barrier_id(%barrier3A_16)
    %scan3A_17 = arith.constant 0 : i32
    %scan3A_18 = arith.constant 0 : i32
    %scan3A_19 = arith.constant 8 : i32
    %scan3A_20 = arith.addi %scan3A_18, %scan3A_19 : i32
    %scan3A_21 = arith.constant 1 : i32
    scf.for %scan3A_23 = %scan3A_18 to %scan3A_20 step %scan3A_21  : i32 {
      %mul3A_24 = arith.constant 80 : i32
      %mul3A_25 = arith.muli %scan3A_23, %mul3A_24 : i32
      %add3A_26 = arith.addi %mul3A_2, %mul3A_25 : i32
      "tpu.region"() ({
        %run_scoped3A = tpu.sem_alloc : memref<!tpu.dma_semaphore, #tpu.memory_space<semaphore_mem>>
        %dma_start3A = arith.constant 0 : i32
        %dma_start3A_27 = tpu.memref_slice %arg7[%add3A_26, %dma_start3A] : memref<10240x128xf32, #tpu.memory_space<vmem_shared>> -> memref<80x128xf32, #tpu.memory_space<vmem_shared>>
        %dma_start3A_28 = arith.constant 0 : i32
        %dma_start3A_29 = tpu.memref_slice %arg7[%add3A_26, %dma_start3A_28] : memref<10240x128xf32, #tpu.memory_space<vmem_shared>> -> memref<80x128xf32, #tpu.memory_space<vmem_shared>>
        tpu.enqueue_dma source(%dma_start3A_29 : memref<80x128xf32, #tpu.memory_space<vmem_shared>>) target(%arg12 : memref<80x128xf32, #tpu.memory_space<vmem>>) target_semaphore(%run_scoped3A : memref<!tpu.dma_semaphore, #tpu.memory_space<semaphore_mem>>)
        %dma_wait3A = arith.constant 0 : i32
        %dma_wait3A_30 = tpu.memref_slice %arg7[%add3A_26, %dma_wait3A] : memref<10240x128xf32, #tpu.memory_space<vmem_shared>> -> memref<80x128xf32, #tpu.memory_space<vmem_shared>>
        %dma_wait3A_31 = arith.constant 0 : i32
        %dma_wait3A_32 = tpu.memref_slice %arg7[%add3A_26, %dma_wait3A_31] : memref<10240x128xf32, #tpu.memory_space<vmem_shared>> -> memref<80x128xf32, #tpu.memory_space<vmem_shared>>
        tpu.wait_dma2 semaphore(%run_scoped3A : memref<!tpu.dma_semaphore, #tpu.memory_space<semaphore_mem>>) src(%dma_wait3A_32 : memref<80x128xf32, #tpu.memory_space<vmem_shared>>) dst(%arg12 : memref<80x128xf32, #tpu.memory_space<vmem>>)
        tpu.yield
      }) : () -> ()
      "tpu.region"() ({
        %run_scoped3A = tpu.sem_alloc : memref<!tpu.dma_semaphore, #tpu.memory_space<semaphore_mem>>
        %dma_start3A = arith.constant 0 : i32
        %dma_start3A_27 = tpu.memref_slice %arg6[%arg0, %add3A_26, %dma_start3A] : memref<2x10240x128xf32, #tpu.memory_space<hbm>> -> memref<1x80x128xf32, #tpu.memory_space<hbm>>
        %dma_start3A_28 = tpu.memref_squeeze %dma_start3A_27 : memref<1x80x128xf32, #tpu.memory_space<hbm>> -> memref<80x128xf32, #tpu.memory_space<hbm>>
        %dma_start3A_29 = arith.constant 0 : i32
        %dma_start3A_30 = tpu.memref_slice %arg6[%arg0, %add3A_26, %dma_start3A_29] : memref<2x10240x128xf32, #tpu.memory_space<hbm>> -> memref<1x80x128xf32, #tpu.memory_space<hbm>>
        %dma_start3A_31 = tpu.memref_squeeze %dma_start3A_30 : memref<1x80x128xf32, #tpu.memory_space<hbm>> -> memref<80x128xf32, #tpu.memory_space<hbm>>
        tpu.enqueue_dma source(%arg12 : memref<80x128xf32, #tpu.memory_space<vmem>>) target(%dma_start3A_31 : memref<80x128xf32, #tpu.memory_space<hbm>>) target_semaphore(%run_scoped3A : memref<!tpu.dma_semaphore, #tpu.memory_space<semaphore_mem>>)
        %dma_wait3A = arith.constant 0 : i32
        %dma_wait3A_32 = tpu.memref_slice %arg6[%arg0, %add3A_26, %dma_wait3A] : memref<2x10240x128xf32, #tpu.memory_space<hbm>> -> memref<1x80x128xf32, #tpu.memory_space<hbm>>
        %dma_wait3A_33 = tpu.memref_squeeze %dma_wait3A_32 : memref<1x80x128xf32, #tpu.memory_space<hbm>> -> memref<80x128xf32, #tpu.memory_space<hbm>>
        %dma_wait3A_34 = arith.constant 0 : i32
        %dma_wait3A_35 = tpu.memref_slice %arg6[%arg0, %add3A_26, %dma_wait3A_34] : memref<2x10240x128xf32, #tpu.memory_space<hbm>> -> memref<1x80x128xf32, #tpu.memory_space<hbm>>
        %dma_wait3A_36 = tpu.memref_squeeze %dma_wait3A_35 : memref<1x80x128xf32, #tpu.memory_space<hbm>> -> memref<80x128xf32, #tpu.memory_space<hbm>>
        tpu.wait_dma2 semaphore(%run_scoped3A : memref<!tpu.dma_semaphore, #tpu.memory_space<semaphore_mem>>) src(%arg12 : memref<80x128xf32, #tpu.memory_space<vmem>>) dst(%dma_wait3A_36 : memref<80x128xf32, #tpu.memory_space<hbm>>)
        tpu.yield
      }) : () -> ()
    }
    %scan3A_22 = arith.constant 8 : i32
    return
  }
}

module attributes {stable_mosaic.version = 14 : i64} {
  func.func @_proj_body(%arg0: i32, %arg1: memref<1024x128xf32, #tpu.memory_space<vmem>>, %arg2: memref<128x128xf32, #tpu.memory_space<vmem>>, %arg3: memref<128x128xf32, #tpu.memory_space<vmem>>, %arg4: memref<1x128xf32, #tpu.memory_space<vmem>>, %arg5: memref<1024x128xf32, #tpu.memory_space<vmem>>, %arg6: memref<1024x128xf32, #tpu.memory_space<vmem>>) attributes {dimension_semantics = [#tpu.dimension_semantics<arbitrary>], iteration_bounds = array<i64: 10>, scalar_prefetch = 0 : i64, scratch_operands = 0 : i64, tpu.core_type = #tpu.core_type<tc>, window_params = [{transform_indices = @transform_0, window_bounds = array<i64: 1024, 128>}, {pipeline_mode = #tpu.pipeline_mode<synchronous>, transform_indices = @transform_1, window_bounds = array<i64: 128, 128>}, {pipeline_mode = #tpu.pipeline_mode<synchronous>, transform_indices = @transform_2, window_bounds = array<i64: 128, 128>}, {pipeline_mode = #tpu.pipeline_mode<synchronous>, transform_indices = @transform_3, window_bounds = array<i64: 1, 128>}, {transform_indices = @transform_4, window_bounds = array<i64: 1024, 128>}, {transform_indices = @transform_5, window_bounds = array<i64: 1024, 128>}]} {
    %get3A = arith.constant 0 : index
    %get3A_0 = arith.constant 0 : index
    %get3A_1 = vector.load %arg1[%get3A, %get3A_0] : memref<1024x128xf32, #tpu.memory_space<vmem>>, vector<1024x128xf32>
    %get3A_2 = arith.constant 0 : index
    %get3A_3 = arith.constant 0 : index
    %get3A_4 = vector.load %arg2[%get3A_2, %get3A_3] : memref<128x128xf32, #tpu.memory_space<vmem>>, vector<128x128xf32>
    %dot_general3A = arith.constant dense<0.000000e+00> : vector<1024x128xf32>
    %dot_general3A_5 = tpu.matmul %get3A_1, %get3A_4, %dot_general3A {dimension_numbers = #tpu.dot_dimension_numbers<[1], [0], [0], [1], [0, 0, 1, 1], [], []>, transpose_lhs_hint = false} : vector<1024x128xf32>, vector<128x128xf32>, vector<1024x128xf32> -> vector<1024x128xf32>
    %swap3A = arith.constant 0 : index
    %swap3A_6 = arith.constant 0 : index
    %swap3A_7 = vector.load %arg5[%swap3A, %swap3A_6] : memref<1024x128xf32, #tpu.memory_space<vmem>>, vector<1024x128xf32>
    tpu.vector_store %arg5[%swap3A, %swap3A_6], %dot_general3A_5 {strides = array<i32>} : memref<1024x128xf32, #tpu.memory_space<vmem>>, vector<1024x128xf32>,
    %get3A_8 = arith.constant 0 : index
    %get3A_9 = arith.constant 0 : index
    %get3A_10 = vector.load %arg3[%get3A_8, %get3A_9] : memref<128x128xf32, #tpu.memory_space<vmem>>, vector<128x128xf32>
    %dot_general3A_11 = arith.constant dense<0.000000e+00> : vector<1024x128xf32>
    %dot_general3A_12 = tpu.matmul %get3A_1, %get3A_10, %dot_general3A_11 {dimension_numbers = #tpu.dot_dimension_numbers<[1], [0], [0], [1], [0, 0, 1, 1], [], []>, transpose_lhs_hint = false} : vector<1024x128xf32>, vector<128x128xf32>, vector<1024x128xf32> -> vector<1024x128xf32>
    %get3A_13 = arith.constant 0 : index
    %get3A_14 = arith.constant 0 : index
    %get3A_15 = vector.load %arg4[%get3A_13, %get3A_14] : memref<1x128xf32, #tpu.memory_space<vmem>>, vector<1x128xf32>
    %add3A = vector.broadcast %get3A_15 : vector<1x128xf32> to vector<1024x128xf32>
    %add3A_16 = arith.addf %dot_general3A_12, %add3A : vector<1024x128xf32>
    %swap3A_17 = arith.constant 0 : index
    %swap3A_18 = arith.constant 0 : index
    %swap3A_19 = vector.load %arg6[%swap3A_17, %swap3A_18] : memref<1024x128xf32, #tpu.memory_space<vmem>>, vector<1024x128xf32>
    tpu.vector_store %arg6[%swap3A_17, %swap3A_18], %add3A_16 {strides = array<i32>} : memref<1024x128xf32, #tpu.memory_space<vmem>>, vector<1024x128xf32>,
    return
  }
  func.func @transform_0(%arg0: i32) -> (i32, i32) {
    %c0_i32 = arith.constant 0 : i32
    %c0_i32_0 = arith.constant 0 : i32
    return %arg0, %c0_i32 : i32, i32
  }
  func.func @transform_1(%arg0: i32) -> (i32, i32) {
    %c0_i32 = arith.constant 0 : i32
    %c0_i32_0 = arith.constant 0 : i32
    %c0_i32_1 = arith.constant 0 : i32
    return %c0_i32, %c0_i32_0 : i32, i32
  }
  func.func @transform_2(%arg0: i32) -> (i32, i32) {
    %c0_i32 = arith.constant 0 : i32
    %c0_i32_0 = arith.constant 0 : i32
    %c0_i32_1 = arith.constant 0 : i32
    return %c0_i32, %c0_i32_0 : i32, i32
  }
  func.func @transform_3(%arg0: i32) -> (i32, i32) {
    %c0_i32 = arith.constant 0 : i32
    %c0_i32_0 = arith.constant 0 : i32
    %c0_i32_1 = arith.constant 0 : i32
    return %c0_i32, %c0_i32_0 : i32, i32
  }
  func.func @transform_4(%arg0: i32) -> (i32, i32) {
    %c0_i32 = arith.constant 0 : i32
    %c0_i32_0 = arith.constant 0 : i32
    return %arg0, %c0_i32 : i32, i32
  }
  func.func @transform_5(%arg0: i32) -> (i32, i32) {
    %c0_i32 = arith.constant 0 : i32
    %c0_i32_0 = arith.constant 0 : i32
    return %arg0, %c0_i32 : i32, i32
  }
}

module attributes {stable_mosaic.version = 14 : i64} {
  func.func @_combine_body(%arg0: i32, %arg1: memref<2x1024x128xf32, #tpu.memory_space<vmem>>, %arg2: memref<2x1024x128xf32, #tpu.memory_space<vmem>>, %arg3: memref<1024x128xf32, #tpu.memory_space<vmem>>, %arg4: memref<128x128xf32, #tpu.memory_space<vmem>>, %arg5: memref<128x128xf32, #tpu.memory_space<vmem>>, %arg6: memref<1x128xf32, #tpu.memory_space<vmem>>, %arg7: memref<1024x128xf32, #tpu.memory_space<vmem>>, %arg8: memref<1024x128xf32, #tpu.memory_space<vmem>>) attributes {dimension_semantics = [#tpu.dimension_semantics<arbitrary>], iteration_bounds = array<i64: 10>, scalar_prefetch = 0 : i64, scratch_operands = 0 : i64, tpu.core_type = #tpu.core_type<tc>, window_params = [{transform_indices = @transform_0, window_bounds = array<i64: 2, 1024, 128>}, {transform_indices = @transform_1, window_bounds = array<i64: 2, 1024, 128>}, {transform_indices = @transform_2, window_bounds = array<i64: 1024, 128>}, {pipeline_mode = #tpu.pipeline_mode<synchronous>, transform_indices = @transform_3, window_bounds = array<i64: 128, 128>}, {pipeline_mode = #tpu.pipeline_mode<synchronous>, transform_indices = @transform_4, window_bounds = array<i64: 128, 128>}, {pipeline_mode = #tpu.pipeline_mode<synchronous>, transform_indices = @transform_5, window_bounds = array<i64: 1, 128>}, {transform_indices = @transform_6, window_bounds = array<i64: 1024, 128>}, {transform_indices = @transform_7, window_bounds = array<i64: 1024, 128>}]} {
    %get3A = arith.constant 0 : index
    %get3A_0 = arith.constant 0 : index
    %get3A_1 = arith.constant 0 : index
    %get3A_2 = vector.load %arg1[%get3A, %get3A_0, %get3A_1] : memref<2x1024x128xf32, #tpu.memory_space<vmem>>, vector<1x1024x128xf32>
    %get3A_3 = vector.shape_cast %get3A_2 : vector<1x1024x128xf32> to vector<1024x128xf32>
    %get3A_4 = arith.constant 1 : index
    %get3A_5 = arith.constant 0 : index
    %get3A_6 = arith.constant 0 : index
    %get3A_7 = vector.load %arg1[%get3A_4, %get3A_5, %get3A_6] : memref<2x1024x128xf32, #tpu.memory_space<vmem>>, vector<1x1024x128xf32>
    %get3A_8 = vector.shape_cast %get3A_7 : vector<1x1024x128xf32> to vector<1024x128xf32>
    %add3A = arith.addf %get3A_3, %get3A_8 : vector<1024x128xf32>
    %get3A_9 = arith.constant 0 : index
    %get3A_10 = arith.constant 0 : index
    %get3A_11 = arith.constant 0 : index
    %get3A_12 = vector.load %arg2[%get3A_9, %get3A_10, %get3A_11] : memref<2x1024x128xf32, #tpu.memory_space<vmem>>, vector<1x1024x1xf32>
    %get3A_13 = vector.shape_cast %get3A_12 : vector<1x1024x1xf32> to vector<1024x1xf32>
    %get3A_14 = arith.constant 1 : index
    %get3A_15 = arith.constant 0 : index
    %get3A_16 = arith.constant 0 : index
    %get3A_17 = vector.load %arg2[%get3A_14, %get3A_15, %get3A_16] : memref<2x1024x128xf32, #tpu.memory_space<vmem>>, vector<1x1024x1xf32>
    %get3A_18 = vector.shape_cast %get3A_17 : vector<1x1024x1xf32> to vector<1024x1xf32>
    %add3A_19 = arith.addf %get3A_13, %get3A_18 : vector<1024x1xf32>
    %max3A = arith.constant 1.000000e+00 : f32
    %max3A_20 = vector.broadcast %max3A : f32 to vector<1024x1xf32>
    %max3A_21 = arith.maximumf %add3A_19, %max3A_20 : vector<1024x1xf32>
    %div3A = arith.constant 1.000000e+00 : f32
    %div3A_22 = vector.broadcast %div3A : f32 to vector<1024x1xf32>
    %div3A_23 = arith.divf %div3A_22, %max3A_21 : vector<1024x1xf32>
    %mul3A = vector.broadcast %div3A_23 : vector<1024x1xf32> to vector<1024x128xf32>
    %mul3A_24 = arith.mulf %add3A, %mul3A : vector<1024x128xf32>
    %get3A_25 = arith.constant 0 : index
    %get3A_26 = arith.constant 0 : index
    %get3A_27 = vector.load %arg3[%get3A_25, %get3A_26] : memref<1024x128xf32, #tpu.memory_space<vmem>>, vector<1024x128xf32>
    %add3A_28 = arith.addf %mul3A_24, %get3A_27 : vector<1024x128xf32>
    %max3A_29 = arith.constant 0.000000e+00 : f32
    %max3A_30 = vector.broadcast %max3A_29 : f32 to vector<1024x128xf32>
    %max3A_31 = arith.maximumf %add3A_28, %max3A_30 : vector<1024x128xf32>
    %get3A_32 = arith.constant 0 : index
    %get3A_33 = arith.constant 0 : index
    %get3A_34 = vector.load %arg4[%get3A_32, %get3A_33] : memref<128x128xf32, #tpu.memory_space<vmem>>, vector<128x128xf32>
    %dot_general3A = arith.constant dense<0.000000e+00> : vector<1024x128xf32>
    %dot_general3A_35 = tpu.matmul %max3A_31, %get3A_34, %dot_general3A {dimension_numbers = #tpu.dot_dimension_numbers<[1], [0], [0], [1], [0, 0, 1, 1], [], []>, transpose_lhs_hint = false} : vector<1024x128xf32>, vector<128x128xf32>, vector<1024x128xf32> -> vector<1024x128xf32>
    %swap3A = arith.constant 0 : index
    %swap3A_36 = arith.constant 0 : index
    %swap3A_37 = vector.load %arg7[%swap3A, %swap3A_36] : memref<1024x128xf32, #tpu.memory_space<vmem>>, vector<1024x128xf32>
    tpu.vector_store %arg7[%swap3A, %swap3A_36], %dot_general3A_35 {strides = array<i32>} : memref<1024x128xf32, #tpu.memory_space<vmem>>, vector<1024x128xf32>,
    %get3A_38 = arith.constant 0 : index
    %get3A_39 = arith.constant 0 : index
    %get3A_40 = vector.load %arg5[%get3A_38, %get3A_39] : memref<128x128xf32, #tpu.memory_space<vmem>>, vector<128x128xf32>
    %dot_general3A_41 = arith.constant dense<0.000000e+00> : vector<1024x128xf32>
    %dot_general3A_42 = tpu.matmul %max3A_31, %get3A_40, %dot_general3A_41 {dimension_numbers = #tpu.dot_dimension_numbers<[1], [0], [0], [1], [0, 0, 1, 1], [], []>, transpose_lhs_hint = false} : vector<1024x128xf32>, vector<128x128xf32>, vector<1024x128xf32> -> vector<1024x128xf32>
    %get3A_43 = arith.constant 0 : index
    %get3A_44 = arith.constant 0 : index
    %get3A_45 = vector.load %arg6[%get3A_43, %get3A_44] : memref<1x128xf32, #tpu.memory_space<vmem>>, vector<1x128xf32>
    %add3A_46 = vector.broadcast %get3A_45 : vector<1x128xf32> to vector<1024x128xf32>
    %add3A_47 = arith.addf %dot_general3A_42, %add3A_46 : vector<1024x128xf32>
    %swap3A_48 = arith.constant 0 : index
    %swap3A_49 = arith.constant 0 : index
    %swap3A_50 = vector.load %arg8[%swap3A_48, %swap3A_49] : memref<1024x128xf32, #tpu.memory_space<vmem>>, vector<1024x128xf32>
    tpu.vector_store %arg8[%swap3A_48, %swap3A_49], %add3A_47 {strides = array<i32>} : memref<1024x128xf32, #tpu.memory_space<vmem>>, vector<1024x128xf32>,
    return
  }
  func.func @transform_0(%arg0: i32) -> (i32, i32, i32) {
    %c0_i32 = arith.constant 0 : i32
    %c0_i32_0 = arith.constant 0 : i32
    %c0_i32_1 = arith.constant 0 : i32
    return %c0_i32, %arg0, %c0_i32_0 : i32, i32, i32
  }
  func.func @transform_1(%arg0: i32) -> (i32, i32, i32) {
    %c0_i32 = arith.constant 0 : i32
    %c0_i32_0 = arith.constant 0 : i32
    %c0_i32_1 = arith.constant 0 : i32
    return %c0_i32, %arg0, %c0_i32_0 : i32, i32, i32
  }
  func.func @transform_2(%arg0: i32) -> (i32, i32) {
    %c0_i32 = arith.constant 0 : i32
    %c0_i32_0 = arith.constant 0 : i32
    return %arg0, %c0_i32 : i32, i32
  }
  func.func @transform_3(%arg0: i32) -> (i32, i32) {
    %c0_i32 = arith.constant 0 : i32
    %c0_i32_0 = arith.constant 0 : i32
    %c0_i32_1 = arith.constant 0 : i32
    return %c0_i32, %c0_i32_0 : i32, i32
  }
  func.func @transform_4(%arg0: i32) -> (i32, i32) {
    %c0_i32 = arith.constant 0 : i32
    %c0_i32_0 = arith.constant 0 : i32
    %c0_i32_1 = arith.constant 0 : i32
    return %c0_i32, %c0_i32_0 : i32, i32
  }
  func.func @transform_5(%arg0: i32) -> (i32, i32) {
    %c0_i32 = arith.constant 0 : i32
    %c0_i32_0 = arith.constant 0 : i32
    %c0_i32_1 = arith.constant 0 : i32
    return %c0_i32, %c0_i32_0 : i32, i32
  }
  func.func @transform_6(%arg0: i32) -> (i32, i32) {
    %c0_i32 = arith.constant 0 : i32
    %c0_i32_0 = arith.constant 0 : i32
    return %arg0, %c0_i32 : i32, i32
  }
  func.func @transform_7(%arg0: i32) -> (i32, i32) {
    %c0_i32 = arith.constant 0 : i32
    %c0_i32_0 = arith.constant 0 : i32
    return %arg0, %c0_i32 : i32, i32
  }
}

module attributes {stable_mosaic.version = 14 : i64} {
  func.func @_last_body(%arg0: i32, %arg1: memref<2x1024x128xf32, #tpu.memory_space<vmem>>, %arg2: memref<2x1024x128xf32, #tpu.memory_space<vmem>>, %arg3: memref<1024x128xf32, #tpu.memory_space<vmem>>, %arg4: memref<128x64xf32, #tpu.memory_space<vmem>>, %arg5: memref<1x64xf32, #tpu.memory_space<vmem>>, %arg6: memref<1024x128xf32, #tpu.memory_space<vmem>>, %arg7: memref<1024x64xf32, #tpu.memory_space<vmem>>) attributes {dimension_semantics = [#tpu.dimension_semantics<arbitrary>], iteration_bounds = array<i64: 10>, scalar_prefetch = 0 : i64, scratch_operands = 0 : i64, tpu.core_type = #tpu.core_type<tc>, window_params = [{transform_indices = @transform_0, window_bounds = array<i64: 2, 1024, 128>}, {transform_indices = @transform_1, window_bounds = array<i64: 2, 1024, 128>}, {transform_indices = @transform_2, window_bounds = array<i64: 1024, 128>}, {pipeline_mode = #tpu.pipeline_mode<synchronous>, transform_indices = @transform_3, window_bounds = array<i64: 128, 64>}, {pipeline_mode = #tpu.pipeline_mode<synchronous>, transform_indices = @transform_4, window_bounds = array<i64: 1, 64>}, {transform_indices = @transform_5, window_bounds = array<i64: 1024, 128>}, {transform_indices = @transform_6, window_bounds = array<i64: 1024, 64>}]} {
    %get3A = arith.constant 0 : index
    %get3A_0 = arith.constant 0 : index
    %get3A_1 = arith.constant 0 : index
    %get3A_2 = vector.load %arg1[%get3A, %get3A_0, %get3A_1] : memref<2x1024x128xf32, #tpu.memory_space<vmem>>, vector<1x1024x128xf32>
    %get3A_3 = vector.shape_cast %get3A_2 : vector<1x1024x128xf32> to vector<1024x128xf32>
    %get3A_4 = arith.constant 1 : index
    %get3A_5 = arith.constant 0 : index
    %get3A_6 = arith.constant 0 : index
    %get3A_7 = vector.load %arg1[%get3A_4, %get3A_5, %get3A_6] : memref<2x1024x128xf32, #tpu.memory_space<vmem>>, vector<1x1024x128xf32>
    %get3A_8 = vector.shape_cast %get3A_7 : vector<1x1024x128xf32> to vector<1024x128xf32>
    %add3A = arith.addf %get3A_3, %get3A_8 : vector<1024x128xf32>
    %get3A_9 = arith.constant 0 : index
    %get3A_10 = arith.constant 0 : index
    %get3A_11 = arith.constant 0 : index
    %get3A_12 = vector.load %arg2[%get3A_9, %get3A_10, %get3A_11] : memref<2x1024x128xf32, #tpu.memory_space<vmem>>, vector<1x1024x1xf32>
    %get3A_13 = vector.shape_cast %get3A_12 : vector<1x1024x1xf32> to vector<1024x1xf32>
    %get3A_14 = arith.constant 1 : index
    %get3A_15 = arith.constant 0 : index
    %get3A_16 = arith.constant 0 : index
    %get3A_17 = vector.load %arg2[%get3A_14, %get3A_15, %get3A_16] : memref<2x1024x128xf32, #tpu.memory_space<vmem>>, vector<1x1024x1xf32>
    %get3A_18 = vector.shape_cast %get3A_17 : vector<1x1024x1xf32> to vector<1024x1xf32>
    %add3A_19 = arith.addf %get3A_13, %get3A_18 : vector<1024x1xf32>
    %max3A = arith.constant 1.000000e+00 : f32
    %max3A_20 = vector.broadcast %max3A : f32 to vector<1024x1xf32>
    %max3A_21 = arith.maximumf %add3A_19, %max3A_20 : vector<1024x1xf32>
    %div3A = arith.constant 1.000000e+00 : f32
    %div3A_22 = vector.broadcast %div3A : f32 to vector<1024x1xf32>
    %div3A_23 = arith.divf %div3A_22, %max3A_21 : vector<1024x1xf32>
    %mul3A = vector.broadcast %div3A_23 : vector<1024x1xf32> to vector<1024x128xf32>
    %mul3A_24 = arith.mulf %add3A, %mul3A : vector<1024x128xf32>
    %get3A_25 = arith.constant 0 : index
    %get3A_26 = arith.constant 0 : index
    %get3A_27 = vector.load %arg3[%get3A_25, %get3A_26] : memref<1024x128xf32, #tpu.memory_space<vmem>>, vector<1024x128xf32>
    %add3A_28 = arith.addf %mul3A_24, %get3A_27 : vector<1024x128xf32>
    %max3A_29 = arith.constant 0.000000e+00 : f32
    %max3A_30 = vector.broadcast %max3A_29 : f32 to vector<1024x128xf32>
    %max3A_31 = arith.maximumf %add3A_28, %max3A_30 : vector<1024x128xf32>
    %swap3A = arith.constant 0 : index
    %swap3A_32 = arith.constant 0 : index
    %swap3A_33 = vector.load %arg6[%swap3A, %swap3A_32] : memref<1024x128xf32, #tpu.memory_space<vmem>>, vector<1024x128xf32>
    tpu.vector_store %arg6[%swap3A, %swap3A_32], %max3A_31 {strides = array<i32>} : memref<1024x128xf32, #tpu.memory_space<vmem>>, vector<1024x128xf32>,
    %get3A_34 = arith.constant 0 : index
    %get3A_35 = arith.constant 0 : index
    %get3A_36 = vector.load %arg4[%get3A_34, %get3A_35] : memref<128x64xf32, #tpu.memory_space<vmem>>, vector<128x64xf32>
    %dot_general3A = arith.constant dense<0.000000e+00> : vector<1024x64xf32>
    %dot_general3A_37 = tpu.matmul %max3A_31, %get3A_36, %dot_general3A {dimension_numbers = #tpu.dot_dimension_numbers<[1], [0], [0], [1], [0, 0, 1, 1], [], []>, transpose_lhs_hint = false} : vector<1024x128xf32>, vector<128x64xf32>, vector<1024x64xf32> -> vector<1024x64xf32>
    %get3A_38 = arith.constant 0 : index
    %get3A_39 = arith.constant 0 : index
    %get3A_40 = vector.load %arg5[%get3A_38, %get3A_39] : memref<1x64xf32, #tpu.memory_space<vmem>>, vector<1x64xf32>
    %add3A_41 = vector.broadcast %get3A_40 : vector<1x64xf32> to vector<1024x64xf32>
    %add3A_42 = arith.addf %dot_general3A_37, %add3A_41 : vector<1024x64xf32>
    %swap3A_43 = arith.constant 0 : index
    %swap3A_44 = arith.constant 0 : index
    %swap3A_45 = vector.load %arg7[%swap3A_43, %swap3A_44] : memref<1024x64xf32, #tpu.memory_space<vmem>>, vector<1024x64xf32>
    tpu.vector_store %arg7[%swap3A_43, %swap3A_44], %add3A_42 {strides = array<i32>} : memref<1024x64xf32, #tpu.memory_space<vmem>>, vector<1024x64xf32>,
    return
  }
  func.func @transform_0(%arg0: i32) -> (i32, i32, i32) {
    %c0_i32 = arith.constant 0 : i32
    %c0_i32_0 = arith.constant 0 : i32
    %c0_i32_1 = arith.constant 0 : i32
    return %c0_i32, %arg0, %c0_i32_0 : i32, i32, i32
  }
  func.func @transform_1(%arg0: i32) -> (i32, i32, i32) {
    %c0_i32 = arith.constant 0 : i32
    %c0_i32_0 = arith.constant 0 : i32
    %c0_i32_1 = arith.constant 0 : i32
    return %c0_i32, %arg0, %c0_i32_0 : i32, i32, i32
  }
  func.func @transform_2(%arg0: i32) -> (i32, i32) {
    %c0_i32 = arith.constant 0 : i32
    %c0_i32_0 = arith.constant 0 : i32
    return %arg0, %c0_i32 : i32, i32
  }
  func.func @transform_3(%arg0: i32) -> (i32, i32) {
    %c0_i32 = arith.constant 0 : i32
    %c0_i32_0 = arith.constant 0 : i32
    %c0_i32_1 = arith.constant 0 : i32
    return %c0_i32, %c0_i32_0 : i32, i32
  }
  func.func @transform_4(%arg0: i32) -> (i32, i32) {
    %c0_i32 = arith.constant 0 : i32
    %c0_i32_0 = arith.constant 0 : i32
    %c0_i32_1 = arith.constant 0 : i32
    return %c0_i32, %c0_i32_0 : i32, i32
  }
  func.func @transform_5(%arg0: i32) -> (i32, i32) {
    %c0_i32 = arith.constant 0 : i32
    %c0_i32_0 = arith.constant 0 : i32
    return %arg0, %c0_i32 : i32, i32
  }
  func.func @transform_6(%arg0: i32) -> (i32, i32) {
    %c0_i32 = arith.constant 0 : i32
    %c0_i32_0 = arith.constant 0 : i32
    return %arg0, %c0_i32 : i32, i32
  }
}

module attributes {stable_mosaic.version = 14 : i64} {
  func.func @_final_body(%arg0: i32, %arg1: memref<2x1024x128xf32, #tpu.memory_space<vmem>>, %arg2: memref<2x1024x128xf32, #tpu.memory_space<vmem>>, %arg3: memref<1024x64xf32, #tpu.memory_space<vmem>>, %arg4: memref<128x64xf32, #tpu.memory_space<vmem>>, %arg5: memref<1024x64xf32, #tpu.memory_space<vmem>>) attributes {dimension_semantics = [#tpu.dimension_semantics<arbitrary>], iteration_bounds = array<i64: 10>, scalar_prefetch = 0 : i64, scratch_operands = 0 : i64, tpu.core_type = #tpu.core_type<tc>, window_params = [{transform_indices = @transform_0, window_bounds = array<i64: 2, 1024, 128>}, {transform_indices = @transform_1, window_bounds = array<i64: 2, 1024, 128>}, {transform_indices = @transform_2, window_bounds = array<i64: 1024, 64>}, {pipeline_mode = #tpu.pipeline_mode<synchronous>, transform_indices = @transform_3, window_bounds = array<i64: 128, 64>}, {transform_indices = @transform_4, window_bounds = array<i64: 1024, 64>}]} {
    %get3A = arith.constant 0 : index
    %get3A_0 = arith.constant 0 : index
    %get3A_1 = arith.constant 0 : index
    %get3A_2 = vector.load %arg1[%get3A, %get3A_0, %get3A_1] : memref<2x1024x128xf32, #tpu.memory_space<vmem>>, vector<1x1024x128xf32>
    %get3A_3 = vector.shape_cast %get3A_2 : vector<1x1024x128xf32> to vector<1024x128xf32>
    %get3A_4 = arith.constant 1 : index
    %get3A_5 = arith.constant 0 : index
    %get3A_6 = arith.constant 0 : index
    %get3A_7 = vector.load %arg1[%get3A_4, %get3A_5, %get3A_6] : memref<2x1024x128xf32, #tpu.memory_space<vmem>>, vector<1x1024x128xf32>
    %get3A_8 = vector.shape_cast %get3A_7 : vector<1x1024x128xf32> to vector<1024x128xf32>
    %add3A = arith.addf %get3A_3, %get3A_8 : vector<1024x128xf32>
    %get3A_9 = arith.constant 0 : index
    %get3A_10 = arith.constant 0 : index
    %get3A_11 = arith.constant 0 : index
    %get3A_12 = vector.load %arg2[%get3A_9, %get3A_10, %get3A_11] : memref<2x1024x128xf32, #tpu.memory_space<vmem>>, vector<1x1024x1xf32>
    %get3A_13 = vector.shape_cast %get3A_12 : vector<1x1024x1xf32> to vector<1024x1xf32>
    %get3A_14 = arith.constant 1 : index
    %get3A_15 = arith.constant 0 : index
    %get3A_16 = arith.constant 0 : index
    %get3A_17 = vector.load %arg2[%get3A_14, %get3A_15, %get3A_16] : memref<2x1024x128xf32, #tpu.memory_space<vmem>>, vector<1x1024x1xf32>
    %get3A_18 = vector.shape_cast %get3A_17 : vector<1x1024x1xf32> to vector<1024x1xf32>
    %add3A_19 = arith.addf %get3A_13, %get3A_18 : vector<1024x1xf32>
    %max3A = arith.constant 1.000000e+00 : f32
    %max3A_20 = vector.broadcast %max3A : f32 to vector<1024x1xf32>
    %max3A_21 = arith.maximumf %add3A_19, %max3A_20 : vector<1024x1xf32>
    %div3A = arith.constant 1.000000e+00 : f32
    %div3A_22 = vector.broadcast %div3A : f32 to vector<1024x1xf32>
    %div3A_23 = arith.divf %div3A_22, %max3A_21 : vector<1024x1xf32>
    %mul3A = vector.broadcast %div3A_23 : vector<1024x1xf32> to vector<1024x128xf32>
    %mul3A_24 = arith.mulf %add3A, %mul3A : vector<1024x128xf32>
    %get3A_25 = arith.constant 0 : index
    %get3A_26 = arith.constant 0 : index
    %get3A_27 = vector.load %arg4[%get3A_25, %get3A_26] : memref<128x64xf32, #tpu.memory_space<vmem>>, vector<128x64xf32>
    %dot_general3A = arith.constant dense<0.000000e+00> : vector<1024x64xf32>
    %dot_general3A_28 = tpu.matmul %mul3A_24, %get3A_27, %dot_general3A {dimension_numbers = #tpu.dot_dimension_numbers<[1], [0], [0], [1], [0, 0, 1, 1], [], []>, transpose_lhs_hint = false} : vector<1024x128xf32>, vector<128x64xf32>, vector<1024x64xf32> -> vector<1024x64xf32>
    %get3A_29 = arith.constant 0 : index
    %get3A_30 = arith.constant 0 : index
    %get3A_31 = vector.load %arg3[%get3A_29, %get3A_30] : memref<1024x64xf32, #tpu.memory_space<vmem>>, vector<1024x64xf32>
    %add3A_32 = arith.addf %dot_general3A_28, %get3A_31 : vector<1024x64xf32>
    %mul3A_33 = arith.mulf %add3A_32, %add3A_32 : vector<1024x64xf32>
    %reduce_sum3A = arith.constant dense<0.000000e+00> : vector<1024xf32>
    %reduce_sum3A_34 = vector.multi_reduction <add>, %mul3A_33, %reduce_sum3A [1] : vector<1024x64xf32> to vector<1024xf32>
    %broadcast_in_dim3A = vector.shape_cast %reduce_sum3A_34 : vector<1024xf32> to vector<1024x1xf32>
    %sqrt3A = math.sqrt %broadcast_in_dim3A : vector<1024x1xf32>
    %max3A_35 = arith.constant 9.99999996E-13 : f32
    %max3A_36 = vector.broadcast %max3A_35 : f32 to vector<1024x1xf32>
    %max3A_37 = arith.maximumf %sqrt3A, %max3A_36 : vector<1024x1xf32>
    %div3A_38 = vector.broadcast %max3A_37 : vector<1024x1xf32> to vector<1024x64xf32>
    %div3A_39 = arith.divf %add3A_32, %div3A_38 : vector<1024x64xf32>
    %swap3A = arith.constant 0 : index
    %swap3A_40 = arith.constant 0 : index
    %swap3A_41 = vector.load %arg5[%swap3A, %swap3A_40] : memref<1024x64xf32, #tpu.memory_space<vmem>>, vector<1024x64xf32>
    tpu.vector_store %arg5[%swap3A, %swap3A_40], %div3A_39 {strides = array<i32>} : memref<1024x64xf32, #tpu.memory_space<vmem>>, vector<1024x64xf32>,
    return
  }
  func.func @transform_0(%arg0: i32) -> (i32, i32, i32) {
    %c0_i32 = arith.constant 0 : i32
    %c0_i32_0 = arith.constant 0 : i32
    %c0_i32_1 = arith.constant 0 : i32
    return %c0_i32, %arg0, %c0_i32_0 : i32, i32, i32
  }
  func.func @transform_1(%arg0: i32) -> (i32, i32, i32) {
    %c0_i32 = arith.constant 0 : i32
    %c0_i32_0 = arith.constant 0 : i32
    %c0_i32_1 = arith.constant 0 : i32
    return %c0_i32, %arg0, %c0_i32_0 : i32, i32, i32
  }
  func.func @transform_2(%arg0: i32) -> (i32, i32) {
    %c0_i32 = arith.constant 0 : i32
    %c0_i32_0 = arith.constant 0 : i32
    return %arg0, %c0_i32 : i32, i32
  }
  func.func @transform_3(%arg0: i32) -> (i32, i32) {
    %c0_i32 = arith.constant 0 : i32
    %c0_i32_0 = arith.constant 0 : i32
    %c0_i32_1 = arith.constant 0 : i32
    return %c0_i32, %c0_i32_0 : i32, i32
  }
  func.func @transform_4(%arg0: i32) -> (i32, i32) {
    %c0_i32 = arith.constant 0 : i32
    %c0_i32_0 = arith.constant 0 : i32
    return %arg0, %c0_i32 : i32, i32
  }
}

</mosaic_0001>

<sc_bundles>
// kernel: kernel.10.cloned.1.call-start
scs
__scs_entry_jumppad:
0x0: {  	(pc) =	sbr.rel $0x88, $3  }
0x1: {  	(tag) =	ssettag $0x0;
	lr =	simm.s32 $0x1  }
0x2: {  	[smem:$0x3F96] =	sst lr;
	_ =	strace $0xD0000000  }
0x3: {  	_ = 	snop  }
0x4: {  	_ = 	snop  }
0x5: {  	_ = 	snop  }
0x6: {  	_ = 	snop  }
0x7: {  	_ = 	snop  }
__scs_overlays_trampoline_lowered:
0x8: {  	[smem:$0x3FA5] =	sst s0  }
0x9: {  	[smem:$0x3FA6] =	sst s1  }
0xa: {  	[smem:$0x3FA7] =	sst s2  }
0xb: {  	[smem:$0x3FA8] =	sst s3  }
0xc: {  	[smem:$0x3FA9] =	sst s4  }
0xd: {  	[smem:$0x3FAA] =	sst s5  }
0xe: {  	[smem:$0x3FAB] =	sst s6  }
0xf: {  	[smem:$0x3FAC] =	sst s7  }
0x10: {  	[smem:$0x3FAD] =	sst s8  }
0x11: {  	[smem:$0x3FAE] =	sst s9;
	s0 =	simm.s32 @!p0 $0x0  }
0x12: {  	s1 =	sld [smem:$0x3F94];
	s0 =	simm.s32 @p0 $0x1  }
0x13: {  	[smem:$0x3FAF] =	sst s0;
	s0 =	simm.s32 @!p1 $0x0  }
0x14: {  	s2 =	sld [smem:$0x3F93];
	s0 =	simm.s32 @p1 $0x1  }
0x15: {  	[smem:$0x3FB0] =	sst s0;
	s0 =	simm.s32 @!p2 $0x0  }
0x16: {  	s3 =	sld [smem:$0x3FDB];
	s0 =	simm.s32 @p2 $0x1  }
0x17: {  	s4 =	simm.s32 $0x1BF5;
	[smem:$0x3FB2] =	sst s0  }
0x18: {  	s0 =	sld [smem:$0x3F95];
	_ =	swait.ge [sflag:s4], $0x0  }
0x19: {  	s7 =	sld [smem:$0x3F96]  }
0x1a: {  	s8 =	sadd.s32 $0xFFFFE003, lr  }
0x1b: {  	s9 =	sadd.s32 $0xFFFFFEF7, lr;
	s5 =	simm.s32 $0xFFFFFFFF;
	p2 =	slt.u32 s8, $0xFFFFF086  }
0x1c: {  	p1 =	slt.u32 s9, $0xF7A;
	s5 =	simm.s32 @!p2 $0x0  }
0x1d: {  	s5 =	simm.s32 @p1 $0x1;
	p0 =	seq.s32 s7, s2  }
0x1e: {  	s7 =	smul.u32 @!p0 $0xF7A, s2;
	p2 =	seq.s32 @!p0 s5, $0x0  }
0x1f: {  	s9 =	smul.u32 $0xF7A, s1;
	s8 =	simm.s32 @!p0 $0x1BF5;
	p2 =	por !p2, p0  }
0x20: {  	[sflag:s8] =	ssyncset.s32 @!p0 $0xFFFFF086;
	s6 =	sadd.s32 @!p0 s3, s7;
	s7 =	simm.s32 @!p0 $0x108  }
0x21: {  	s3 =	sadd.s32 s3, s9;
	s6 =	sadd.s32 @!p0 $0x88, s6;
	s7 =	simm.s32 @p2 $0x1082  }
0x22: {  	[simem:s7], [sflag:s8] =	dma.local @!p0 [hbm:s6], $0xF7A  }
0x23: {  	s9 =	sor.u32 $0xD0000000, s2;
	s6 =	simm.s32 $0x108;
	_ =	swait.ge @!p0 [sflag:s8], $0x0  }
0x24: {  	s3 =	sadd.s32 $0x88, s3;
	s6 =	simm.s32 @!p1 $0x1082;
	[sflag:s4] =	ssyncset.s32 $0xFFFFF086  }
0x25: {  	[simem:s6], [sflag:s4] =	dma.local [hbm:s3], $0xF7A  }
0x26: {  	[smem:$0x3F96] =	sst s1;
	(tag) =	ssettag s2;
	_ =	strace s9  }
0x27: {  	s1 =	sld [smem:$0x3FA6]  }
0x28: {  	s2 =	sld [smem:$0x3FA7]  }
0x29: {  	s4 =	sld [smem:$0x3FA9]  }
0x2a: {  	p0 =	seq.s32 s5, $0x0;
	s5 =	sld [smem:$0x3FAA]  }
0x2b: {  	s6 =	sld [smem:$0x3FAB]  }
0x2c: {  	s7 =	sld [smem:$0x3FAC]  }
0x2d: {  	s3 =	simm.s32 $0x108;
	s8 =	sld [smem:$0x3FAD]  }
0x2e: {  	s3 =	simm.s32 @!p0 $0x1082;
	s9 =	sld [smem:$0x3FAE]  }
0x2f: {  	lr =	sadd.s32 s0, s3;
	s0 =	sld [smem:$0x3FA5]  }
0x30: {  	s3 =	sld [smem:$0x3FA8]  }
0x31: {  	[smem:$0x3FB1] =	sst s10  }
0x32: {  	s10 =	sld [smem:$0x3FAF];
	_ =	sdelay $0x3  }
0x33: {  	p0 =	seq.s32 s10, $0x1;
	s10 =	sld [smem:$0x3FB1];
	_ =	sdelay $0x3  }
0x34: {  	[smem:$0x3FB1] =	sst s10  }
0x35: {  	s10 =	sld [smem:$0x3FB0];
	_ =	sdelay $0x3  }
0x36: {  	p1 =	seq.s32 s10, $0x1;
	s10 =	sld [smem:$0x3FB1];
	_ =	sdelay $0x3  }
0x37: {  	[smem:$0x3FB1] =	sst s10  }
0x38: {  	s10 =	sld [smem:$0x3FB2]  }
0x39: {  	_ = 	snop;
	(pc) =	sbr.ind lr, $3  }
0x3a: {  	_ = 	snop  }
0x3b: {  	_ = 	snop  }
0x3c: {  	p2 =	seq.s32 s10, $0x1;
	s10 =	sld [smem:$0x3FB1]  }
0x3d: {  	_ =	shalt  }
0x3e: {  	_ =	shalt  }
0x3f: {  	_ =	shalt  }
0x40: {  	_ =	shalt  }
0x41: {  	_ =	shalt  }
0x42: {  	_ =	shalt  }
0x43: {  	_ =	shalt  }
0x44: {  	_ =	shalt  }
0x45: {  	_ =	shalt  }
0x46: {  	_ =	shalt  }
0x47: {  	_ =	shalt  }
0x48: {  	_ =	shalt  }
0x49: {  	_ =	shalt  }
0x4a: {  	_ =	shalt  }
0x4b: {  	_ =	shalt  }
0x4c: {  	_ =	shalt  }
0x4d: {  	_ =	shalt  }
0x4e: {  	_ =	shalt  }
0x4f: {  	_ =	shalt  }
0x50: {  	_ =	shalt  }
0x51: {  	_ =	shalt  }
0x52: {  	_ =	shalt  }
0x53: {  	_ =	shalt  }
0x54: {  	_ =	shalt  }
0x55: {  	_ =	shalt  }
0x56: {  	_ =	shalt  }
0x57: {  	_ =	shalt  }
0x58: {  	_ =	shalt  }
0x59: {  	_ =	shalt  }
0x5a: {  	_ =	shalt  }
0x5b: {  	_ =	shalt  }
0x5c: {  	_ =	shalt  }
0x5d: {  	_ =	shalt  }
0x5e: {  	_ =	shalt  }
0x5f: {  	_ =	shalt  }
0x60: {  	_ =	shalt  }
0x61: {  	_ =	shalt  }
0x62: {  	_ =	shalt  }
0x63: {  	_ =	shalt  }
0x64: {  	_ =	shalt  }
0x65: {  	_ =	shalt  }
0x66: {  	_ =	shalt  }
0x67: {  	_ =	shalt  }
0x68: {  	_ =	shalt  }
0x69: {  	_ =	shalt  }
0x6a: {  	_ =	shalt  }
0x6b: {  	_ =	shalt  }
0x6c: {  	_ =	shalt  }
0x6d: {  	_ =	shalt  }
0x6e: {  	_ =	shalt  }
0x6f: {  	_ =	shalt  }
0x70: {  	_ =	shalt  }
0x71: {  	_ =	shalt  }
0x72: {  	_ =	shalt  }
0x73: {  	_ =	shalt  }
0x74: {  	_ =	shalt  }
0x75: {  	_ =	shalt  }
0x76: {  	_ =	shalt  }
0x77: {  	_ =	shalt  }
0x78: {  	_ =	shalt  }
0x79: {  	_ =	shalt  }
0x7a: {  	_ =	shalt  }
0x7b: {  	_ =	shalt  }
0x7c: {  	_ =	shalt  }
0x7d: {  	_ =	shalt  }
0x7e: {  	_ =	shalt  }
0x7f: {  	_ =	shalt  }
0x80: {  	_ =	shalt  }
0x81: {  	_ =	shalt  }
0x82: {  	_ =	shalt  }
0x83: {  	_ =	shalt  }
0x84: {  	_ =	shalt  }
0x85: {  	_ =	shalt  }
0x86: {  	_ =	shalt  }
0x87: {  	_ =	shalt  }
.Lfunc_end0:
.L_simem_size_0:
called_computation_lowered:
.L_overlay_start_0:
0x88: {  	s2 =	sld [smem:$0x3FD9]  }
0x89: {  	s3 =	sld [smem:$0x3FFE];
	_ =	sdelay $0x1  }
0x8a: {  	s1 =	srdreg.scid  }
0x8b: {  	s0 =	sand.u32 $0x1, s1  }
0x8c: {  	s17 =	sshll.u32 s0, $0xA;
	s2 =	sadd.s32 s3, s2  }
0x8d: {  	s2 =	sadd.s32 s2, s17  }
0x8e: {  	[smem:$0x3FBD] =	sst s2  }
0x8f: {  	_ = 	snop  }
0x90: {  	(tm) =	ssettm $0x1  }
0x91: {  	s18 =	sld [smem:$0x3FFB];
	_ =	sdelay $0x3  }
0x92: {  	_ =	strace s18  }
0x93: {  	s2 =	sld [smem:$0x3FFC];
	_ =	sdelay $0x3  }
0x94: {  	_ =	strace s2  }
0x95: {  	s2 =	sld [smem:$0x3FFD];
	_ =	sdelay $0x3  }
0x96: {  	_ =	strace s2  }
0x97: {  	_ =	strace $0x8FFFFFFF  }
0x98: {  	s19 =	sld [smem:$0x3FDB];
	_ =	sdelay $0x1  }
0x99: {  	s20 =	simm.s32 $_scs_section_size  }
0x9a: {  	s4 =	simm.s32 $_size__tile_overlayer_lowered;
	s5 =	simm.s32 $_tile_overlayer_lowered  }
0x9b: {  	s6 =	simm.s32 $0x1BFF;
	s21 =	sshll.u32 s5, $0x1;
	s3 =	sadd.s32 s20, s19  }
0x9c: {  	s22 =	simm.s32 $0x0;
	s4 =	sshll.u32 s4, $0x1;
	s5 =	sadd.s32 s21, s3  }
0x9d: {  	[timem:s22], [sflag:s6] =	dma.local [hbm:s5], s4  }
0x9e: {  	_ =	swait.ge [sflag:s6], s4  }
0x9f: {  	s4 =	ssub.s32 $0x0, s4;
	[sflag:s6] =	ssyncset.done $0x0  }
0xa0: {  	[sflag:s6] =	ssyncadd.s32 s4;
	_ =	sdelay $0x1  }
0xa1: {  	s23 =	simm.s32 $0x1B8B  }
0xa2: {  	_ =	swait.ge [sflag:s23], $0x1  }
0xa3: {  	[sflag:s23] =	ssyncset.done $0x0  }
0xa4: {  	[sflag:s23] =	ssyncadd.s32 $0xFFFFFFFF  }
0xa5: {  	s4 =	sld [smem:$0x0]  }
0xa6: {  	s5 =	sand.u32 $0xFFFFFFFE, s1  }
0xa7: {  	p0 =	sne.s32 s1, s5  }
0xa8: {  	s5 =	sshll.u32 @p0 s5, $0xE  }
0xa9: {  	s5 =	sadd.s32 @p0 $0x11B8D, s5;
	s6 =	sshll.u32 @p0 s4, $0x11  }
0xaa: {  	s5 =	sor.u32 @p0 s6, s5  }
0xab: {  	[sflag:s5] =	ssyncadd.remote.s32 @p0 $0x1;
	_ =	sdelay $0x1  }
0xac: {  	s5 =	simm.s32 @p0 $0x1B8D  }
0xad: {  	_ =	swait.eq @p0 [sflag:s5], $0x1  }
0xae: {  	[sflag:s5] =	ssyncadd.s32 @p0 $0xFFFFFFFF  }
0xaf: {  	s6 =	sshll.u32 @!p0 s1, $0xE  }
0xb0: {  	s6 =	sor.u32 @!p0 $0x4000, s6;
	s5 =	simm.s32 @!p0 $0x1B8D  }
0xb1: {  	s4 =	sshll.u32 @!p0 s4, $0x11;
	s6 =	sadd.s32 @!p0 $0x11B8D, s6;
	_ =	swait.eq @!p0 [sflag:s5], $0x1  }
0xb2: {  	s4 =	sor.u32 @!p0 s4, s6;
	[sflag:s5] =	ssyncadd.s32 @!p0 $0xFFFFFFFF  }
0xb3: {  	s25 =	simm.s32 $0x1B8E;
	s24 =	sld [smem:$0x3FFE];
	[sflag:s4] =	ssyncadd.remote.s32 @!p0 $0x1  }
0xb4: {  	s26 =	simm.s32 $execute0_lowered;
	[smem:$0x3FD2] =	sst s25  }
0xb5: {  	s5 =	sshll.u32 s26, $0x1;
	_ =	strace $0x80000049;
	[dreg:$0x1] =	wrdreg $0xFFFFFFFF  }
0xb6: {  	s28 =	simm.s32 $_size_execute0_lowered;
	s3 =	sadd.s32 s3, s5;
	[dreg:$0x0] =	wrdreg $0x0  }
0xb7: {  	s5 =	sshll.u32 s28, $0x1;
	[dreg:$0x2] =	wrdreg s3  }
0xb8: {  	[dreg:$0x3] =	wrdreg s5  }
0xb9: {  	[dreg:$0x4] =	wrdreg $0xC0  }
0xba: {  	_ =	task [dreg:s22], $0x5FFFF  }
0xbb: {  	[dreg:$0x1] =	wrdreg $0xFFFFFFFF  }
0xbc: {  	[dreg:$0x0] =	wrdreg $0x60  }
0xbd: {  	[dreg:$0x2] =	wrdreg s24  }
0xbe: {  	[dreg:$0x3] =	wrdreg $0x0  }
0xbf: {  	[dreg:$0x4] =	wrdreg $0x9  }
0xc0: {  	_ =	task.clear_ibuf [dreg:s22], $0x5FFFF;
	_ =	strace $0x90000049  }
0xc1: {  	s29 =	simm.s32 $0x9;
	_ =	strace $0x8000004B  }
0xc2: {  	_ =	swait.ge [sflag:s29], $0x1  }
0xc3: {  	[sflag:s29] =	ssyncadd.s32 $0xFFFFFFFF  }
0xc4: {  	_ =	strace $0x9000004B  }
0xc5: {  	_ =	sfence  }
0xc6: {  	s30 =	sld [smem:$0x0];
	_ =	sdelay $0x2  }
0xc7: {  	s31 =	sshll.u32 s1, $0xD;
	s1 =	sshrl.u32 s1, $0x2  }
0xc8: {  	s4 =	sand.u32 $0x4000, s31;
	s1 =	sadd.s32 s1, s30  }
0xc9: {  	s0 =	sor.u32 s4, s0;
	s1 =	sshll.u32 s1, $0x11  }
0xca: {  	s0 =	sor.u32 s1, s0  }
0xcb: {  	s0 =	sadd.s32 $0x8F2B, s0  }
0xcc: {  	[sflag:s0] =	ssyncadd.remote.s32 $0x1  }
0xcd: {  	_ =	sfence.sel $0xFFFF  }
0xce: {  	[dreg:$0x0] =	wrdreg $0xFFFFFFFF;
	(pc) =	sbr.abs _section_cstart, $3  }
0xcf: {  	[dreg:$0x1] =	wrdreg $0xFFFFFFFF  }
0xd0: {  	_ =	task.clear_ibuf [dreg:s22], $0x2FFFF;
	_ =	strace $0x9FFFFFFF  }
0xd1: {  	(tm) =	ssettm $0x7FFFFFFF  }
tec
execute0_lowered:
.L_overlay_start_1:
0x0: {  	(tag) =	ssettag $0x1  }
0x1: {  	s0 =	srdreg.scid  }
0x2: {  	s1 =	rddreg [dreg:$0x0];
	s12 =	stileid.u32  }
0x3: {  	s2 =	rddreg [dreg:$0x1];
	s28 =	simm.s32 $0x14100;
	s29 =	simm.s32 $0x2  }
0x4: {  	s30 =	simm.s32 $0x14000;
	s0 =	sand.u32 $0x1, s0;
	s8 =	smul.u32 $0x14000, s12  }
0x5: {  	s31 =	simm.s32 $0x14080;
	s11 =	sadd.s32 $0xAE000, s1;
	s6 =	smul.u32 $0x140000, s0  }
0x6: {  	s3 =	sshll.u32 s0, $0x4;
	s5 =	ssub.s32 $0x2, s0;
	s0 =	smul.u32 $0x27B00, s0  }
0x7: {  	s4 =	sor.u32 s12, s3;
	s3 =	simm.s32 $0x0;
	s7 =	sshrl.u32 s5, $0x1  }
0x8: {  	s18 =	sor.u32 $0x2800, s8;
	s19 =	sadd.s32 $0x5000, s8;
	s20 =	sadd.s32 $0x7800, s8  }
0x9: {  	s21 =	sadd.s32 $0xA000, s8;
	s22 =	sadd.s32 $0xC800, s8;
	s23 =	sadd.s32 $0xF000, s8  }
0xa: {  	s24 =	sadd.s32 $0x11800, s8;
	s4 =	smul.u32 $0x27B0, s4;
	[smem:$0x7FF] =	sst s3  }
0xb: {  	s5 =	ssub.s32 s5, s7;
	s7 =	smul.u32 $0x50000, s12;
	s8 =	sadd.s32 s6, s8  }
0xc: {  	s9 =	sadd.s32 s6, s18;
	s10 =	sadd.s32 s6, s19;
	s17 =	sadd.s32 s6, s20  }
0xd: {  	s25 =	sadd.s32 s6, s21;
	s26 =	sadd.s32 s6, s22;
	s18 =	sadd.s32 s18, s2  }
0xe: {  	s19 =	sadd.s32 s19, s2;
	s20 =	sadd.s32 s20, s2;
	s21 =	sadd.s32 s21, s2  }
0xf: {  	s22 =	sadd.s32 s22, s2;
	_ =	strace $0x8000004A;
	s8 =	sshrl.u32 s8, $0x3  }
0x10: {  	s9 =	sshrl.u32 s9, $0x3;
	s16 =	sshrl.u32 s10, $0x3;
	s8 =	sadd.s32 s11, s8  }
0x11: {  	s14 =	sshrl.u32 s26, $0x3;
	s15 =	sadd.s32 s11, s9;
	[dreg:$0x3] =	wrdreg s8  }
0x12: {  	s9 =	sshrl.u32 s25, $0x3;
	s25 =	sshrl.u32 s7, $0x2;
	[dreg:$0x4] =	wrdreg s15  }
0x13: {  	s8 =	sadd.s32 s11, s16;
	s13 =	sadd.s32 s11, s9;
	s15 =	sadd.s32 s6, s23  }
0x14: {  	s6 =	sadd.s32 s6, s24;
	s16 =	sadd.s32 s11, s14;
	s14 =	sadd.s32 $0xADA00, s1  }
0x15: {  	s23 =	sadd.s32 s23, s2;
	s24 =	sadd.s32 s24, s2;
	[dreg:$0x5] =	wrdreg s8  }
0x16: {  	s8 =	sshrl.u32 s17, $0x3;
	[dreg:$0x7] =	wrdreg s13;
	s10 =	sshrl.u32 s15, $0x3  }
0x17: {  	s6 =	sshrl.u32 s6, $0x3;
	s13 =	smul.u32 $0x27B0, s12;
	[dreg:$0x8] =	wrdreg s16  }
0x18: {  	s12 =	sadd.s32 $0x3A00, s1;
	s17 =	sshrl.u32 s4, $0x3;
	s16 =	sadd.s32 s25, s2  }
0x19: {  	s4 =	simm.s32 $0x0;
	s8 =	sadd.s32 s11, s8;
	s10 =	sadd.s32 s11, s10  }
0x1a: {  	s11 =	sadd.s32 s11, s6;
	s15 =	sadd.s32 s12, s17;
	s0 =	sadd.s32 s13, s0  }
0x1b: {  	s17 =	smax.u32 s5, $0x1;
	[dreg:$0x6] =	wrdreg s8;
	s26 =	sadd.s32 $0x50, s0  }
0x1c: {  	s13 =	sadd.s32 $0x35A00, s1;
	s25 =	sadd.s32 $0xA0, s0;
	s1 =	sshrl.u32 s26, $0x3  }
0x1d: {  	s0 =	simm.s32 $0x1;
	s26 =	sadd.s32 s1, s12;
	s1 =	simm.s32 $0x50  }
.LBB2_1:
0x1e: {  	[tilespmem:s28], [sflag:$0x2] =	stream.linear.gather [hbm4b:s13+s3], $0x2800, $0x38;
	[tilespmem:$0x16900] =	vst v63  }
0x1f: {  	_ =	swait.ge [sflag:s29], $0x2800  }
0x20: {  	[sflag:s29] =	ssyncset.done $0x0  }
0x21: {  	[sflag:s29] =	ssyncadd.s32 $0xFFFFD800  }
0x22: {  	[spmem:s16] =	stream.linear.scatter [tilespmem:s28], [sflag:$0x2], $0x2800, $0x38;
	[tilespmem:$0x16900] =	vst v63  }
0x23: {  	_ =	swait.ge [sflag:s29], $0x2800  }
0x24: {  	[sflag:s29] =	ssyncset.done $0x0  }
0x25: {  	[sflag:s29] =	ssyncadd.s32 $0xFFFFD800  }
0x26: {  	[spmem:s18] =	stream.linear.scatter [tilespmem:s28], [sflag:$0x2], $0x2800, $0x38;
	[tilespmem:$0x16900] =	vst v63  }
0x27: {  	_ =	swait.ge [sflag:s29], $0x2800  }
0x28: {  	[sflag:s29] =	ssyncset.done $0x0  }
0x29: {  	[sflag:s29] =	ssyncadd.s32 $0xFFFFD800  }
0x2a: {  	[spmem:s19] =	stream.linear.scatter [tilespmem:s28], [sflag:$0x2], $0x2800, $0x38;
	[tilespmem:$0x16900] =	vst v63  }
0x2b: {  	_ =	swait.ge [sflag:s29], $0x2800  }
0x2c: {  	[sflag:s29] =	ssyncset.done $0x0  }
0x2d: {  	[sflag:s29] =	ssyncadd.s32 $0xFFFFD800  }
0x2e: {  	[spmem:s20] =	stream.linear.scatter [tilespmem:s28], [sflag:$0x2], $0x2800, $0x38;
	[tilespmem:$0x16900] =	vst v63  }
0x2f: {  	_ =	swait.ge [sflag:s29], $0x2800  }
0x30: {  	[sflag:s29] =	ssyncset.done $0x0  }
0x31: {  	[sflag:s29] =	ssyncadd.s32 $0xFFFFD800  }
0x32: {  	[spmem:s21] =	stream.linear.scatter [tilespmem:s28], [sflag:$0x2], $0x2800, $0x38;
	[tilespmem:$0x16900] =	vst v63  }
0x33: {  	_ =	swait.ge [sflag:s29], $0x2800  }
0x34: {  	[sflag:s29] =	ssyncset.done $0x0  }
0x35: {  	[sflag:s29] =	ssyncadd.s32 $0xFFFFD800  }
0x36: {  	[spmem:s22] =	stream.linear.scatter [tilespmem:s28], [sflag:$0x2], $0x2800, $0x38;
	[tilespmem:$0x16900] =	vst v63  }
0x37: {  	_ =	swait.ge [sflag:s29], $0x2800  }
0x38: {  	[sflag:s29] =	ssyncset.done $0x0  }
0x39: {  	[sflag:s29] =	ssyncadd.s32 $0xFFFFD800  }
0x3a: {  	[spmem:s23] =	stream.linear.scatter [tilespmem:s28], [sflag:$0x2], $0x2800, $0x38;
	[tilespmem:$0x16900] =	vst v63  }
0x3b: {  	_ =	swait.ge [sflag:s29], $0x2800  }
0x3c: {  	[sflag:s29] =	ssyncset.done $0x0  }
0x3d: {  	[sflag:s29] =	ssyncadd.s32 $0xFFFFD800  }
0x3e: {  	[spmem:s24] =	stream.linear.scatter [tilespmem:s28], [sflag:$0x2], $0x2800, $0x38;
	[tilespmem:$0x16900] =	vst v63  }
0x3f: {  	_ =	swait.ge [sflag:s29], $0x2800  }
0x40: {  	[sflag:s29] =	ssyncset.done $0x0  }
0x41: {  	[sflag:s29] =	ssyncadd.s32 $0xFFFFD800  }
0x42: {  	[tilespmem:s28], [sflag:$0x2] =	stream.linear.gather [hbm4b:s14+s3], $0x2800, $0x38;
	[tilespmem:$0x16900] =	vst v63  }
0x43: {  	_ =	swait.ge [sflag:s29], $0x2800  }
0x44: {  	[sflag:s29] =	ssyncset.done $0x0  }
0x45: {  	[sflag:s29] =	ssyncadd.s32 $0xFFFFD800  }
0x46: {  	[tilespmem:s30], [sflag:$0x2] =	stream.linear.gather [hbm4b:s15+s3], $0x50, $0x38;
	[tilespmem:$0x16900] =	vst v63  }
0x47: {  	_ =	swait.ge [sflag:s29], $0x50  }
0x48: {  	[sflag:s29] =	ssyncset.done $0x0  }
0x49: {  	[sflag:s29] =	ssyncadd.s32 $0xFFFFFFB0  }
0x4a: {  	s5 =	sadd.s32 $0x0, s26;
	[bflag:$0x0] =	sbarrier.arrive $0xFFFF  }
0x4b: {  	[tilespmem:s31], [sflag:$0x1] =	stream.linear.gather [hbm4b:s5+s3], $0x50, $0x38;
	[tilespmem:$0x16900] =	vst v63  }
0x4c: {  	_ = 	snop  }
0x4d: {  	[spmem:s2] =	stream.indirect.scatter.add.f32 [tilespmem:s28], [sflag:$0x2], $0x80, s30, s1, $0xb8;
	[tilespmem:$0x16900] =	vst v63  }
0x4e: {  	_ =	swait.ge [sflag:s29], $0x2800  }
0x4f: {  	[sflag:s29] =	ssyncset.done $0x0  }
0x50: {  	[sflag:s29] =	ssyncadd.s32 $0xFFFFD800  }
0x51: {  	_ =	swait.ge [sflag:s0], $0x50  }
0x52: {  	s9 =	sshrl.u32 s25, $0x3;
	[sflag:s0] =	ssyncset.done $0x0  }
0x53: {  	s5 =	sadd.s32 s12, s9;
	[sflag:s0] =	ssyncadd.s32 $0xFFFFFFB0  }
0x54: {  	[tilespmem:s30], [sflag:$0x1] =	stream.linear.gather [hbm4b:s5+s3], $0x50, $0x38;
	[tilespmem:$0x16900] =	vst v63  }
0x55: {  	_ = 	snop  }
0x56: {  	[spmem:s2] =	stream.indirect.scatter.add.f32 [tilespmem:s28], [sflag:$0x2], $0x80, s31, s1, $0xb8;
	[tilespmem:$0x16900] =	vst v63  }
0x57: {  	_ =	swait.ge [sflag:s29], $0x2800  }
0x58: {  	[sflag:s29] =	ssyncset.done $0x0  }
0x59: {  	[sflag:s29] =	ssyncadd.s32 $0xFFFFD800  }
0x5a: {  	s6 =	simm.s32 $0x14;
	_ =	swait.ge [sflag:s0], $0x50  }
0x5b: {  	s7 =	simm.s32 $0x28;
	s5 =	sadd.s32 $0xA0, s25;
	[sflag:s0] =	ssyncset.done $0x0  }
.LBB2_2:
0x5c: {  	s8 =	sadd.s32 s6, s26  }
0x5d: {  	[sflag:s0] =	ssyncadd.s32 $0xFFFFFFB0;
	s6 =	smov.u32 s7;
	s9 =	sadd.s32 $0x14, s7  }
0x5e: {  	[tilespmem:s31], [sflag:$0x1] =	stream.linear.gather [hbm4b:s8+s3], $0x50, $0x38;
	[tilespmem:$0x16900] =	vst v63  }
0x5f: {  	p0 =	sne.s32 s7, $0x4D8  }
0x60: {  	[spmem:s2] =	stream.indirect.scatter.add.f32 [tilespmem:s28], [sflag:$0x2], $0x80, s30, s1, $0xb8;
	[tilespmem:$0x16900] =	vst v63  }
0x61: {  	_ =	swait.ge [sflag:s29], $0x2800  }
0x62: {  	[sflag:s29] =	ssyncset.done $0x0  }
0x63: {  	[sflag:s29] =	ssyncadd.s32 $0xFFFFD800  }
0x64: {  	_ =	swait.ge [sflag:s0], $0x50  }
0x65: {  	s7 =	sshrl.u32 s5, $0x3;
	[sflag:s0] =	ssyncset.done $0x0  }
0x66: {  	s7 =	sadd.s32 s12, s7;
	[sflag:s0] =	ssyncadd.s32 $0xFFFFFFB0  }
0x67: {  	[tilespmem:s30], [sflag:$0x1] =	stream.linear.gather [hbm4b:s7+s3], $0x50, $0x38;
	[tilespmem:$0x16900] =	vst v63  }
0x68: {  	_ = 	snop  }
0x69: {  	[spmem:s2] =	stream.indirect.scatter.add.f32 [tilespmem:s28], [sflag:$0x2], $0x80, s31, s1, $0xb8;
	[tilespmem:$0x16900] =	vst v63  }
.Ltmp0:
0x6a: {  	_ =	swait.ge [sflag:s29], $0x2800;
	(pc) =	sbr.rel @p0 .LBB2_2-.Ltmp0, $4  }
0x6b: {  	[sflag:s29] =	ssyncset.done $0x0  }
0x6c: {  	[sflag:s29] =	ssyncadd.s32 $0xFFFFD800  }
0x6d: {  	_ =	swait.ge [sflag:s0], $0x50  }
0x6e: {  	s5 =	sadd.s32 $0xA0, s5;
	s7 =	smov.u32 s9;
	[sflag:s0] =	ssyncset.done $0x0  }
0x6f: {  	s6 =	sadd.s32 s6, s26;
	[sflag:s0] =	ssyncadd.s32 $0xFFFFFFB0  }
0x70: {  	[tilespmem:s31], [sflag:$0x1] =	stream.linear.gather [hbm4b:s6+s3], $0x50, $0x38;
	[tilespmem:$0x16900] =	vst v63  }
0x71: {  	_ = 	snop  }
0x72: {  	[spmem:s2] =	stream.indirect.scatter.add.f32 [tilespmem:s28], [sflag:$0x2], $0x80, s30, s1, $0xb8;
	[tilespmem:$0x16900] =	vst v63  }
0x73: {  	_ =	swait.ge [sflag:s29], $0x2800  }
0x74: {  	[sflag:s29] =	ssyncset.done $0x0  }
0x75: {  	[sflag:s29] =	ssyncadd.s32 $0xFFFFD800  }
0x76: {  	_ =	swait.ge [sflag:s0], $0x50  }
0x77: {  	s5 =	sshrl.u32 s5, $0x3;
	[sflag:s0] =	ssyncset.done $0x0  }
0x78: {  	s5 =	sadd.s32 s12, s5;
	[sflag:s0] =	ssyncadd.s32 $0xFFFFFFB0  }
0x79: {  	[tilespmem:s30], [sflag:$0x1] =	stream.linear.gather [hbm4b:s5+s3], $0x50, $0x38;
	[tilespmem:$0x16900] =	vst v63  }
0x7a: {  	_ = 	snop  }
0x7b: {  	[spmem:s2] =	stream.indirect.scatter.add.f32 [tilespmem:s28], [sflag:$0x2], $0x80, s31, s1, $0xb8;
	[tilespmem:$0x16900] =	vst v63  }
0x7c: {  	_ =	swait.ge [sflag:s29], $0x2800  }
0x7d: {  	[sflag:s29] =	ssyncset.done $0x0  }
0x7e: {  	[sflag:s29] =	ssyncadd.s32 $0xFFFFD800  }
0x7f: {  	_ =	swait.ge [sflag:s0], $0x50  }
0x80: {  	[sflag:s0] =	ssyncset.done $0x0  }
0x81: {  	[sflag:s0] =	ssyncadd.s32 $0xFFFFFFB0  }
0x82: {  	[bflag:$0x0] =	sbarrier.arrive $0xFFFF  }
0x83: {  	[tilespmem:s28], [sflag:$0x2] =	stream.linear.gather [spmem:s16], $0x2800, $0x38;
	[tilespmem:$0x16900] =	vst v63  }
0x84: {  	_ =	swait.ge [sflag:s29], $0x2800  }
0x85: {  	[sflag:s29] =	ssyncset.done $0x0  }
0x86: {  	s8 =	rddreg [dreg:$0x3];
	[sflag:s29] =	ssyncadd.s32 $0xFFFFD800  }
0x87: {  	[hbm4b:s8+s3] =	stream.linear.scatter [tilespmem:s28], [sflag:$0x2], $0x2800, $0x38;
	[tilespmem:$0x16900] =	vst v63  }
0x88: {  	_ =	swait.ge [sflag:s29], $0x2800  }
0x89: {  	[sflag:s29] =	ssyncset.done $0x0  }
0x8a: {  	[sflag:s29] =	ssyncadd.s32 $0xFFFFD800  }
0x8b: {  	[tilespmem:s28], [sflag:$0x2] =	stream.linear.gather [spmem:s18], $0x2800, $0x38;
	[tilespmem:$0x16900] =	vst v63  }
0x8c: {  	_ =	swait.ge [sflag:s29], $0x2800  }
0x8d: {  	[sflag:s29] =	ssyncset.done $0x0  }
0x8e: {  	s9 =	rddreg [dreg:$0x4];
	[sflag:s29] =	ssyncadd.s32 $0xFFFFD800  }
0x8f: {  	[hbm4b:s9+s3] =	stream.linear.scatter [tilespmem:s28], [sflag:$0x2], $0x2800, $0x38;
	[tilespmem:$0x16900] =	vst v63  }
0x90: {  	_ =	swait.ge [sflag:s29], $0x2800  }
0x91: {  	[sflag:s29] =	ssyncset.done $0x0  }
0x92: {  	[sflag:s29] =	ssyncadd.s32 $0xFFFFD800  }
0x93: {  	[tilespmem:s28], [sflag:$0x2] =	stream.linear.gather [spmem:s19], $0x2800, $0x38;
	[tilespmem:$0x16900] =	vst v63  }
0x94: {  	_ =	swait.ge [sflag:s29], $0x2800  }
0x95: {  	[sflag:s29] =	ssyncset.done $0x0  }
0x96: {  	s6 =	rddreg [dreg:$0x5];
	[sflag:s29] =	ssyncadd.s32 $0xFFFFD800  }
0x97: {  	[hbm4b:s6+s3] =	stream.linear.scatter [tilespmem:s28], [sflag:$0x2], $0x2800, $0x38;
	[tilespmem:$0x16900] =	vst v63  }
0x98: {  	_ =	swait.ge [sflag:s29], $0x2800  }
0x99: {  	[sflag:s29] =	ssyncset.done $0x0  }
0x9a: {  	[sflag:s29] =	ssyncadd.s32 $0xFFFFD800  }
0x9b: {  	[tilespmem:s28], [sflag:$0x2] =	stream.linear.gather [spmem:s20], $0x2800, $0x38;
	[tilespmem:$0x16900] =	vst v63  }
0x9c: {  	_ =	swait.ge [sflag:s29], $0x2800  }
0x9d: {  	[sflag:s29] =	ssyncset.done $0x0  }
0x9e: {  	s7 =	rddreg [dreg:$0x6];
	[sflag:s29] =	ssyncadd.s32 $0xFFFFD800  }
0x9f: {  	[hbm4b:s7+s3] =	stream.linear.scatter [tilespmem:s28], [sflag:$0x2], $0x2800, $0x38;
	[tilespmem:$0x16900] =	vst v63  }
0xa0: {  	_ =	swait.ge [sflag:s29], $0x2800  }
0xa1: {  	[sflag:s29] =	ssyncset.done $0x0  }
0xa2: {  	[sflag:s29] =	ssyncadd.s32 $0xFFFFD800  }
0xa3: {  	[tilespmem:s28], [sflag:$0x2] =	stream.linear.gather [spmem:s21], $0x2800, $0x38;
	[tilespmem:$0x16900] =	vst v63  }
0xa4: {  	_ =	swait.ge [sflag:s29], $0x2800  }
0xa5: {  	[sflag:s29] =	ssyncset.done $0x0  }
0xa6: {  	s8 =	rddreg [dreg:$0x7];
	[sflag:s29] =	ssyncadd.s32 $0xFFFFD800  }
0xa7: {  	[hbm4b:s8+s3] =	stream.linear.scatter [tilespmem:s28], [sflag:$0x2], $0x2800, $0x38;
	[tilespmem:$0x16900] =	vst v63  }
0xa8: {  	_ =	swait.ge [sflag:s29], $0x2800  }
0xa9: {  	[sflag:s29] =	ssyncset.done $0x0  }
0xaa: {  	[sflag:s29] =	ssyncadd.s32 $0xFFFFD800  }
0xab: {  	[tilespmem:s28], [sflag:$0x2] =	stream.linear.gather [spmem:s22], $0x2800, $0x38;
	[tilespmem:$0x16900] =	vst v63  }
0xac: {  	_ =	swait.ge [sflag:s29], $0x2800  }
0xad: {  	[sflag:s29] =	ssyncset.done $0x0  }
0xae: {  	s9 =	rddreg [dreg:$0x8];
	[sflag:s29] =	ssyncadd.s32 $0xFFFFD800  }
0xaf: {  	[hbm4b:s9+s3] =	stream.linear.scatter [tilespmem:s28], [sflag:$0x2], $0x2800, $0x38;
	[tilespmem:$0x16900] =	vst v63  }
0xb0: {  	_ =	swait.ge [sflag:s29], $0x2800  }
0xb1: {  	[sflag:s29] =	ssyncset.done $0x0  }
0xb2: {  	[sflag:s29] =	ssyncadd.s32 $0xFFFFD800  }
0xb3: {  	[tilespmem:s28], [sflag:$0x2] =	stream.linear.gather [spmem:s23], $0x2800, $0x38;
	[tilespmem:$0x16900] =	vst v63  }
0xb4: {  	_ =	swait.ge [sflag:s29], $0x2800  }
0xb5: {  	[sflag:s29] =	ssyncset.done $0x0  }
0xb6: {  	[sflag:s29] =	ssyncadd.s32 $0xFFFFD800  }
0xb7: {  	[hbm4b:s10+s3] =	stream.linear.scatter [tilespmem:s28], [sflag:$0x2], $0x2800, $0x38;
	[tilespmem:$0x16900] =	vst v63  }
0xb8: {  	_ =	swait.ge [sflag:s29], $0x2800  }
0xb9: {  	[sflag:s29] =	ssyncset.done $0x0  }
0xba: {  	[sflag:s29] =	ssyncadd.s32 $0xFFFFD800  }
0xbb: {  	[tilespmem:s28], [sflag:$0x2] =	stream.linear.gather [spmem:s24], $0x2800, $0x38;
	[tilespmem:$0x16900] =	vst v63  }
0xbc: {  	s4 =	sadd.s32 $0x1, s4;
	_ =	swait.ge [sflag:s29], $0x2800  }
0xbd: {  	p0 =	sne.s32 s4, s17;
	[sflag:s29] =	ssyncset.done $0x0  }
.Ltmp1:
0xbe: {  	[sflag:s29] =	ssyncadd.s32 $0xFFFFD800;
	(pc) =	sbr.rel @p0 .LBB2_1-.Ltmp1, $4  }
0xbf: {  	[hbm4b:s11+s3] =	stream.linear.scatter [tilespmem:s28], [sflag:$0x2], $0x2800, $0x38;
	[tilespmem:$0x16900] =	vst v63  }
0xc0: {  	_ =	swait.ge [sflag:s29], $0x2800  }
0xc1: {  	[sflag:s29] =	ssyncset.done $0x0  }
0xc2: {  	[sflag:s29] =	ssyncadd.s32 $0xFFFFD800  }
0xc3: {  	_ =	sfence.sel $0x180000  }
0xc4: {  	[bflag:$0x0] =	sbarrier.arrive $0xFFFF  }
0xc5: {  	_ =	strace $0x9000004A  }
0xc6: {  	s0 =	stileid.u32;
	[bflag:$0x2] =	sbarrier.arrive $0xFFFF  }
0xc7: {  	p0 =	sne.s32 s0, $0x0;
	s0 =	rddreg [dreg:$0x2]  }
0xc8: {  	s0 =	sadd.s32 @!p0 $0x100000, s0  }
0xc9: {  	[sflag:s0] =	ssyncadd.tile.s32 @!p0 $0x1;
	_ =	shalt  }
.Lfunc_end2:
_tile_overlayer_lowered:
.L_overlay_start_2:
0xca: {  	(tag) =	ssettag $0x2  }
0xcb: {  	s0 =	rddreg [dreg:$0x0];
	s2 =	stileid.u32  }
0xcc: {  	s1 =	rddreg [dreg:$0x1];
	p0 =	sne.s32 s2, $0x0  }
0xcd: {  	s3 =	rddreg [dreg:$0x2];
	[bflag:$0x3] =	sbarrier.arrive $0xFFFF;
	s2 =	simm.s32 @!p0 $0x1C02  }
0xce: {  	[timem:s3], [sflag:s2] =	dma.local @!p0 [hbm:s0], s1  }
0xcf: {  	s0 =	simm.s32 @!p0 $0x2  }
0xd0: {  	_ =	swait.ge @!p0 [sflag:s0], s1  }
0xd1: {  	s1 =	ssub.s32 @!p0 $0x0, s1;
	[sflag:s0] =	ssyncset.done @!p0 $0x0  }
0xd2: {  	[sflag:s0] =	ssyncadd.s32 @!p0 s1  }
0xd3: {  	[bflag:$0x3] =	sbarrier.arrive $0xFFFF  }
0xd4: {  	_ =	shalt  }

// kernel: kernel.13.cloned.1.call-start
scs
__scs_entry_jumppad:
0x0: {  	(pc) =	sbr.rel $0x88, $3  }
0x1: {  	(tag) =	ssettag $0x0;
	lr =	simm.s32 $0x1  }
0x2: {  	[smem:$0x3F96] =	sst lr;
	_ =	strace $0xD0000000  }
0x3: {  	_ = 	snop  }
0x4: {  	_ = 	snop  }
0x5: {  	_ = 	snop  }
0x6: {  	_ = 	snop  }
0x7: {  	_ = 	snop  }
__scs_overlays_trampoline_lowered:
0x8: {  	[smem:$0x3FA5] =	sst s0  }
0x9: {  	[smem:$0x3FA6] =	sst s1  }
0xa: {  	[smem:$0x3FA7] =	sst s2  }
0xb: {  	[smem:$0x3FA8] =	sst s3  }
0xc: {  	[smem:$0x3FA9] =	sst s4  }
0xd: {  	[smem:$0x3FAA] =	sst s5  }
0xe: {  	[smem:$0x3FAB] =	sst s6  }
0xf: {  	[smem:$0x3FAC] =	sst s7  }
0x10: {  	[smem:$0x3FAD] =	sst s8  }
0x11: {  	[smem:$0x3FAE] =	sst s9;
	s0 =	simm.s32 @!p0 $0x0  }
0x12: {  	s1 =	sld [smem:$0x3F94];
	s0 =	simm.s32 @p0 $0x1  }
0x13: {  	[smem:$0x3FAF] =	sst s0;
	s0 =	simm.s32 @!p1 $0x0  }
0x14: {  	s2 =	sld [smem:$0x3F93];
	s0 =	simm.s32 @p1 $0x1  }
0x15: {  	[smem:$0x3FB0] =	sst s0;
	s0 =	simm.s32 @!p2 $0x0  }
0x16: {  	s3 =	sld [smem:$0x3FDB];
	s0 =	simm.s32 @p2 $0x1  }
0x17: {  	s4 =	simm.s32 $0x1BF5;
	[smem:$0x3FB2] =	sst s0  }
0x18: {  	s0 =	sld [smem:$0x3F95];
	_ =	swait.ge [sflag:s4], $0x0  }
0x19: {  	s7 =	sld [smem:$0x3F96]  }
0x1a: {  	s8 =	sadd.s32 $0xFFFFE003, lr  }
0x1b: {  	s9 =	sadd.s32 $0xFFFFFEF7, lr;
	s5 =	simm.s32 $0xFFFFFFFF;
	p2 =	slt.u32 s8, $0xFFFFF086  }
0x1c: {  	p1 =	slt.u32 s9, $0xF7A;
	s5 =	simm.s32 @!p2 $0x0  }
0x1d: {  	s5 =	simm.s32 @p1 $0x1;
	p0 =	seq.s32 s7, s2  }
0x1e: {  	s7 =	smul.u32 @!p0 $0xF7A, s2;
	p2 =	seq.s32 @!p0 s5, $0x0  }
0x1f: {  	s9 =	smul.u32 $0xF7A, s1;
	s8 =	simm.s32 @!p0 $0x1BF5;
	p2 =	por !p2, p0  }
0x20: {  	[sflag:s8] =	ssyncset.s32 @!p0 $0xFFFFF086;
	s6 =	sadd.s32 @!p0 s3, s7;
	s7 =	simm.s32 @!p0 $0x108  }
0x21: {  	s3 =	sadd.s32 s3, s9;
	s6 =	sadd.s32 @!p0 $0x88, s6;
	s7 =	simm.s32 @p2 $0x1082  }
0x22: {  	[simem:s7], [sflag:s8] =	dma.local @!p0 [hbm:s6], $0xF7A  }
0x23: {  	s9 =	sor.u32 $0xD0000000, s2;
	s6 =	simm.s32 $0x108;
	_ =	swait.ge @!p0 [sflag:s8], $0x0  }
0x24: {  	s3 =	sadd.s32 $0x88, s3;
	s6 =	simm.s32 @!p1 $0x1082;
	[sflag:s4] =	ssyncset.s32 $0xFFFFF086  }
0x25: {  	[simem:s6], [sflag:s4] =	dma.local [hbm:s3], $0xF7A  }
0x26: {  	[smem:$0x3F96] =	sst s1;
	(tag) =	ssettag s2;
	_ =	strace s9  }
0x27: {  	s1 =	sld [smem:$0x3FA6]  }
0x28: {  	s2 =	sld [smem:$0x3FA7]  }
0x29: {  	s4 =	sld [smem:$0x3FA9]  }
0x2a: {  	p0 =	seq.s32 s5, $0x0;
	s5 =	sld [smem:$0x3FAA]  }
0x2b: {  	s6 =	sld [smem:$0x3FAB]  }
0x2c: {  	s7 =	sld [smem:$0x3FAC]  }
0x2d: {  	s3 =	simm.s32 $0x108;
	s8 =	sld [smem:$0x3FAD]  }
0x2e: {  	s3 =	simm.s32 @!p0 $0x1082;
	s9 =	sld [smem:$0x3FAE]  }
0x2f: {  	lr =	sadd.s32 s0, s3;
	s0 =	sld [smem:$0x3FA5]  }
0x30: {  	s3 =	sld [smem:$0x3FA8]  }
0x31: {  	[smem:$0x3FB1] =	sst s10  }
0x32: {  	s10 =	sld [smem:$0x3FAF];
	_ =	sdelay $0x3  }
0x33: {  	p0 =	seq.s32 s10, $0x1;
	s10 =	sld [smem:$0x3FB1];
	_ =	sdelay $0x3  }
0x34: {  	[smem:$0x3FB1] =	sst s10  }
0x35: {  	s10 =	sld [smem:$0x3FB0];
	_ =	sdelay $0x3  }
0x36: {  	p1 =	seq.s32 s10, $0x1;
	s10 =	sld [smem:$0x3FB1];
	_ =	sdelay $0x3  }
0x37: {  	[smem:$0x3FB1] =	sst s10  }
0x38: {  	s10 =	sld [smem:$0x3FB2]  }
0x39: {  	_ = 	snop;
	(pc) =	sbr.ind lr, $3  }
0x3a: {  	_ = 	snop  }
0x3b: {  	_ = 	snop  }
0x3c: {  	p2 =	seq.s32 s10, $0x1;
	s10 =	sld [smem:$0x3FB1]  }
0x3d: {  	_ =	shalt  }
0x3e: {  	_ =	shalt  }
0x3f: {  	_ =	shalt  }
0x40: {  	_ =	shalt  }
0x41: {  	_ =	shalt  }
0x42: {  	_ =	shalt  }
0x43: {  	_ =	shalt  }
0x44: {  	_ =	shalt  }
0x45: {  	_ =	shalt  }
0x46: {  	_ =	shalt  }
0x47: {  	_ =	shalt  }
0x48: {  	_ =	shalt  }
0x49: {  	_ =	shalt  }
0x4a: {  	_ =	shalt  }
0x4b: {  	_ =	shalt  }
0x4c: {  	_ =	shalt  }
0x4d: {  	_ =	shalt  }
0x4e: {  	_ =	shalt  }
0x4f: {  	_ =	shalt  }
0x50: {  	_ =	shalt  }
0x51: {  	_ =	shalt  }
0x52: {  	_ =	shalt  }
0x53: {  	_ =	shalt  }
0x54: {  	_ =	shalt  }
0x55: {  	_ =	shalt  }
0x56: {  	_ =	shalt  }
0x57: {  	_ =	shalt  }
0x58: {  	_ =	shalt  }
0x59: {  	_ =	shalt  }
0x5a: {  	_ =	shalt  }
0x5b: {  	_ =	shalt  }
0x5c: {  	_ =	shalt  }
0x5d: {  	_ =	shalt  }
0x5e: {  	_ =	shalt  }
0x5f: {  	_ =	shalt  }
0x60: {  	_ =	shalt  }
0x61: {  	_ =	shalt  }
0x62: {  	_ =	shalt  }
0x63: {  	_ =	shalt  }
0x64: {  	_ =	shalt  }
0x65: {  	_ =	shalt  }
0x66: {  	_ =	shalt  }
0x67: {  	_ =	shalt  }
0x68: {  	_ =	shalt  }
0x69: {  	_ =	shalt  }
0x6a: {  	_ =	shalt  }
0x6b: {  	_ =	shalt  }
0x6c: {  	_ =	shalt  }
0x6d: {  	_ =	shalt  }
0x6e: {  	_ =	shalt  }
0x6f: {  	_ =	shalt  }
0x70: {  	_ =	shalt  }
0x71: {  	_ =	shalt  }
0x72: {  	_ =	shalt  }
0x73: {  	_ =	shalt  }
0x74: {  	_ =	shalt  }
0x75: {  	_ =	shalt  }
0x76: {  	_ =	shalt  }
0x77: {  	_ =	shalt  }
0x78: {  	_ =	shalt  }
0x79: {  	_ =	shalt  }
0x7a: {  	_ =	shalt  }
0x7b: {  	_ =	shalt  }
0x7c: {  	_ =	shalt  }
0x7d: {  	_ =	shalt  }
0x7e: {  	_ =	shalt  }
0x7f: {  	_ =	shalt  }
0x80: {  	_ =	shalt  }
0x81: {  	_ =	shalt  }
0x82: {  	_ =	shalt  }
0x83: {  	_ =	shalt  }
0x84: {  	_ =	shalt  }
0x85: {  	_ =	shalt  }
0x86: {  	_ =	shalt  }
0x87: {  	_ =	shalt  }
.Lfunc_end0:
.L_simem_size_0:
called_computation.1_lowered:
.L_overlay_start_0:
0x88: {  	s2 =	sld [smem:$0x3FD9]  }
0x89: {  	s3 =	sld [smem:$0x3FFE];
	_ =	sdelay $0x1  }
0x8a: {  	s1 =	srdreg.scid  }
0x8b: {  	s0 =	sand.u32 $0x1, s1  }
0x8c: {  	s17 =	sshll.u32 s0, $0xA;
	s2 =	sadd.s32 s3, s2  }
0x8d: {  	s2 =	sadd.s32 s2, s17  }
0x8e: {  	[smem:$0x3FBD] =	sst s2  }
0x8f: {  	_ = 	snop  }
0x90: {  	s2 =	sld [smem:$0x3FD0];
	(tm) =	ssettm $0x1  }
0x91: {  	s18 =	sld [smem:$0x3FFB];
	_ =	sdelay $0x3  }
0x92: {  	_ =	strace s18  }
0x93: {  	s3 =	sld [smem:$0x3FFC];
	_ =	sdelay $0x3  }
0x94: {  	_ =	strace s3  }
0x95: {  	s3 =	sld [smem:$0x3FFD];
	_ =	sdelay $0x3  }
0x96: {  	_ =	strace s3  }
0x97: {  	_ =	strace $0x8FFFFFFF  }
0x98: {  	s19 =	sld [smem:$0x3FDB];
	_ =	sdelay $0x1  }
0x99: {  	s4 =	simm.s32 $_scs_section_size  }
0x9a: {  	s5 =	simm.s32 $_size__tile_overlayer_lowered;
	s6 =	simm.s32 $_tile_overlayer_lowered  }
0x9b: {  	s22 =	simm.s32 $0x1BFF;
	s21 =	sshll.u32 s6, $0x1;
	s3 =	sadd.s32 s4, s19  }
0x9c: {  	s7 =	simm.s32 $0x0;
	s20 =	sshll.u32 s5, $0x1;
	s5 =	sadd.s32 s21, s3  }
0x9d: {  	[timem:s7], [sflag:s22] =	dma.local [hbm:s5], s20  }
0x9e: {  	_ =	swait.ge [sflag:s22], s20  }
0x9f: {  	s4 =	ssub.s32 $0x0, s20;
	[sflag:s22] =	ssyncset.done $0x0  }
0xa0: {  	[sflag:s22] =	ssyncadd.s32 s4;
	_ =	sdelay $0x1  }
0xa1: {  	s23 =	simm.s32 $0x1B8B  }
0xa2: {  	_ =	swait.ge [sflag:s23], $0x1  }
0xa3: {  	[sflag:s23] =	ssyncset.done $0x0  }
0xa4: {  	s25 =	simm.s32 $0x1B8E;
	s24 =	sld [smem:$0x3FFE];
	[sflag:s23] =	ssyncadd.s32 $0xFFFFFFFF  }
0xa5: {  	s26 =	simm.s32 $execute0_lowered;
	[smem:$0x3FD2] =	sst s25  }
0xa6: {  	s5 =	sshll.u32 s26, $0x1;
	_ =	strace $0x80000046;
	[dreg:$0x1] =	wrdreg $0xFFFFFFFF  }
0xa7: {  	s28 =	simm.s32 $_size_execute0_lowered;
	s3 =	sadd.s32 s3, s5;
	[dreg:$0x0] =	wrdreg $0x0  }
0xa8: {  	s5 =	sshll.u32 s28, $0x1;
	[dreg:$0x2] =	wrdreg s3  }
0xa9: {  	[dreg:$0x3] =	wrdreg s5  }
0xaa: {  	[dreg:$0x4] =	wrdreg $0xC0  }
0xab: {  	_ =	task [dreg:s7], $0x5FFFF  }
0xac: {  	[dreg:$0x1] =	wrdreg $0xFFFFFFFF  }
0xad: {  	[dreg:$0x0] =	wrdreg $0x60  }
0xae: {  	[dreg:$0x2] =	wrdreg s24  }
0xaf: {  	[dreg:$0x3] =	wrdreg s2  }
0xb0: {  	[dreg:$0x4] =	wrdreg $0x0  }
0xb1: {  	[dreg:$0x5] =	wrdreg $0xA  }
0xb2: {  	_ =	task.clear_ibuf [dreg:s7], $0x6FFFF;
	_ =	strace $0x90000046  }
0xb3: {  	s29 =	simm.s32 $0xA;
	_ =	strace $0x80000048  }
0xb4: {  	_ =	swait.ge [sflag:s29], $0x1  }
0xb5: {  	[sflag:s29] =	ssyncadd.s32 $0xFFFFFFFF  }
0xb6: {  	_ =	strace $0x90000048  }
0xb7: {  	_ =	sfence  }
0xb8: {  	s30 =	sld [smem:$0x0];
	_ =	sdelay $0x2  }
0xb9: {  	s31 =	sshll.u32 s1, $0xD;
	s1 =	sshrl.u32 s1, $0x2  }
0xba: {  	s3 =	sand.u32 $0x4000, s31;
	s1 =	sadd.s32 s1, s30  }
0xbb: {  	s0 =	sor.u32 s3, s0;
	s1 =	sshll.u32 s1, $0x11  }
0xbc: {  	s0 =	sor.u32 s1, s0  }
0xbd: {  	s0 =	sadd.s32 $0x8F2B, s0  }
0xbe: {  	[sflag:s0] =	ssyncadd.remote.s32 $0x1  }
0xbf: {  	_ =	sfence.sel $0xFFFF  }
0xc0: {  	[dreg:$0x0] =	wrdreg $0xFFFFFFFF;
	(pc) =	sbr.abs _section_cstart, $3  }
0xc1: {  	[dreg:$0x1] =	wrdreg $0xFFFFFFFF  }
0xc2: {  	_ =	task.clear_ibuf [dreg:s7], $0x2FFFF;
	_ =	strace $0x9FFFFFFF  }
0xc3: {  	(tm) =	ssettm $0x7FFFFFFF  }
tec
execute0_lowered:
.L_overlay_start_1:
0x0: {  	(tag) =	ssettag $0x1  }
0x1: {  	s0 =	rddreg [dreg:$0x0]  }
0x2: {  	s1 =	srdreg.scid;
	s2 =	rddreg [dreg:$0x1]  }
0x3: {  	s3 =	rddreg [dreg:$0x2];
	s19 =	stileid.u32  }
0x4: {  	s4 =	simm.s32 $0x0;
	s31 =	simm.s32 $0x14200;
	s1 =	sand.u32 $0x1, s1  }
0x5: {  	[smem:$0x7FF] =	sst s4;
	s8 =	smul.u32 $0x14000, s19;
	s9 =	sadd.s32 $0x5DA00, s0  }
0x6: {  	s5 =	sshll.u32 s1, $0x4;
	s6 =	ssub.s32 $0x2, s1;
	s20 =	smul.u32 $0x140000, s1  }
0x7: {  	_ =	strace $0x80000047;
	s1 =	smul.u32 $0x27B00, s1;
	s5 =	sor.u32 s19, s5  }
0x8: {  	s7 =	sshrl.u32 s6, $0x1;
	s10 =	sor.u32 $0x2800, s8;
	s11 =	sadd.s32 $0x5000, s8  }
0x9: {  	s12 =	sadd.s32 $0x7800, s8;
	s15 =	sadd.s32 $0xA000, s8;
	s16 =	sadd.s32 $0xC800, s8  }
0xa: {  	s17 =	sadd.s32 $0xF000, s8;
	s18 =	sadd.s32 $0x11800, s8;
	s5 =	smul.u32 $0x27B0, s5  }
0xb: {  	s6 =	ssub.s32 s6, s7;
	s8 =	sadd.s32 s20, s8;
	s13 =	sadd.s32 s20, s10  }
0xc: {  	s14 =	sadd.s32 s20, s11;
	s23 =	sadd.s32 s20, s12;
	s24 =	sadd.s32 s20, s15  }
0xd: {  	s25 =	sadd.s32 s20, s16;
	s7 =	sadd.s32 s20, s18;
	s8 =	sshrl.u32 s8, $0x3  }
0xe: {  	s13 =	sshrl.u32 s13, $0x3;
	s22 =	sshrl.u32 s14, $0x3;
	s28 =	sshrl.u32 s25, $0x3  }
0xf: {  	s14 =	sadd.s32 s20, s17;
	s7 =	sshrl.u32 s7, $0x3;
	s20 =	smul.u32 $0x27B0, s19  }
0x10: {  	s25 =	smax.u32 s6, $0x1;
	s6 =	simm.s32 $0x14100;
	s8 =	sadd.s32 s9, s8  }
0x11: {  	s21 =	sadd.s32 s9, s13;
	s13 =	sshrl.u32 s24, $0x3;
	[dreg:$0xf] =	wrdreg s25  }
0x12: {  	s7 =	sadd.s32 s9, s7;
	s25 =	sadd.s32 s18, s3;
	[dreg:$0x4] =	wrdreg s8  }
0x13: {  	[dreg:$0x5] =	wrdreg s21;
	s8 =	sadd.s32 s9, s22;
	s26 =	sadd.s32 s9, s13  }
0x14: {  	s13 =	sshrl.u32 s14, $0x3;
	[dreg:$0xb] =	wrdreg s7;
	s1 =	sadd.s32 s20, s1  }
0x15: {  	s22 =	smul.u32 $0x50000, s19;
	s14 =	sadd.s32 $0x3A00, s0;
	[dreg:$0x12] =	wrdreg s25  }
0x16: {  	s20 =	sadd.s32 s10, s3;
	s7 =	simm.s32 $0x14180;
	[dreg:$0x6] =	wrdreg s8  }
0x17: {  	s10 =	simm.s32 $0x4;
	s8 =	sshrl.u32 s23, $0x3;
	[dreg:$0x8] =	wrdreg s26  }
0x18: {  	s21 =	sadd.s32 s9, s13;
	s13 =	sadd.s32 $0xDA00, s0;
	s0 =	sadd.s32 $0x35A00, s0  }
0x19: {  	s23 =	sshrl.u32 s5, $0x3;
	s26 =	sadd.s32 s15, s3;
	[dreg:$0xa] =	wrdreg s21  }
0x1a: {  	s15 =	simm.s32 $0x3;
	s8 =	sadd.s32 s9, s8;
	[dreg:$0xc] =	wrdreg s0  }
0x1b: {  	s5 =	sadd.s32 s2, s23;
	s0 =	sadd.s32 s14, s23;
	s24 =	sshrl.u32 s22, $0x2  }
0x1c: {  	s21 =	sadd.s32 s11, s3;
	s22 =	sadd.s32 s12, s3;
	s23 =	sadd.s32 s16, s3  }
0x1d: {  	s18 =	smov.u32 s26;
	s11 =	simm.s32 $0x16A00;
	[dreg:$0x7] =	wrdreg s8  }
0x1e: {  	s12 =	simm.s32 $0x2;
	s16 =	simm.s32 $0x0;
	[dreg:$0xd] =	wrdreg s5  }
0x1f: {  	s8 =	sadd.s32 s9, s28;
	[dreg:$0xe] =	wrdreg s0;
	s19 =	sadd.s32 s24, s3  }
0x20: {  	s24 =	sadd.s32 s17, s3;
	s28 =	sadd.s32 $0x50, s1;
	[dreg:$0x10] =	wrdreg s23  }
0x21: {  	s1 =	sadd.s32 $0xA0, s1;
	s5 =	simm.s32 $0x14080;
	[dreg:$0x9] =	wrdreg s8  }
0x22: {  	s9 =	simm.s32 $0x1;
	[dreg:$0x13] =	wrdreg s1;
	s0 =	sshrl.u32 s28, $0x3  }
0x23: {  	s1 =	simm.s32 $0x14000;
	s8 =	simm.s32 $0x50;
	[dreg:$0x11] =	wrdreg s24  }
0x24: {  	s29 =	sadd.s32 s0, s14;
	s30 =	sadd.s32 s0, s2;
	s0 =	simm.s32 $0x5  }
.LBB2_1:
0x25: {  	s17 =	rddreg [dreg:$0xc]  }
0x26: {  	[tilespmem:s31], [sflag:$0x5] =	stream.linear.gather [hbm4b:s17+s4], $0x2800, $0x38;
	[tilespmem:$0x19200] =	vst v63  }
0x27: {  	_ =	swait.ge [sflag:s0], $0x2800  }
0x28: {  	[sflag:s0] =	ssyncset.done $0x0  }
0x29: {  	[sflag:s0] =	ssyncadd.s32 $0xFFFFD800  }
0x2a: {  	[spmem:s19] =	stream.linear.scatter [tilespmem:s31], [sflag:$0x5], $0x2800, $0x38;
	[tilespmem:$0x19200] =	vst v63  }
0x2b: {  	_ =	swait.ge [sflag:s0], $0x2800  }
0x2c: {  	[sflag:s0] =	ssyncset.done $0x0  }
0x2d: {  	[sflag:s0] =	ssyncadd.s32 $0xFFFFD800  }
0x2e: {  	[spmem:s20] =	stream.linear.scatter [tilespmem:s31], [sflag:$0x5], $0x2800, $0x38;
	[tilespmem:$0x19200] =	vst v63  }
0x2f: {  	_ =	swait.ge [sflag:s0], $0x2800  }
0x30: {  	[sflag:s0] =	ssyncset.done $0x0  }
0x31: {  	[sflag:s0] =	ssyncadd.s32 $0xFFFFD800  }
0x32: {  	[spmem:s21] =	stream.linear.scatter [tilespmem:s31], [sflag:$0x5], $0x2800, $0x38;
	[tilespmem:$0x19200] =	vst v63  }
0x33: {  	_ =	swait.ge [sflag:s0], $0x2800  }
0x34: {  	[sflag:s0] =	ssyncset.done $0x0  }
0x35: {  	[sflag:s0] =	ssyncadd.s32 $0xFFFFD800  }
0x36: {  	[spmem:s22] =	stream.linear.scatter [tilespmem:s31], [sflag:$0x5], $0x2800, $0x38;
	[tilespmem:$0x19200] =	vst v63  }
0x37: {  	_ =	swait.ge [sflag:s0], $0x2800  }
0x38: {  	[sflag:s0] =	ssyncset.done $0x0  }
0x39: {  	[sflag:s0] =	ssyncadd.s32 $0xFFFFD800  }
0x3a: {  	[spmem:s18] =	stream.linear.scatter [tilespmem:s31], [sflag:$0x5], $0x2800, $0x38;
	[tilespmem:$0x19200] =	vst v63  }
0x3b: {  	_ =	swait.ge [sflag:s0], $0x2800  }
0x3c: {  	[sflag:s0] =	ssyncset.done $0x0  }
0x3d: {  	s17 =	smov.u32 s23;
	[sflag:s0] =	ssyncadd.s32 $0xFFFFD800  }
0x3e: {  	[spmem:s17] =	stream.linear.scatter [tilespmem:s31], [sflag:$0x5], $0x2800, $0x38;
	[tilespmem:$0x19200] =	vst v63  }
0x3f: {  	_ =	swait.ge [sflag:s0], $0x2800  }
0x40: {  	[sflag:s0] =	ssyncset.done $0x0  }
0x41: {  	s23 =	smov.u32 s19;
	s19 =	smov.u32 s24;
	[sflag:s0] =	ssyncadd.s32 $0xFFFFD800  }
0x42: {  	[spmem:s19] =	stream.linear.scatter [tilespmem:s31], [sflag:$0x5], $0x2800, $0x38;
	[tilespmem:$0x19200] =	vst v63  }
0x43: {  	_ =	swait.ge [sflag:s0], $0x2800  }
0x44: {  	[sflag:s0] =	ssyncset.done $0x0  }
0x45: {  	s24 =	smov.u32 s20;
	s20 =	smov.u32 s25;
	[sflag:s0] =	ssyncadd.s32 $0xFFFFD800  }
0x46: {  	[spmem:s20] =	stream.linear.scatter [tilespmem:s31], [sflag:$0x5], $0x2800, $0x38;
	[tilespmem:$0x19200] =	vst v63  }
0x47: {  	_ =	swait.ge [sflag:s0], $0x2800  }
0x48: {  	[sflag:s0] =	ssyncset.done $0x0  }
0x49: {  	s26 =	smov.u32 s22;
	s22 =	rddreg [dreg:$0xd];
	[sflag:s0] =	ssyncadd.s32 $0xFFFFD800  }
0x4a: {  	[tilespmem:s1], [sflag:$0x5] =	stream.linear.gather [hbm4b:s22+s4], $0x50, $0x38;
	[tilespmem:$0x19200] =	vst v63  }
0x4b: {  	_ =	swait.ge [sflag:s0], $0x50  }
0x4c: {  	[sflag:s0] =	ssyncset.done $0x0  }
0x4d: {  	s28 =	smov.u32 s18;
	s18 =	rddreg [dreg:$0xe];
	[sflag:s0] =	ssyncadd.s32 $0xFFFFFFB0  }
0x4e: {  	[tilespmem:s5], [sflag:$0x5] =	stream.linear.gather [hbm4b:s18+s4], $0x50, $0x38;
	[tilespmem:$0x19200] =	vst v63  }
0x4f: {  	_ =	swait.ge [sflag:s0], $0x50  }
0x50: {  	[sflag:s0] =	ssyncset.done $0x0  }
0x51: {  	[sflag:s0] =	ssyncadd.s32 $0xFFFFFFB0  }
0x52: {  	s19 =	sadd.s32 $0x0, s30;
	[bflag:$0x0] =	sbarrier.arrive $0xFFFF  }
0x53: {  	[tilespmem:s6], [sflag:$0x4] =	stream.linear.gather [hbm4b:s19+s4], $0x50, $0x38;
	[tilespmem:$0x19200] =	vst v63  }
0x54: {  	s20 =	sadd.s32 $0x0, s29  }
0x55: {  	[tilespmem:s7], [sflag:$0x4] =	stream.linear.gather [hbm4b:s20+s4], $0x50, $0x38;
	[tilespmem:$0x19200] =	vst v63  }
0x56: {  	_ = 	snop  }
0x57: {  	[tilespmem:s31], [sflag:$0x1] =	stream.indirect.gather [hbm4b:s13+s8], $0x80, s1, s8, $0xb8;
	[tilespmem:$0x19200] =	vst v63  }
0x58: {  	_ =	swait.ge [sflag:s9], $0x2800  }
0x59: {  	[sflag:s9] =	ssyncset.done $0x0  }
0x5a: {  	[sflag:s9] =	ssyncadd.s32 $0xFFFFD800  }
0x5b: {  	[spmem:s3] =	stream.indirect.scatter.add.f32 [tilespmem:s31], [sflag:$0x5], $0x80, s5, s8, $0xb8;
	[tilespmem:$0x19200] =	vst v63  }
0x5c: {  	_ =	swait.ge [sflag:s0], $0x2800  }
0x5d: {  	[sflag:s0] =	ssyncset.done $0x0  }
0x5e: {  	[sflag:s0] =	ssyncadd.s32 $0xFFFFD800  }
0x5f: {  	_ =	swait.ge [sflag:s10], $0x50  }
0x60: {  	[sflag:s10] =	ssyncset.done $0x0  }
0x61: {  	[sflag:s10] =	ssyncadd.s32 $0xFFFFFFB0  }
0x62: {  	_ =	swait.ge [sflag:s10], $0x50  }
0x63: {  	s20 =	rddreg [dreg:$0x13]  }
0x64: {  	s25 =	smov.u32 s21;
	[sflag:s10] =	ssyncset.done $0x0;
	s21 =	sshrl.u32 s20, $0x3  }
0x65: {  	[sflag:s10] =	ssyncadd.s32 $0xFFFFFFB0;
	s22 =	sadd.s32 s2, s21  }
0x66: {  	[tilespmem:s1], [sflag:$0x3] =	stream.linear.gather [hbm4b:s22+s4], $0x50, $0x38;
	[tilespmem:$0x19200] =	vst v63  }
0x67: {  	s17 =	sadd.s32 s14, s21  }
0x68: {  	[tilespmem:s5], [sflag:$0x3] =	stream.linear.gather [hbm4b:s17+s4], $0x50, $0x38;
	[tilespmem:$0x19200] =	vst v63  }
0x69: {  	_ = 	snop  }
0x6a: {  	[tilespmem:s11], [sflag:$0x2] =	stream.indirect.gather [hbm4b:s13+s8], $0x80, s6, s8, $0xb8;
	[tilespmem:$0x19200] =	vst v63  }
0x6b: {  	_ =	swait.ge [sflag:s12], $0x2800  }
0x6c: {  	[sflag:s12] =	ssyncset.done $0x0  }
0x6d: {  	[sflag:s12] =	ssyncadd.s32 $0xFFFFD800  }
0x6e: {  	[spmem:s3] =	stream.indirect.scatter.add.f32 [tilespmem:s11], [sflag:$0x5], $0x80, s7, s8, $0xb8;
	[tilespmem:$0x19200] =	vst v63  }
0x6f: {  	_ =	swait.ge [sflag:s0], $0x2800  }
0x70: {  	[sflag:s0] =	ssyncset.done $0x0  }
0x71: {  	[sflag:s0] =	ssyncadd.s32 $0xFFFFD800  }
0x72: {  	_ =	swait.ge [sflag:s15], $0x50  }
0x73: {  	[sflag:s15] =	ssyncset.done $0x0  }
0x74: {  	[sflag:s15] =	ssyncadd.s32 $0xFFFFFFB0  }
0x75: {  	s18 =	simm.s32 $0x28;
	_ =	swait.ge [sflag:s15], $0x50  }
0x76: {  	s19 =	simm.s32 $0x14;
	s17 =	sadd.s32 $0xA0, s20;
	[sflag:s15] =	ssyncset.done $0x0  }
.LBB2_2:
0x77: {  	s21 =	sadd.s32 s19, s30  }
0x78: {  	[sflag:s15] =	ssyncadd.s32 $0xFFFFFFB0;
	s22 =	smov.u32 s18;
	s20 =	sadd.s32 $0x14, s18  }
0x79: {  	[tilespmem:s6], [sflag:$0x4] =	stream.linear.gather [hbm4b:s21+s4], $0x50, $0x38;
	[tilespmem:$0x19200] =	vst v63  }
0x7a: {  	p0 =	sne.s32 s18, $0x4D8;
	s18 =	sadd.s32 s19, s29;
	s19 =	smov.u32 s22  }
0x7b: {  	[tilespmem:s7], [sflag:$0x4] =	stream.linear.gather [hbm4b:s18+s4], $0x50, $0x38;
	[tilespmem:$0x19200] =	vst v63  }
0x7c: {  	_ = 	snop  }
0x7d: {  	[tilespmem:s31], [sflag:$0x1] =	stream.indirect.gather [hbm4b:s13+s8], $0x80, s1, s8, $0xb8;
	[tilespmem:$0x19200] =	vst v63  }
0x7e: {  	_ =	swait.ge [sflag:s9], $0x2800  }
0x7f: {  	[sflag:s9] =	ssyncset.done $0x0  }
0x80: {  	[sflag:s9] =	ssyncadd.s32 $0xFFFFD800  }
0x81: {  	[spmem:s3] =	stream.indirect.scatter.add.f32 [tilespmem:s31], [sflag:$0x5], $0x80, s5, s8, $0xb8;
	[tilespmem:$0x19200] =	vst v63  }
0x82: {  	_ =	swait.ge [sflag:s0], $0x2800  }
0x83: {  	[sflag:s0] =	ssyncset.done $0x0  }
0x84: {  	[sflag:s0] =	ssyncadd.s32 $0xFFFFD800  }
0x85: {  	_ =	swait.ge [sflag:s10], $0x50  }
0x86: {  	[sflag:s10] =	ssyncset.done $0x0  }
0x87: {  	[sflag:s10] =	ssyncadd.s32 $0xFFFFFFB0  }
0x88: {  	_ =	swait.ge [sflag:s10], $0x50  }
0x89: {  	s18 =	sshrl.u32 s17, $0x3;
	[sflag:s10] =	ssyncset.done $0x0  }
0x8a: {  	s21 =	sadd.s32 s2, s18;
	[sflag:s10] =	ssyncadd.s32 $0xFFFFFFB0  }
0x8b: {  	[tilespmem:s1], [sflag:$0x3] =	stream.linear.gather [hbm4b:s21+s4], $0x50, $0x38;
	[tilespmem:$0x19200] =	vst v63  }
0x8c: {  	s18 =	sadd.s32 s14, s18  }
0x8d: {  	[tilespmem:s5], [sflag:$0x3] =	stream.linear.gather [hbm4b:s18+s4], $0x50, $0x38;
	[tilespmem:$0x19200] =	vst v63  }
0x8e: {  	_ = 	snop  }
0x8f: {  	[tilespmem:s11], [sflag:$0x2] =	stream.indirect.gather [hbm4b:s13+s8], $0x80, s6, s8, $0xb8;
	[tilespmem:$0x19200] =	vst v63  }
0x90: {  	_ =	swait.ge [sflag:s12], $0x2800  }
0x91: {  	[sflag:s12] =	ssyncset.done $0x0  }
0x92: {  	[sflag:s12] =	ssyncadd.s32 $0xFFFFD800  }
0x93: {  	[spmem:s3] =	stream.indirect.scatter.add.f32 [tilespmem:s11], [sflag:$0x5], $0x80, s7, s8, $0xb8;
	[tilespmem:$0x19200] =	vst v63  }
0x94: {  	_ =	swait.ge [sflag:s0], $0x2800  }
0x95: {  	[sflag:s0] =	ssyncset.done $0x0  }
0x96: {  	[sflag:s0] =	ssyncadd.s32 $0xFFFFD800  }
.Ltmp0:
0x97: {  	_ =	swait.ge [sflag:s15], $0x50;
	(pc) =	sbr.rel @p0 .LBB2_2-.Ltmp0, $4  }
0x98: {  	[sflag:s15] =	ssyncset.done $0x0  }
0x99: {  	[sflag:s15] =	ssyncadd.s32 $0xFFFFFFB0  }
0x9a: {  	_ =	swait.ge [sflag:s15], $0x50  }
0x9b: {  	s17 =	sadd.s32 $0xA0, s17;
	s18 =	smov.u32 s20;
	[sflag:s15] =	ssyncset.done $0x0  }
0x9c: {  	s18 =	sadd.s32 s19, s30;
	[sflag:s15] =	ssyncadd.s32 $0xFFFFFFB0  }
0x9d: {  	[tilespmem:s6], [sflag:$0x4] =	stream.linear.gather [hbm4b:s18+s4], $0x50, $0x38;
	[tilespmem:$0x19200] =	vst v63  }
0x9e: {  	s21 =	sadd.s32 s19, s29  }
0x9f: {  	[tilespmem:s7], [sflag:$0x4] =	stream.linear.gather [hbm4b:s21+s4], $0x50, $0x38;
	[tilespmem:$0x19200] =	vst v63  }
0xa0: {  	_ = 	snop  }
0xa1: {  	[tilespmem:s31], [sflag:$0x1] =	stream.indirect.gather [hbm4b:s13+s8], $0x80, s1, s8, $0xb8;
	[tilespmem:$0x19200] =	vst v63  }
0xa2: {  	_ =	swait.ge [sflag:s9], $0x2800  }
0xa3: {  	[sflag:s9] =	ssyncset.done $0x0  }
0xa4: {  	[sflag:s9] =	ssyncadd.s32 $0xFFFFD800  }
0xa5: {  	[spmem:s3] =	stream.indirect.scatter.add.f32 [tilespmem:s31], [sflag:$0x5], $0x80, s5, s8, $0xb8;
	[tilespmem:$0x19200] =	vst v63  }
0xa6: {  	_ =	swait.ge [sflag:s0], $0x2800  }
0xa7: {  	[sflag:s0] =	ssyncset.done $0x0  }
0xa8: {  	[sflag:s0] =	ssyncadd.s32 $0xFFFFD800  }
0xa9: {  	_ =	swait.ge [sflag:s10], $0x50  }
0xaa: {  	[sflag:s10] =	ssyncset.done $0x0  }
0xab: {  	[sflag:s10] =	ssyncadd.s32 $0xFFFFFFB0  }
0xac: {  	_ =	swait.ge [sflag:s10], $0x50  }
0xad: {  	s17 =	sshrl.u32 s17, $0x3;
	[sflag:s10] =	ssyncset.done $0x0  }
0xae: {  	s22 =	sadd.s32 s2, s17;
	[sflag:s10] =	ssyncadd.s32 $0xFFFFFFB0  }
0xaf: {  	[tilespmem:s1], [sflag:$0x3] =	stream.linear.gather [hbm4b:s22+s4], $0x50, $0x38;
	[tilespmem:$0x19200] =	vst v63  }
0xb0: {  	s17 =	sadd.s32 s14, s17  }
0xb1: {  	[tilespmem:s5], [sflag:$0x3] =	stream.linear.gather [hbm4b:s17+s4], $0x50, $0x38;
	[tilespmem:$0x19200] =	vst v63  }
0xb2: {  	_ = 	snop  }
0xb3: {  	[tilespmem:s11], [sflag:$0x2] =	stream.indirect.gather [hbm4b:s13+s8], $0x80, s6, s8, $0xb8;
	[tilespmem:$0x19200] =	vst v63  }
0xb4: {  	_ =	swait.ge [sflag:s12], $0x2800  }
0xb5: {  	[sflag:s12] =	ssyncset.done $0x0  }
0xb6: {  	[sflag:s12] =	ssyncadd.s32 $0xFFFFD800  }
0xb7: {  	[spmem:s3] =	stream.indirect.scatter.add.f32 [tilespmem:s11], [sflag:$0x5], $0x80, s7, s8, $0xb8;
	[tilespmem:$0x19200] =	vst v63  }
0xb8: {  	_ =	swait.ge [sflag:s0], $0x2800  }
0xb9: {  	[sflag:s0] =	ssyncset.done $0x0  }
0xba: {  	[sflag:s0] =	ssyncadd.s32 $0xFFFFD800  }
0xbb: {  	_ =	swait.ge [sflag:s15], $0x50  }
0xbc: {  	[sflag:s15] =	ssyncset.done $0x0  }
0xbd: {  	[sflag:s15] =	ssyncadd.s32 $0xFFFFFFB0  }
0xbe: {  	_ =	swait.ge [sflag:s15], $0x50  }
0xbf: {  	[sflag:s15] =	ssyncset.done $0x0  }
0xc0: {  	[sflag:s15] =	ssyncadd.s32 $0xFFFFFFB0  }
0xc1: {  	[bflag:$0x0] =	sbarrier.arrive $0xFFFF  }
0xc2: {  	[tilespmem:s31], [sflag:$0x5] =	stream.linear.gather [spmem:s23], $0x2800, $0x38;
	[tilespmem:$0x19200] =	vst v63  }
0xc3: {  	_ =	swait.ge [sflag:s0], $0x2800  }
0xc4: {  	[sflag:s0] =	ssyncset.done $0x0  }
0xc5: {  	s19 =	smov.u32 s23;
	s23 =	rddreg [dreg:$0x4];
	[sflag:s0] =	ssyncadd.s32 $0xFFFFD800  }
0xc6: {  	[hbm4b:s23+s4] =	stream.linear.scatter [tilespmem:s31], [sflag:$0x5], $0x2800, $0x38;
	[tilespmem:$0x19200] =	vst v63  }
0xc7: {  	_ =	swait.ge [sflag:s0], $0x2800  }
0xc8: {  	[sflag:s0] =	ssyncset.done $0x0  }
0xc9: {  	[sflag:s0] =	ssyncadd.s32 $0xFFFFD800  }
0xca: {  	[tilespmem:s31], [sflag:$0x5] =	stream.linear.gather [spmem:s24], $0x2800, $0x38;
	[tilespmem:$0x19200] =	vst v63  }
0xcb: {  	_ =	swait.ge [sflag:s0], $0x2800  }
0xcc: {  	[sflag:s0] =	ssyncset.done $0x0  }
0xcd: {  	s20 =	smov.u32 s24;
	s24 =	rddreg [dreg:$0x5];
	[sflag:s0] =	ssyncadd.s32 $0xFFFFD800  }
0xce: {  	[hbm4b:s24+s4] =	stream.linear.scatter [tilespmem:s31], [sflag:$0x5], $0x2800, $0x38;
	[tilespmem:$0x19200] =	vst v63  }
0xcf: {  	_ =	swait.ge [sflag:s0], $0x2800  }
0xd0: {  	[sflag:s0] =	ssyncset.done $0x0  }
0xd1: {  	[sflag:s0] =	ssyncadd.s32 $0xFFFFD800  }
0xd2: {  	[tilespmem:s31], [sflag:$0x5] =	stream.linear.gather [spmem:s25], $0x2800, $0x38;
	[tilespmem:$0x19200] =	vst v63  }
0xd3: {  	_ =	swait.ge [sflag:s0], $0x2800  }
0xd4: {  	[sflag:s0] =	ssyncset.done $0x0  }
0xd5: {  	s21 =	smov.u32 s25;
	s25 =	rddreg [dreg:$0x6];
	[sflag:s0] =	ssyncadd.s32 $0xFFFFD800  }
0xd6: {  	[hbm4b:s25+s4] =	stream.linear.scatter [tilespmem:s31], [sflag:$0x5], $0x2800, $0x38;
	[tilespmem:$0x19200] =	vst v63  }
0xd7: {  	_ =	swait.ge [sflag:s0], $0x2800  }
0xd8: {  	[sflag:s0] =	ssyncset.done $0x0  }
0xd9: {  	[sflag:s0] =	ssyncadd.s32 $0xFFFFD800  }
0xda: {  	[tilespmem:s31], [sflag:$0x5] =	stream.linear.gather [spmem:s26], $0x2800, $0x38;
	[tilespmem:$0x19200] =	vst v63  }
0xdb: {  	_ =	swait.ge [sflag:s0], $0x2800  }
0xdc: {  	[sflag:s0] =	ssyncset.done $0x0  }
0xdd: {  	s18 =	rddreg [dreg:$0x7];
	[sflag:s0] =	ssyncadd.s32 $0xFFFFD800  }
0xde: {  	[hbm4b:s18+s4] =	stream.linear.scatter [tilespmem:s31], [sflag:$0x5], $0x2800, $0x38;
	[tilespmem:$0x19200] =	vst v63  }
0xdf: {  	_ =	swait.ge [sflag:s0], $0x2800  }
0xe0: {  	[sflag:s0] =	ssyncset.done $0x0  }
0xe1: {  	[sflag:s0] =	ssyncadd.s32 $0xFFFFD800  }
0xe2: {  	[tilespmem:s31], [sflag:$0x5] =	stream.linear.gather [spmem:s28], $0x2800, $0x38;
	[tilespmem:$0x19200] =	vst v63  }
0xe3: {  	_ =	swait.ge [sflag:s0], $0x2800  }
0xe4: {  	[sflag:s0] =	ssyncset.done $0x0  }
0xe5: {  	s23 =	rddreg [dreg:$0x8];
	[sflag:s0] =	ssyncadd.s32 $0xFFFFD800  }
0xe6: {  	[hbm4b:s23+s4] =	stream.linear.scatter [tilespmem:s31], [sflag:$0x5], $0x2800, $0x38;
	[tilespmem:$0x19200] =	vst v63  }
0xe7: {  	_ =	swait.ge [sflag:s0], $0x2800  }
0xe8: {  	[sflag:s0] =	ssyncset.done $0x0  }
0xe9: {  	s23 =	rddreg [dreg:$0x10];
	[sflag:s0] =	ssyncadd.s32 $0xFFFFD800  }
0xea: {  	[tilespmem:s31], [sflag:$0x5] =	stream.linear.gather [spmem:s23], $0x2800, $0x38;
	[tilespmem:$0x19200] =	vst v63  }
0xeb: {  	_ =	swait.ge [sflag:s0], $0x2800  }
0xec: {  	[sflag:s0] =	ssyncset.done $0x0  }
0xed: {  	s24 =	rddreg [dreg:$0x9];
	[sflag:s0] =	ssyncadd.s32 $0xFFFFD800  }
0xee: {  	[hbm4b:s24+s4] =	stream.linear.scatter [tilespmem:s31], [sflag:$0x5], $0x2800, $0x38;
	[tilespmem:$0x19200] =	vst v63  }
0xef: {  	_ =	swait.ge [sflag:s0], $0x2800  }
0xf0: {  	[sflag:s0] =	ssyncset.done $0x0  }
0xf1: {  	s24 =	rddreg [dreg:$0x11];
	[sflag:s0] =	ssyncadd.s32 $0xFFFFD800  }
0xf2: {  	[tilespmem:s31], [sflag:$0x5] =	stream.linear.gather [spmem:s24], $0x2800, $0x38;
	[tilespmem:$0x19200] =	vst v63  }
0xf3: {  	_ =	swait.ge [sflag:s0], $0x2800  }
0xf4: {  	[sflag:s0] =	ssyncset.done $0x0  }
0xf5: {  	s25 =	rddreg [dreg:$0xa];
	[sflag:s0] =	ssyncadd.s32 $0xFFFFD800  }
0xf6: {  	[hbm4b:s25+s4] =	stream.linear.scatter [tilespmem:s31], [sflag:$0x5], $0x2800, $0x38;
	[tilespmem:$0x19200] =	vst v63  }
0xf7: {  	_ =	swait.ge [sflag:s0], $0x2800  }
0xf8: {  	[sflag:s0] =	ssyncset.done $0x0  }
0xf9: {  	s25 =	rddreg [dreg:$0x12];
	[sflag:s0] =	ssyncadd.s32 $0xFFFFD800  }
0xfa: {  	[tilespmem:s31], [sflag:$0x5] =	stream.linear.gather [spmem:s25], $0x2800, $0x38;
	[tilespmem:$0x19200] =	vst v63  }
0xfb: {  	_ =	swait.ge [sflag:s0], $0x2800  }
0xfc: {  	[sflag:s0] =	ssyncset.done $0x0  }
0xfd: {  	s22 =	smov.u32 s26;
	s26 =	rddreg [dreg:$0xb];
	[sflag:s0] =	ssyncadd.s32 $0xFFFFD800  }
0xfe: {  	[hbm4b:s26+s4] =	stream.linear.scatter [tilespmem:s31], [sflag:$0x5], $0x2800, $0x38;
	[tilespmem:$0x19200] =	vst v63  }
0xff: {  	_ =	swait.ge [sflag:s0], $0x2800  }
0x100: {  	s16 =	sadd.s32 $0x1, s16;
	s18 =	smov.u32 s28;
	s28 =	rddreg [dreg:$0xf]  }
0x101: {  	p0 =	sne.s32 s16, s28  }
.Ltmp1:
0x102: {  	_ = 	snop;
	(pc) =	sbr.rel @p0 .LBB2_1-.Ltmp1, $3  }
0x103: {  	_ =	sdelay $0x1  }
0x104: {  	[sflag:s0] =	ssyncset.done $0x0  }
0x105: {  	[sflag:s0] =	ssyncadd.s32 $0xFFFFD800  }
0x106: {  	_ =	sfence.sel $0x180000  }
0x107: {  	[bflag:$0x0] =	sbarrier.arrive $0xFFFF  }
0x108: {  	_ =	strace $0x90000047  }
0x109: {  	s0 =	stileid.u32;
	[bflag:$0x2] =	sbarrier.arrive $0xFFFF  }
0x10a: {  	p0 =	sne.s32 s0, $0x0;
	s0 =	rddreg [dreg:$0x3]  }
0x10b: {  	s0 =	sadd.s32 @!p0 $0x100000, s0  }
0x10c: {  	[sflag:s0] =	ssyncadd.tile.s32 @!p0 $0x1;
	_ =	shalt  }
.Lfunc_end2:
_tile_overlayer_lowered:
.L_overlay_start_2:
0x10d: {  	(tag) =	ssettag $0x2  }
0x10e: {  	s0 =	rddreg [dreg:$0x0];
	s2 =	stileid.u32  }
0x10f: {  	s1 =	rddreg [dreg:$0x1];
	p0 =	sne.s32 s2, $0x0  }
0x110: {  	s3 =	rddreg [dreg:$0x2];
	[bflag:$0x3] =	sbarrier.arrive $0xFFFF;
	s2 =	simm.s32 @!p0 $0x1C05  }
0x111: {  	[timem:s3], [sflag:s2] =	dma.local @!p0 [hbm:s0], s1  }
0x112: {  	s0 =	simm.s32 @!p0 $0x5  }
0x113: {  	_ =	swait.ge @!p0 [sflag:s0], s1  }
0x114: {  	s1 =	ssub.s32 @!p0 $0x0, s1;
	[sflag:s0] =	ssyncset.done @!p0 $0x0  }
0x115: {  	[sflag:s0] =	ssyncadd.s32 @!p0 s1  }
0x116: {  	[bflag:$0x3] =	sbarrier.arrive $0xFFFF  }
0x117: {  	_ =	shalt  }

// kernel: kernel.16.cloned.1.call-start
scs
__scs_entry_jumppad:
0x0: {  	(pc) =	sbr.rel $0x88, $3  }
0x1: {  	(tag) =	ssettag $0x0;
	lr =	simm.s32 $0x1  }
0x2: {  	[smem:$0x3F96] =	sst lr;
	_ =	strace $0xD0000000  }
0x3: {  	_ = 	snop  }
0x4: {  	_ = 	snop  }
0x5: {  	_ = 	snop  }
0x6: {  	_ = 	snop  }
0x7: {  	_ = 	snop  }
__scs_overlays_trampoline_lowered:
0x8: {  	[smem:$0x3FA5] =	sst s0  }
0x9: {  	[smem:$0x3FA6] =	sst s1  }
0xa: {  	[smem:$0x3FA7] =	sst s2  }
0xb: {  	[smem:$0x3FA8] =	sst s3  }
0xc: {  	[smem:$0x3FA9] =	sst s4  }
0xd: {  	[smem:$0x3FAA] =	sst s5  }
0xe: {  	[smem:$0x3FAB] =	sst s6  }
0xf: {  	[smem:$0x3FAC] =	sst s7  }
0x10: {  	[smem:$0x3FAD] =	sst s8  }
0x11: {  	[smem:$0x3FAE] =	sst s9;
	s0 =	simm.s32 @!p0 $0x0  }
0x12: {  	s1 =	sld [smem:$0x3F94];
	s0 =	simm.s32 @p0 $0x1  }
0x13: {  	[smem:$0x3FAF] =	sst s0;
	s0 =	simm.s32 @!p1 $0x0  }
0x14: {  	s2 =	sld [smem:$0x3F93];
	s0 =	simm.s32 @p1 $0x1  }
0x15: {  	[smem:$0x3FB0] =	sst s0;
	s0 =	simm.s32 @!p2 $0x0  }
0x16: {  	s3 =	sld [smem:$0x3FDB];
	s0 =	simm.s32 @p2 $0x1  }
0x17: {  	s4 =	simm.s32 $0x1BF5;
	[smem:$0x3FB2] =	sst s0  }
0x18: {  	s0 =	sld [smem:$0x3F95];
	_ =	swait.ge [sflag:s4], $0x0  }
0x19: {  	s7 =	sld [smem:$0x3F96]  }
0x1a: {  	s8 =	sadd.s32 $0xFFFFE003, lr  }
0x1b: {  	s9 =	sadd.s32 $0xFFFFFEF7, lr;
	s5 =	simm.s32 $0xFFFFFFFF;
	p2 =	slt.u32 s8, $0xFFFFF086  }
0x1c: {  	p1 =	slt.u32 s9, $0xF7A;
	s5 =	simm.s32 @!p2 $0x0  }
0x1d: {  	s5 =	simm.s32 @p1 $0x1;
	p0 =	seq.s32 s7, s2  }
0x1e: {  	s7 =	smul.u32 @!p0 $0xF7A, s2;
	p2 =	seq.s32 @!p0 s5, $0x0  }
0x1f: {  	s9 =	smul.u32 $0xF7A, s1;
	s8 =	simm.s32 @!p0 $0x1BF5;
	p2 =	por !p2, p0  }
0x20: {  	[sflag:s8] =	ssyncset.s32 @!p0 $0xFFFFF086;
	s6 =	sadd.s32 @!p0 s3, s7;
	s7 =	simm.s32 @!p0 $0x108  }
0x21: {  	s3 =	sadd.s32 s3, s9;
	s6 =	sadd.s32 @!p0 $0x88, s6;
	s7 =	simm.s32 @p2 $0x1082  }
0x22: {  	[simem:s7], [sflag:s8] =	dma.local @!p0 [hbm:s6], $0xF7A  }
0x23: {  	s9 =	sor.u32 $0xD0000000, s2;
	s6 =	simm.s32 $0x108;
	_ =	swait.ge @!p0 [sflag:s8], $0x0  }
0x24: {  	s3 =	sadd.s32 $0x88, s3;
	s6 =	simm.s32 @!p1 $0x1082;
	[sflag:s4] =	ssyncset.s32 $0xFFFFF086  }
0x25: {  	[simem:s6], [sflag:s4] =	dma.local [hbm:s3], $0xF7A  }
0x26: {  	[smem:$0x3F96] =	sst s1;
	(tag) =	ssettag s2;
	_ =	strace s9  }
0x27: {  	s1 =	sld [smem:$0x3FA6]  }
0x28: {  	s2 =	sld [smem:$0x3FA7]  }
0x29: {  	s4 =	sld [smem:$0x3FA9]  }
0x2a: {  	p0 =	seq.s32 s5, $0x0;
	s5 =	sld [smem:$0x3FAA]  }
0x2b: {  	s6 =	sld [smem:$0x3FAB]  }
0x2c: {  	s7 =	sld [smem:$0x3FAC]  }
0x2d: {  	s3 =	simm.s32 $0x108;
	s8 =	sld [smem:$0x3FAD]  }
0x2e: {  	s3 =	simm.s32 @!p0 $0x1082;
	s9 =	sld [smem:$0x3FAE]  }
0x2f: {  	lr =	sadd.s32 s0, s3;
	s0 =	sld [smem:$0x3FA5]  }
0x30: {  	s3 =	sld [smem:$0x3FA8]  }
0x31: {  	[smem:$0x3FB1] =	sst s10  }
0x32: {  	s10 =	sld [smem:$0x3FAF];
	_ =	sdelay $0x3  }
0x33: {  	p0 =	seq.s32 s10, $0x1;
	s10 =	sld [smem:$0x3FB1];
	_ =	sdelay $0x3  }
0x34: {  	[smem:$0x3FB1] =	sst s10  }
0x35: {  	s10 =	sld [smem:$0x3FB0];
	_ =	sdelay $0x3  }
0x36: {  	p1 =	seq.s32 s10, $0x1;
	s10 =	sld [smem:$0x3FB1];
	_ =	sdelay $0x3  }
0x37: {  	[smem:$0x3FB1] =	sst s10  }
0x38: {  	s10 =	sld [smem:$0x3FB2]  }
0x39: {  	_ = 	snop;
	(pc) =	sbr.ind lr, $3  }
0x3a: {  	_ = 	snop  }
0x3b: {  	_ = 	snop  }
0x3c: {  	p2 =	seq.s32 s10, $0x1;
	s10 =	sld [smem:$0x3FB1]  }
0x3d: {  	_ =	shalt  }
0x3e: {  	_ =	shalt  }
0x3f: {  	_ =	shalt  }
0x40: {  	_ =	shalt  }
0x41: {  	_ =	shalt  }
0x42: {  	_ =	shalt  }
0x43: {  	_ =	shalt  }
0x44: {  	_ =	shalt  }
0x45: {  	_ =	shalt  }
0x46: {  	_ =	shalt  }
0x47: {  	_ =	shalt  }
0x48: {  	_ =	shalt  }
0x49: {  	_ =	shalt  }
0x4a: {  	_ =	shalt  }
0x4b: {  	_ =	shalt  }
0x4c: {  	_ =	shalt  }
0x4d: {  	_ =	shalt  }
0x4e: {  	_ =	shalt  }
0x4f: {  	_ =	shalt  }
0x50: {  	_ =	shalt  }
0x51: {  	_ =	shalt  }
0x52: {  	_ =	shalt  }
0x53: {  	_ =	shalt  }
0x54: {  	_ =	shalt  }
0x55: {  	_ =	shalt  }
0x56: {  	_ =	shalt  }
0x57: {  	_ =	shalt  }
0x58: {  	_ =	shalt  }
0x59: {  	_ =	shalt  }
0x5a: {  	_ =	shalt  }
0x5b: {  	_ =	shalt  }
0x5c: {  	_ =	shalt  }
0x5d: {  	_ =	shalt  }
0x5e: {  	_ =	shalt  }
0x5f: {  	_ =	shalt  }
0x60: {  	_ =	shalt  }
0x61: {  	_ =	shalt  }
0x62: {  	_ =	shalt  }
0x63: {  	_ =	shalt  }
0x64: {  	_ =	shalt  }
0x65: {  	_ =	shalt  }
0x66: {  	_ =	shalt  }
0x67: {  	_ =	shalt  }
0x68: {  	_ =	shalt  }
0x69: {  	_ =	shalt  }
0x6a: {  	_ =	shalt  }
0x6b: {  	_ =	shalt  }
0x6c: {  	_ =	shalt  }
0x6d: {  	_ =	shalt  }
0x6e: {  	_ =	shalt  }
0x6f: {  	_ =	shalt  }
0x70: {  	_ =	shalt  }
0x71: {  	_ =	shalt  }
0x72: {  	_ =	shalt  }
0x73: {  	_ =	shalt  }
0x74: {  	_ =	shalt  }
0x75: {  	_ =	shalt  }
0x76: {  	_ =	shalt  }
0x77: {  	_ =	shalt  }
0x78: {  	_ =	shalt  }
0x79: {  	_ =	shalt  }
0x7a: {  	_ =	shalt  }
0x7b: {  	_ =	shalt  }
0x7c: {  	_ =	shalt  }
0x7d: {  	_ =	shalt  }
0x7e: {  	_ =	shalt  }
0x7f: {  	_ =	shalt  }
0x80: {  	_ =	shalt  }
0x81: {  	_ =	shalt  }
0x82: {  	_ =	shalt  }
0x83: {  	_ =	shalt  }
0x84: {  	_ =	shalt  }
0x85: {  	_ =	shalt  }
0x86: {  	_ =	shalt  }
0x87: {  	_ =	shalt  }
.Lfunc_end0:
.L_simem_size_0:
called_computation.2_lowered:
.L_overlay_start_0:
0x88: {  	s2 =	sld [smem:$0x3FD9]  }
0x89: {  	s3 =	sld [smem:$0x3FFE];
	_ =	sdelay $0x1  }
0x8a: {  	s1 =	srdreg.scid  }
0x8b: {  	s0 =	sand.u32 $0x1, s1  }
0x8c: {  	s17 =	sshll.u32 s0, $0xA;
	s2 =	sadd.s32 s3, s2  }
0x8d: {  	s2 =	sadd.s32 s2, s17  }
0x8e: {  	[smem:$0x3FBD] =	sst s2  }
0x8f: {  	_ = 	snop  }
0x90: {  	s2 =	sld [smem:$0x3FD0];
	(tm) =	ssettm $0x1  }
0x91: {  	s18 =	sld [smem:$0x3FFB];
	_ =	sdelay $0x3  }
0x92: {  	_ =	strace s18  }
0x93: {  	s3 =	sld [smem:$0x3FFC];
	_ =	sdelay $0x3  }
0x94: {  	_ =	strace s3  }
0x95: {  	s3 =	sld [smem:$0x3FFD];
	_ =	sdelay $0x3  }
0x96: {  	_ =	strace s3  }
0x97: {  	_ =	strace $0x8FFFFFFF  }
0x98: {  	s19 =	sld [smem:$0x3FDB];
	_ =	sdelay $0x1  }
0x99: {  	s4 =	simm.s32 $_scs_section_size  }
0x9a: {  	s5 =	simm.s32 $_size__tile_overlayer_lowered;
	s6 =	simm.s32 $_tile_overlayer_lowered  }
0x9b: {  	s22 =	simm.s32 $0x1BFF;
	s21 =	sshll.u32 s6, $0x1;
	s3 =	sadd.s32 s4, s19  }
0x9c: {  	s7 =	simm.s32 $0x0;
	s20 =	sshll.u32 s5, $0x1;
	s5 =	sadd.s32 s21, s3  }
0x9d: {  	[timem:s7], [sflag:s22] =	dma.local [hbm:s5], s20  }
0x9e: {  	_ =	swait.ge [sflag:s22], s20  }
0x9f: {  	s4 =	ssub.s32 $0x0, s20;
	[sflag:s22] =	ssyncset.done $0x0  }
0xa0: {  	[sflag:s22] =	ssyncadd.s32 s4;
	_ =	sdelay $0x1  }
0xa1: {  	s23 =	simm.s32 $0x1B8B  }
0xa2: {  	_ =	swait.ge [sflag:s23], $0x1  }
0xa3: {  	[sflag:s23] =	ssyncset.done $0x0  }
0xa4: {  	s25 =	simm.s32 $0x1B8E;
	s24 =	sld [smem:$0x3FFE];
	[sflag:s23] =	ssyncadd.s32 $0xFFFFFFFF  }
0xa5: {  	s26 =	simm.s32 $execute0_lowered;
	[smem:$0x3FD2] =	sst s25  }
0xa6: {  	s5 =	sshll.u32 s26, $0x1;
	_ =	strace $0x8000004C;
	[dreg:$0x1] =	wrdreg $0xFFFFFFFF  }
0xa7: {  	s28 =	simm.s32 $_size_execute0_lowered;
	s3 =	sadd.s32 s3, s5;
	[dreg:$0x0] =	wrdreg $0x0  }
0xa8: {  	s5 =	sshll.u32 s28, $0x1;
	[dreg:$0x2] =	wrdreg s3  }
0xa9: {  	[dreg:$0x3] =	wrdreg s5  }
0xaa: {  	[dreg:$0x4] =	wrdreg $0xC0  }
0xab: {  	_ =	task [dreg:s7], $0x5FFFF  }
0xac: {  	[dreg:$0x1] =	wrdreg $0xFFFFFFFF  }
0xad: {  	[dreg:$0x0] =	wrdreg $0x60  }
0xae: {  	[dreg:$0x2] =	wrdreg s24  }
0xaf: {  	[dreg:$0x3] =	wrdreg s2  }
0xb0: {  	[dreg:$0x4] =	wrdreg $0x0  }
0xb1: {  	[dreg:$0x5] =	wrdreg $0x9  }
0xb2: {  	_ =	task.clear_ibuf [dreg:s7], $0x6FFFF;
	_ =	strace $0x9000004C  }
0xb3: {  	s29 =	simm.s32 $0x9;
	_ =	strace $0x8000004E  }
0xb4: {  	_ =	swait.ge [sflag:s29], $0x1  }
0xb5: {  	[sflag:s29] =	ssyncadd.s32 $0xFFFFFFFF  }
0xb6: {  	_ =	strace $0x9000004E  }
0xb7: {  	_ =	sfence  }
0xb8: {  	s30 =	sld [smem:$0x0];
	_ =	sdelay $0x2  }
0xb9: {  	s31 =	sshll.u32 s1, $0xD;
	s1 =	sshrl.u32 s1, $0x2  }
0xba: {  	s3 =	sand.u32 $0x4000, s31;
	s1 =	sadd.s32 s1, s30  }
0xbb: {  	s0 =	sor.u32 s3, s0;
	s1 =	sshll.u32 s1, $0x11  }
0xbc: {  	s0 =	sor.u32 s1, s0  }
0xbd: {  	s0 =	sadd.s32 $0x8F2B, s0  }
0xbe: {  	[sflag:s0] =	ssyncadd.remote.s32 $0x1  }
0xbf: {  	_ =	sfence.sel $0xFFFF  }
0xc0: {  	[dreg:$0x0] =	wrdreg $0xFFFFFFFF;
	(pc) =	sbr.abs _section_cstart, $3  }
0xc1: {  	[dreg:$0x1] =	wrdreg $0xFFFFFFFF  }
0xc2: {  	_ =	task.clear_ibuf [dreg:s7], $0x2FFFF;
	_ =	strace $0x9FFFFFFF  }
0xc3: {  	(tm) =	ssettm $0x7FFFFFFF  }
tec
execute0_lowered:
.L_overlay_start_1:
0x0: {  	(tag) =	ssettag $0x1  }
0x1: {  	s0 =	rddreg [dreg:$0x0]  }
0x2: {  	s1 =	srdreg.scid;
	s2 =	rddreg [dreg:$0x1]  }
0x3: {  	s3 =	rddreg [dreg:$0x2];
	s19 =	stileid.u32  }
0x4: {  	s4 =	simm.s32 $0x0;
	s31 =	simm.s32 $0x14200;
	s1 =	sand.u32 $0x1, s1  }
0x5: {  	[smem:$0x7FF] =	sst s4;
	s8 =	smul.u32 $0x14000, s19;
	s9 =	sadd.s32 $0x5DA00, s0  }
0x6: {  	s5 =	sshll.u32 s1, $0x4;
	s6 =	ssub.s32 $0x2, s1;
	s20 =	smul.u32 $0x140000, s1  }
0x7: {  	_ =	strace $0x8000004D;
	s1 =	smul.u32 $0x27B00, s1;
	s5 =	sor.u32 s19, s5  }
0x8: {  	s7 =	sshrl.u32 s6, $0x1;
	s10 =	sor.u32 $0x2800, s8;
	s11 =	sadd.s32 $0x5000, s8  }
0x9: {  	s12 =	sadd.s32 $0x7800, s8;
	s15 =	sadd.s32 $0xA000, s8;
	s16 =	sadd.s32 $0xC800, s8  }
0xa: {  	s17 =	sadd.s32 $0xF000, s8;
	s18 =	sadd.s32 $0x11800, s8;
	s5 =	smul.u32 $0x27B0, s5  }
0xb: {  	s6 =	ssub.s32 s6, s7;
	s8 =	sadd.s32 s20, s8;
	s13 =	sadd.s32 s20, s10  }
0xc: {  	s14 =	sadd.s32 s20, s11;
	s23 =	sadd.s32 s20, s12;
	s24 =	sadd.s32 s20, s15  }
0xd: {  	s25 =	sadd.s32 s20, s16;
	s7 =	sadd.s32 s20, s18;
	s8 =	sshrl.u32 s8, $0x3  }
0xe: {  	s13 =	sshrl.u32 s13, $0x3;
	s22 =	sshrl.u32 s14, $0x3;
	s28 =	sshrl.u32 s25, $0x3  }
0xf: {  	s14 =	sadd.s32 s20, s17;
	s7 =	sshrl.u32 s7, $0x3;
	s20 =	smul.u32 $0x27B0, s19  }
0x10: {  	s25 =	smax.u32 s6, $0x1;
	s6 =	simm.s32 $0x14100;
	s8 =	sadd.s32 s9, s8  }
0x11: {  	s21 =	sadd.s32 s9, s13;
	s13 =	sshrl.u32 s24, $0x3;
	[dreg:$0xf] =	wrdreg s25  }
0x12: {  	s7 =	sadd.s32 s9, s7;
	s25 =	sadd.s32 s18, s3;
	[dreg:$0x4] =	wrdreg s8  }
0x13: {  	[dreg:$0x5] =	wrdreg s21;
	s8 =	sadd.s32 s9, s22;
	s26 =	sadd.s32 s9, s13  }
0x14: {  	s13 =	sshrl.u32 s14, $0x3;
	[dreg:$0xb] =	wrdreg s7;
	s1 =	sadd.s32 s20, s1  }
0x15: {  	s22 =	smul.u32 $0x50000, s19;
	s14 =	sadd.s32 $0x3A00, s0;
	[dreg:$0x12] =	wrdreg s25  }
0x16: {  	s20 =	sadd.s32 s10, s3;
	s7 =	simm.s32 $0x14180;
	[dreg:$0x6] =	wrdreg s8  }
0x17: {  	s10 =	simm.s32 $0x4;
	s8 =	sshrl.u32 s23, $0x3;
	[dreg:$0x8] =	wrdreg s26  }
0x18: {  	s21 =	sadd.s32 s9, s13;
	s13 =	sadd.s32 $0xDA00, s0;
	s0 =	sadd.s32 $0x35A00, s0  }
0x19: {  	s23 =	sshrl.u32 s5, $0x3;
	s26 =	sadd.s32 s15, s3;
	[dreg:$0xa] =	wrdreg s21  }
0x1a: {  	s15 =	simm.s32 $0x3;
	s8 =	sadd.s32 s9, s8;
	[dreg:$0xc] =	wrdreg s0  }
0x1b: {  	s5 =	sadd.s32 s2, s23;
	s0 =	sadd.s32 s14, s23;
	s24 =	sshrl.u32 s22, $0x2  }
0x1c: {  	s21 =	sadd.s32 s11, s3;
	s22 =	sadd.s32 s12, s3;
	s23 =	sadd.s32 s16, s3  }
0x1d: {  	s18 =	smov.u32 s26;
	s11 =	simm.s32 $0x16A00;
	[dreg:$0x7] =	wrdreg s8  }
0x1e: {  	s12 =	simm.s32 $0x2;
	s16 =	simm.s32 $0x0;
	[dreg:$0xd] =	wrdreg s5  }
0x1f: {  	s8 =	sadd.s32 s9, s28;
	[dreg:$0xe] =	wrdreg s0;
	s19 =	sadd.s32 s24, s3  }
0x20: {  	s24 =	sadd.s32 s17, s3;
	s28 =	sadd.s32 $0x50, s1;
	[dreg:$0x10] =	wrdreg s23  }
0x21: {  	s1 =	sadd.s32 $0xA0, s1;
	s5 =	simm.s32 $0x14080;
	[dreg:$0x9] =	wrdreg s8  }
0x22: {  	s9 =	simm.s32 $0x1;
	[dreg:$0x13] =	wrdreg s1;
	s0 =	sshrl.u32 s28, $0x3  }
0x23: {  	s1 =	simm.s32 $0x14000;
	s8 =	simm.s32 $0x50;
	[dreg:$0x11] =	wrdreg s24  }
0x24: {  	s29 =	sadd.s32 s0, s14;
	s30 =	sadd.s32 s0, s2;
	s0 =	simm.s32 $0x5  }
.LBB2_1:
0x25: {  	s17 =	rddreg [dreg:$0xc]  }
0x26: {  	[tilespmem:s31], [sflag:$0x5] =	stream.linear.gather [hbm4b:s17+s4], $0x2800, $0x38;
	[tilespmem:$0x19200] =	vst v63  }
0x27: {  	_ =	swait.ge [sflag:s0], $0x2800  }
0x28: {  	[sflag:s0] =	ssyncset.done $0x0  }
0x29: {  	[sflag:s0] =	ssyncadd.s32 $0xFFFFD800  }
0x2a: {  	[spmem:s19] =	stream.linear.scatter [tilespmem:s31], [sflag:$0x5], $0x2800, $0x38;
	[tilespmem:$0x19200] =	vst v63  }
0x2b: {  	_ =	swait.ge [sflag:s0], $0x2800  }
0x2c: {  	[sflag:s0] =	ssyncset.done $0x0  }
0x2d: {  	[sflag:s0] =	ssyncadd.s32 $0xFFFFD800  }
0x2e: {  	[spmem:s20] =	stream.linear.scatter [tilespmem:s31], [sflag:$0x5], $0x2800, $0x38;
	[tilespmem:$0x19200] =	vst v63  }
0x2f: {  	_ =	swait.ge [sflag:s0], $0x2800  }
0x30: {  	[sflag:s0] =	ssyncset.done $0x0  }
0x31: {  	[sflag:s0] =	ssyncadd.s32 $0xFFFFD800  }
0x32: {  	[spmem:s21] =	stream.linear.scatter [tilespmem:s31], [sflag:$0x5], $0x2800, $0x38;
	[tilespmem:$0x19200] =	vst v63  }
0x33: {  	_ =	swait.ge [sflag:s0], $0x2800  }
0x34: {  	[sflag:s0] =	ssyncset.done $0x0  }
0x35: {  	[sflag:s0] =	ssyncadd.s32 $0xFFFFD800  }
0x36: {  	[spmem:s22] =	stream.linear.scatter [tilespmem:s31], [sflag:$0x5], $0x2800, $0x38;
	[tilespmem:$0x19200] =	vst v63  }
0x37: {  	_ =	swait.ge [sflag:s0], $0x2800  }
0x38: {  	[sflag:s0] =	ssyncset.done $0x0  }
0x39: {  	[sflag:s0] =	ssyncadd.s32 $0xFFFFD800  }
0x3a: {  	[spmem:s18] =	stream.linear.scatter [tilespmem:s31], [sflag:$0x5], $0x2800, $0x38;
	[tilespmem:$0x19200] =	vst v63  }
0x3b: {  	_ =	swait.ge [sflag:s0], $0x2800  }
0x3c: {  	[sflag:s0] =	ssyncset.done $0x0  }
0x3d: {  	s17 =	smov.u32 s23;
	[sflag:s0] =	ssyncadd.s32 $0xFFFFD800  }
0x3e: {  	[spmem:s17] =	stream.linear.scatter [tilespmem:s31], [sflag:$0x5], $0x2800, $0x38;
	[tilespmem:$0x19200] =	vst v63  }
0x3f: {  	_ =	swait.ge [sflag:s0], $0x2800  }
0x40: {  	[sflag:s0] =	ssyncset.done $0x0  }
0x41: {  	s23 =	smov.u32 s19;
	s19 =	smov.u32 s24;
	[sflag:s0] =	ssyncadd.s32 $0xFFFFD800  }
0x42: {  	[spmem:s19] =	stream.linear.scatter [tilespmem:s31], [sflag:$0x5], $0x2800, $0x38;
	[tilespmem:$0x19200] =	vst v63  }
0x43: {  	_ =	swait.ge [sflag:s0], $0x2800  }
0x44: {  	[sflag:s0] =	ssyncset.done $0x0  }
0x45: {  	s24 =	smov.u32 s20;
	s20 =	smov.u32 s25;
	[sflag:s0] =	ssyncadd.s32 $0xFFFFD800  }
0x46: {  	[spmem:s20] =	stream.linear.scatter [tilespmem:s31], [sflag:$0x5], $0x2800, $0x38;
	[tilespmem:$0x19200] =	vst v63  }
0x47: {  	_ =	swait.ge [sflag:s0], $0x2800  }
0x48: {  	[sflag:s0] =	ssyncset.done $0x0  }
0x49: {  	s26 =	smov.u32 s22;
	s22 =	rddreg [dreg:$0xd];
	[sflag:s0] =	ssyncadd.s32 $0xFFFFD800  }
0x4a: {  	[tilespmem:s1], [sflag:$0x5] =	stream.linear.gather [hbm4b:s22+s4], $0x50, $0x38;
	[tilespmem:$0x19200] =	vst v63  }
0x4b: {  	_ =	swait.ge [sflag:s0], $0x50  }
0x4c: {  	[sflag:s0] =	ssyncset.done $0x0  }
0x4d: {  	s28 =	smov.u32 s18;
	s18 =	rddreg [dreg:$0xe];
	[sflag:s0] =	ssyncadd.s32 $0xFFFFFFB0  }
0x4e: {  	[tilespmem:s5], [sflag:$0x5] =	stream.linear.gather [hbm4b:s18+s4], $0x50, $0x38;
	[tilespmem:$0x19200] =	vst v63  }
0x4f: {  	_ =	swait.ge [sflag:s0], $0x50  }
0x50: {  	[sflag:s0] =	ssyncset.done $0x0  }
0x51: {  	[sflag:s0] =	ssyncadd.s32 $0xFFFFFFB0  }
0x52: {  	s19 =	sadd.s32 $0x0, s30;
	[bflag:$0x0] =	sbarrier.arrive $0xFFFF  }
0x53: {  	[tilespmem:s6], [sflag:$0x4] =	stream.linear.gather [hbm4b:s19+s4], $0x50, $0x38;
	[tilespmem:$0x19200] =	vst v63  }
0x54: {  	s20 =	sadd.s32 $0x0, s29  }
0x55: {  	[tilespmem:s7], [sflag:$0x4] =	stream.linear.gather [hbm4b:s20+s4], $0x50, $0x38;
	[tilespmem:$0x19200] =	vst v63  }
0x56: {  	_ = 	snop  }
0x57: {  	[tilespmem:s31], [sflag:$0x1] =	stream.indirect.gather [hbm4b:s13+s8], $0x80, s1, s8, $0xb8;
	[tilespmem:$0x19200] =	vst v63  }
0x58: {  	_ =	swait.ge [sflag:s9], $0x2800  }
0x59: {  	[sflag:s9] =	ssyncset.done $0x0  }
0x5a: {  	[sflag:s9] =	ssyncadd.s32 $0xFFFFD800  }
0x5b: {  	[spmem:s3] =	stream.indirect.scatter.add.f32 [tilespmem:s31], [sflag:$0x5], $0x80, s5, s8, $0xb8;
	[tilespmem:$0x19200] =	vst v63  }
0x5c: {  	_ =	swait.ge [sflag:s0], $0x2800  }
0x5d: {  	[sflag:s0] =	ssyncset.done $0x0  }
0x5e: {  	[sflag:s0] =	ssyncadd.s32 $0xFFFFD800  }
0x5f: {  	_ =	swait.ge [sflag:s10], $0x50  }
0x60: {  	[sflag:s10] =	ssyncset.done $0x0  }
0x61: {  	[sflag:s10] =	ssyncadd.s32 $0xFFFFFFB0  }
0x62: {  	_ =	swait.ge [sflag:s10], $0x50  }
0x63: {  	s20 =	rddreg [dreg:$0x13]  }
0x64: {  	s25 =	smov.u32 s21;
	[sflag:s10] =	ssyncset.done $0x0;
	s21 =	sshrl.u32 s20, $0x3  }
0x65: {  	[sflag:s10] =	ssyncadd.s32 $0xFFFFFFB0;
	s22 =	sadd.s32 s2, s21  }
0x66: {  	[tilespmem:s1], [sflag:$0x3] =	stream.linear.gather [hbm4b:s22+s4], $0x50, $0x38;
	[tilespmem:$0x19200] =	vst v63  }
0x67: {  	s17 =	sadd.s32 s14, s21  }
0x68: {  	[tilespmem:s5], [sflag:$0x3] =	stream.linear.gather [hbm4b:s17+s4], $0x50, $0x38;
	[tilespmem:$0x19200] =	vst v63  }
0x69: {  	_ = 	snop  }
0x6a: {  	[tilespmem:s11], [sflag:$0x2] =	stream.indirect.gather [hbm4b:s13+s8], $0x80, s6, s8, $0xb8;
	[tilespmem:$0x19200] =	vst v63  }
0x6b: {  	_ =	swait.ge [sflag:s12], $0x2800  }
0x6c: {  	[sflag:s12] =	ssyncset.done $0x0  }
0x6d: {  	[sflag:s12] =	ssyncadd.s32 $0xFFFFD800  }
0x6e: {  	[spmem:s3] =	stream.indirect.scatter.add.f32 [tilespmem:s11], [sflag:$0x5], $0x80, s7, s8, $0xb8;
	[tilespmem:$0x19200] =	vst v63  }
0x6f: {  	_ =	swait.ge [sflag:s0], $0x2800  }
0x70: {  	[sflag:s0] =	ssyncset.done $0x0  }
0x71: {  	[sflag:s0] =	ssyncadd.s32 $0xFFFFD800  }
0x72: {  	_ =	swait.ge [sflag:s15], $0x50  }
0x73: {  	[sflag:s15] =	ssyncset.done $0x0  }
0x74: {  	[sflag:s15] =	ssyncadd.s32 $0xFFFFFFB0  }
0x75: {  	s18 =	simm.s32 $0x28;
	_ =	swait.ge [sflag:s15], $0x50  }
0x76: {  	s19 =	simm.s32 $0x14;
	s17 =	sadd.s32 $0xA0, s20;
	[sflag:s15] =	ssyncset.done $0x0  }
.LBB2_2:
0x77: {  	s21 =	sadd.s32 s19, s30  }
0x78: {  	[sflag:s15] =	ssyncadd.s32 $0xFFFFFFB0;
	s22 =	smov.u32 s18;
	s20 =	sadd.s32 $0x14, s18  }
0x79: {  	[tilespmem:s6], [sflag:$0x4] =	stream.linear.gather [hbm4b:s21+s4], $0x50, $0x38;
	[tilespmem:$0x19200] =	vst v63  }
0x7a: {  	p0 =	sne.s32 s18, $0x4D8;
	s18 =	sadd.s32 s19, s29;
	s19 =	smov.u32 s22  }
0x7b: {  	[tilespmem:s7], [sflag:$0x4] =	stream.linear.gather [hbm4b:s18+s4], $0x50, $0x38;
	[tilespmem:$0x19200] =	vst v63  }
0x7c: {  	_ = 	snop  }
0x7d: {  	[tilespmem:s31], [sflag:$0x1] =	stream.indirect.gather [hbm4b:s13+s8], $0x80, s1, s8, $0xb8;
	[tilespmem:$0x19200] =	vst v63  }
0x7e: {  	_ =	swait.ge [sflag:s9], $0x2800  }
0x7f: {  	[sflag:s9] =	ssyncset.done $0x0  }
0x80: {  	[sflag:s9] =	ssyncadd.s32 $0xFFFFD800  }
0x81: {  	[spmem:s3] =	stream.indirect.scatter.add.f32 [tilespmem:s31], [sflag:$0x5], $0x80, s5, s8, $0xb8;
	[tilespmem:$0x19200] =	vst v63  }
0x82: {  	_ =	swait.ge [sflag:s0], $0x2800  }
0x83: {  	[sflag:s0] =	ssyncset.done $0x0  }
0x84: {  	[sflag:s0] =	ssyncadd.s32 $0xFFFFD800  }
0x85: {  	_ =	swait.ge [sflag:s10], $0x50  }
0x86: {  	[sflag:s10] =	ssyncset.done $0x0  }
0x87: {  	[sflag:s10] =	ssyncadd.s32 $0xFFFFFFB0  }
0x88: {  	_ =	swait.ge [sflag:s10], $0x50  }
0x89: {  	s18 =	sshrl.u32 s17, $0x3;
	[sflag:s10] =	ssyncset.done $0x0  }
0x8a: {  	s21 =	sadd.s32 s2, s18;
	[sflag:s10] =	ssyncadd.s32 $0xFFFFFFB0  }
0x8b: {  	[tilespmem:s1], [sflag:$0x3] =	stream.linear.gather [hbm4b:s21+s4], $0x50, $0x38;
	[tilespmem:$0x19200] =	vst v63  }
0x8c: {  	s18 =	sadd.s32 s14, s18  }
0x8d: {  	[tilespmem:s5], [sflag:$0x3] =	stream.linear.gather [hbm4b:s18+s4], $0x50, $0x38;
	[tilespmem:$0x19200] =	vst v63  }
0x8e: {  	_ = 	snop  }
0x8f: {  	[tilespmem:s11], [sflag:$0x2] =	stream.indirect.gather [hbm4b:s13+s8], $0x80, s6, s8, $0xb8;
	[tilespmem:$0x19200] =	vst v63  }
0x90: {  	_ =	swait.ge [sflag:s12], $0x2800  }
0x91: {  	[sflag:s12] =	ssyncset.done $0x0  }
0x92: {  	[sflag:s12] =	ssyncadd.s32 $0xFFFFD800  }
0x93: {  	[spmem:s3] =	stream.indirect.scatter.add.f32 [tilespmem:s11], [sflag:$0x5], $0x80, s7, s8, $0xb8;
	[tilespmem:$0x19200] =	vst v63  }
0x94: {  	_ =	swait.ge [sflag:s0], $0x2800  }
0x95: {  	[sflag:s0] =	ssyncset.done $0x0  }
0x96: {  	[sflag:s0] =	ssyncadd.s32 $0xFFFFD800  }
.Ltmp0:
0x97: {  	_ =	swait.ge [sflag:s15], $0x50;
	(pc) =	sbr.rel @p0 .LBB2_2-.Ltmp0, $4  }
0x98: {  	[sflag:s15] =	ssyncset.done $0x0  }
0x99: {  	[sflag:s15] =	ssyncadd.s32 $0xFFFFFFB0  }
0x9a: {  	_ =	swait.ge [sflag:s15], $0x50  }
0x9b: {  	s17 =	sadd.s32 $0xA0, s17;
	s18 =	smov.u32 s20;
	[sflag:s15] =	ssyncset.done $0x0  }
0x9c: {  	s18 =	sadd.s32 s19, s30;
	[sflag:s15] =	ssyncadd.s32 $0xFFFFFFB0  }
0x9d: {  	[tilespmem:s6], [sflag:$0x4] =	stream.linear.gather [hbm4b:s18+s4], $0x50, $0x38;
	[tilespmem:$0x19200] =	vst v63  }
0x9e: {  	s21 =	sadd.s32 s19, s29  }
0x9f: {  	[tilespmem:s7], [sflag:$0x4] =	stream.linear.gather [hbm4b:s21+s4], $0x50, $0x38;
	[tilespmem:$0x19200] =	vst v63  }
0xa0: {  	_ = 	snop  }
0xa1: {  	[tilespmem:s31], [sflag:$0x1] =	stream.indirect.gather [hbm4b:s13+s8], $0x80, s1, s8, $0xb8;
	[tilespmem:$0x19200] =	vst v63  }
0xa2: {  	_ =	swait.ge [sflag:s9], $0x2800  }
0xa3: {  	[sflag:s9] =	ssyncset.done $0x0  }
0xa4: {  	[sflag:s9] =	ssyncadd.s32 $0xFFFFD800  }
0xa5: {  	[spmem:s3] =	stream.indirect.scatter.add.f32 [tilespmem:s31], [sflag:$0x5], $0x80, s5, s8, $0xb8;
	[tilespmem:$0x19200] =	vst v63  }
0xa6: {  	_ =	swait.ge [sflag:s0], $0x2800  }
0xa7: {  	[sflag:s0] =	ssyncset.done $0x0  }
0xa8: {  	[sflag:s0] =	ssyncadd.s32 $0xFFFFD800  }
0xa9: {  	_ =	swait.ge [sflag:s10], $0x50  }
0xaa: {  	[sflag:s10] =	ssyncset.done $0x0  }
0xab: {  	[sflag:s10] =	ssyncadd.s32 $0xFFFFFFB0  }
0xac: {  	_ =	swait.ge [sflag:s10], $0x50  }
0xad: {  	s17 =	sshrl.u32 s17, $0x3;
	[sflag:s10] =	ssyncset.done $0x0  }
0xae: {  	s22 =	sadd.s32 s2, s17;
	[sflag:s10] =	ssyncadd.s32 $0xFFFFFFB0  }
0xaf: {  	[tilespmem:s1], [sflag:$0x3] =	stream.linear.gather [hbm4b:s22+s4], $0x50, $0x38;
	[tilespmem:$0x19200] =	vst v63  }
0xb0: {  	s17 =	sadd.s32 s14, s17  }
0xb1: {  	[tilespmem:s5], [sflag:$0x3] =	stream.linear.gather [hbm4b:s17+s4], $0x50, $0x38;
	[tilespmem:$0x19200] =	vst v63  }
0xb2: {  	_ = 	snop  }
0xb3: {  	[tilespmem:s11], [sflag:$0x2] =	stream.indirect.gather [hbm4b:s13+s8], $0x80, s6, s8, $0xb8;
	[tilespmem:$0x19200] =	vst v63  }
0xb4: {  	_ =	swait.ge [sflag:s12], $0x2800  }
0xb5: {  	[sflag:s12] =	ssyncset.done $0x0  }
0xb6: {  	[sflag:s12] =	ssyncadd.s32 $0xFFFFD800  }
0xb7: {  	[spmem:s3] =	stream.indirect.scatter.add.f32 [tilespmem:s11], [sflag:$0x5], $0x80, s7, s8, $0xb8;
	[tilespmem:$0x19200] =	vst v63  }
0xb8: {  	_ =	swait.ge [sflag:s0], $0x2800  }
0xb9: {  	[sflag:s0] =	ssyncset.done $0x0  }
0xba: {  	[sflag:s0] =	ssyncadd.s32 $0xFFFFD800  }
0xbb: {  	_ =	swait.ge [sflag:s15], $0x50  }
0xbc: {  	[sflag:s15] =	ssyncset.done $0x0  }
0xbd: {  	[sflag:s15] =	ssyncadd.s32 $0xFFFFFFB0  }
0xbe: {  	_ =	swait.ge [sflag:s15], $0x50  }
0xbf: {  	[sflag:s15] =	ssyncset.done $0x0  }
0xc0: {  	[sflag:s15] =	ssyncadd.s32 $0xFFFFFFB0  }
0xc1: {  	[bflag:$0x0] =	sbarrier.arrive $0xFFFF  }
0xc2: {  	[tilespmem:s31], [sflag:$0x5] =	stream.linear.gather [spmem:s23], $0x2800, $0x38;
	[tilespmem:$0x19200] =	vst v63  }
0xc3: {  	_ =	swait.ge [sflag:s0], $0x2800  }
0xc4: {  	[sflag:s0] =	ssyncset.done $0x0  }
0xc5: {  	s19 =	smov.u32 s23;
	s23 =	rddreg [dreg:$0x4];
	[sflag:s0] =	ssyncadd.s32 $0xFFFFD800  }
0xc6: {  	[hbm4b:s23+s4] =	stream.linear.scatter [tilespmem:s31], [sflag:$0x5], $0x2800, $0x38;
	[tilespmem:$0x19200] =	vst v63  }
0xc7: {  	_ =	swait.ge [sflag:s0], $0x2800  }
0xc8: {  	[sflag:s0] =	ssyncset.done $0x0  }
0xc9: {  	[sflag:s0] =	ssyncadd.s32 $0xFFFFD800  }
0xca: {  	[tilespmem:s31], [sflag:$0x5] =	stream.linear.gather [spmem:s24], $0x2800, $0x38;
	[tilespmem:$0x19200] =	vst v63  }
0xcb: {  	_ =	swait.ge [sflag:s0], $0x2800  }
0xcc: {  	[sflag:s0] =	ssyncset.done $0x0  }
0xcd: {  	s20 =	smov.u32 s24;
	s24 =	rddreg [dreg:$0x5];
	[sflag:s0] =	ssyncadd.s32 $0xFFFFD800  }
0xce: {  	[hbm4b:s24+s4] =	stream.linear.scatter [tilespmem:s31], [sflag:$0x5], $0x2800, $0x38;
	[tilespmem:$0x19200] =	vst v63  }
0xcf: {  	_ =	swait.ge [sflag:s0], $0x2800  }
0xd0: {  	[sflag:s0] =	ssyncset.done $0x0  }
0xd1: {  	[sflag:s0] =	ssyncadd.s32 $0xFFFFD800  }
0xd2: {  	[tilespmem:s31], [sflag:$0x5] =	stream.linear.gather [spmem:s25], $0x2800, $0x38;
	[tilespmem:$0x19200] =	vst v63  }
0xd3: {  	_ =	swait.ge [sflag:s0], $0x2800  }
0xd4: {  	[sflag:s0] =	ssyncset.done $0x0  }
0xd5: {  	s21 =	smov.u32 s25;
	s25 =	rddreg [dreg:$0x6];
	[sflag:s0] =	ssyncadd.s32 $0xFFFFD800  }
0xd6: {  	[hbm4b:s25+s4] =	stream.linear.scatter [tilespmem:s31], [sflag:$0x5], $0x2800, $0x38;
	[tilespmem:$0x19200] =	vst v63  }
0xd7: {  	_ =	swait.ge [sflag:s0], $0x2800  }
0xd8: {  	[sflag:s0] =	ssyncset.done $0x0  }
0xd9: {  	[sflag:s0] =	ssyncadd.s32 $0xFFFFD800  }
0xda: {  	[tilespmem:s31], [sflag:$0x5] =	stream.linear.gather [spmem:s26], $0x2800, $0x38;
	[tilespmem:$0x19200] =	vst v63  }
0xdb: {  	_ =	swait.ge [sflag:s0], $0x2800  }
0xdc: {  	[sflag:s0] =	ssyncset.done $0x0  }
0xdd: {  	s18 =	rddreg [dreg:$0x7];
	[sflag:s0] =	ssyncadd.s32 $0xFFFFD800  }
0xde: {  	[hbm4b:s18+s4] =	stream.linear.scatter [tilespmem:s31], [sflag:$0x5], $0x2800, $0x38;
	[tilespmem:$0x19200] =	vst v63  }
0xdf: {  	_ =	swait.ge [sflag:s0], $0x2800  }
0xe0: {  	[sflag:s0] =	ssyncset.done $0x0  }
0xe1: {  	[sflag:s0] =	ssyncadd.s32 $0xFFFFD800  }
0xe2: {  	[tilespmem:s31], [sflag:$0x5] =	stream.linear.gather [spmem:s28], $0x2800, $0x38;
	[tilespmem:$0x19200] =	vst v63  }
0xe3: {  	_ =	swait.ge [sflag:s0], $0x2800  }
0xe4: {  	[sflag:s0] =	ssyncset.done $0x0  }
0xe5: {  	s23 =	rddreg [dreg:$0x8];
	[sflag:s0] =	ssyncadd.s32 $0xFFFFD800  }
0xe6: {  	[hbm4b:s23+s4] =	stream.linear.scatter [tilespmem:s31], [sflag:$0x5], $0x2800, $0x38;
	[tilespmem:$0x19200] =	vst v63  }
0xe7: {  	_ =	swait.ge [sflag:s0], $0x2800  }
0xe8: {  	[sflag:s0] =	ssyncset.done $0x0  }
0xe9: {  	s23 =	rddreg [dreg:$0x10];
	[sflag:s0] =	ssyncadd.s32 $0xFFFFD800  }
0xea: {  	[tilespmem:s31], [sflag:$0x5] =	stream.linear.gather [spmem:s23], $0x2800, $0x38;
	[tilespmem:$0x19200] =	vst v63  }
0xeb: {  	_ =	swait.ge [sflag:s0], $0x2800  }
0xec: {  	[sflag:s0] =	ssyncset.done $0x0  }
0xed: {  	s24 =	rddreg [dreg:$0x9];
	[sflag:s0] =	ssyncadd.s32 $0xFFFFD800  }
0xee: {  	[hbm4b:s24+s4] =	stream.linear.scatter [tilespmem:s31], [sflag:$0x5], $0x2800, $0x38;
	[tilespmem:$0x19200] =	vst v63  }
0xef: {  	_ =	swait.ge [sflag:s0], $0x2800  }
0xf0: {  	[sflag:s0] =	ssyncset.done $0x0  }
0xf1: {  	s24 =	rddreg [dreg:$0x11];
	[sflag:s0] =	ssyncadd.s32 $0xFFFFD800  }
0xf2: {  	[tilespmem:s31], [sflag:$0x5] =	stream.linear.gather [spmem:s24], $0x2800, $0x38;
	[tilespmem:$0x19200] =	vst v63  }
0xf3: {  	_ =	swait.ge [sflag:s0], $0x2800  }
0xf4: {  	[sflag:s0] =	ssyncset.done $0x0  }
0xf5: {  	s25 =	rddreg [dreg:$0xa];
	[sflag:s0] =	ssyncadd.s32 $0xFFFFD800  }
0xf6: {  	[hbm4b:s25+s4] =	stream.linear.scatter [tilespmem:s31], [sflag:$0x5], $0x2800, $0x38;
	[tilespmem:$0x19200] =	vst v63  }
0xf7: {  	_ =	swait.ge [sflag:s0], $0x2800  }
0xf8: {  	[sflag:s0] =	ssyncset.done $0x0  }
0xf9: {  	s25 =	rddreg [dreg:$0x12];
	[sflag:s0] =	ssyncadd.s32 $0xFFFFD800  }
0xfa: {  	[tilespmem:s31], [sflag:$0x5] =	stream.linear.gather [spmem:s25], $0x2800, $0x38;
	[tilespmem:$0x19200] =	vst v63  }
0xfb: {  	_ =	swait.ge [sflag:s0], $0x2800  }
0xfc: {  	[sflag:s0] =	ssyncset.done $0x0  }
0xfd: {  	s22 =	smov.u32 s26;
	s26 =	rddreg [dreg:$0xb];
	[sflag:s0] =	ssyncadd.s32 $0xFFFFD800  }
0xfe: {  	[hbm4b:s26+s4] =	stream.linear.scatter [tilespmem:s31], [sflag:$0x5], $0x2800, $0x38;
	[tilespmem:$0x19200] =	vst v63  }
0xff: {  	_ =	swait.ge [sflag:s0], $0x2800  }
0x100: {  	s16 =	sadd.s32 $0x1, s16;
	s18 =	smov.u32 s28;
	s28 =	rddreg [dreg:$0xf]  }
0x101: {  	p0 =	sne.s32 s16, s28  }
.Ltmp1:
0x102: {  	_ = 	snop;
	(pc) =	sbr.rel @p0 .LBB2_1-.Ltmp1, $3  }
0x103: {  	_ =	sdelay $0x1  }
0x104: {  	[sflag:s0] =	ssyncset.done $0x0  }
0x105: {  	[sflag:s0] =	ssyncadd.s32 $0xFFFFD800  }
0x106: {  	_ =	sfence.sel $0x180000  }
0x107: {  	[bflag:$0x0] =	sbarrier.arrive $0xFFFF  }
0x108: {  	_ =	strace $0x9000004D  }
0x109: {  	s0 =	stileid.u32;
	[bflag:$0x2] =	sbarrier.arrive $0xFFFF  }
0x10a: {  	p0 =	sne.s32 s0, $0x0;
	s0 =	rddreg [dreg:$0x3]  }
0x10b: {  	s0 =	sadd.s32 @!p0 $0x100000, s0  }
0x10c: {  	[sflag:s0] =	ssyncadd.tile.s32 @!p0 $0x1;
	_ =	shalt  }
.Lfunc_end2:
_tile_overlayer_lowered:
.L_overlay_start_2:
0x10d: {  	(tag) =	ssettag $0x2  }
0x10e: {  	s0 =	rddreg [dreg:$0x0];
	s2 =	stileid.u32  }
0x10f: {  	s1 =	rddreg [dreg:$0x1];
	p0 =	sne.s32 s2, $0x0  }
0x110: {  	s3 =	rddreg [dreg:$0x2];
	[bflag:$0x3] =	sbarrier.arrive $0xFFFF;
	s2 =	simm.s32 @!p0 $0x1C05  }
0x111: {  	[timem:s3], [sflag:s2] =	dma.local @!p0 [hbm:s0], s1  }
0x112: {  	s0 =	simm.s32 @!p0 $0x5  }
0x113: {  	_ =	swait.ge @!p0 [sflag:s0], s1  }
0x114: {  	s1 =	ssub.s32 @!p0 $0x0, s1;
	[sflag:s0] =	ssyncset.done @!p0 $0x0  }
0x115: {  	[sflag:s0] =	ssyncadd.s32 @!p0 s1  }
0x116: {  	[bflag:$0x3] =	sbarrier.arrive $0xFFFF  }
0x117: {  	_ =	shalt  }

// kernel: kernel.19.cloned.1.call-start
scs
__scs_entry_jumppad:
0x0: {  	(pc) =	sbr.rel $0x88, $3  }
0x1: {  	(tag) =	ssettag $0x0;
	lr =	simm.s32 $0x1  }
0x2: {  	[smem:$0x3F96] =	sst lr;
	_ =	strace $0xD0000000  }
0x3: {  	_ = 	snop  }
0x4: {  	_ = 	snop  }
0x5: {  	_ = 	snop  }
0x6: {  	_ = 	snop  }
0x7: {  	_ = 	snop  }
__scs_overlays_trampoline_lowered:
0x8: {  	[smem:$0x3FA5] =	sst s0  }
0x9: {  	[smem:$0x3FA6] =	sst s1  }
0xa: {  	[smem:$0x3FA7] =	sst s2  }
0xb: {  	[smem:$0x3FA8] =	sst s3  }
0xc: {  	[smem:$0x3FA9] =	sst s4  }
0xd: {  	[smem:$0x3FAA] =	sst s5  }
0xe: {  	[smem:$0x3FAB] =	sst s6  }
0xf: {  	[smem:$0x3FAC] =	sst s7  }
0x10: {  	[smem:$0x3FAD] =	sst s8  }
0x11: {  	[smem:$0x3FAE] =	sst s9;
	s0 =	simm.s32 @!p0 $0x0  }
0x12: {  	s1 =	sld [smem:$0x3F94];
	s0 =	simm.s32 @p0 $0x1  }
0x13: {  	[smem:$0x3FAF] =	sst s0;
	s0 =	simm.s32 @!p1 $0x0  }
0x14: {  	s2 =	sld [smem:$0x3F93];
	s0 =	simm.s32 @p1 $0x1  }
0x15: {  	[smem:$0x3FB0] =	sst s0;
	s0 =	simm.s32 @!p2 $0x0  }
0x16: {  	s3 =	sld [smem:$0x3FDB];
	s0 =	simm.s32 @p2 $0x1  }
0x17: {  	s4 =	simm.s32 $0x1BF5;
	[smem:$0x3FB2] =	sst s0  }
0x18: {  	s0 =	sld [smem:$0x3F95];
	_ =	swait.ge [sflag:s4], $0x0  }
0x19: {  	s7 =	sld [smem:$0x3F96]  }
0x1a: {  	s8 =	sadd.s32 $0xFFFFE003, lr  }
0x1b: {  	s9 =	sadd.s32 $0xFFFFFEF7, lr;
	s5 =	simm.s32 $0xFFFFFFFF;
	p2 =	slt.u32 s8, $0xFFFFF086  }
0x1c: {  	p1 =	slt.u32 s9, $0xF7A;
	s5 =	simm.s32 @!p2 $0x0  }
0x1d: {  	s5 =	simm.s32 @p1 $0x1;
	p0 =	seq.s32 s7, s2  }
0x1e: {  	s7 =	smul.u32 @!p0 $0xF7A, s2;
	p2 =	seq.s32 @!p0 s5, $0x0  }
0x1f: {  	s9 =	smul.u32 $0xF7A, s1;
	s8 =	simm.s32 @!p0 $0x1BF5;
	p2 =	por !p2, p0  }
0x20: {  	[sflag:s8] =	ssyncset.s32 @!p0 $0xFFFFF086;
	s6 =	sadd.s32 @!p0 s3, s7;
	s7 =	simm.s32 @!p0 $0x108  }
0x21: {  	s3 =	sadd.s32 s3, s9;
	s6 =	sadd.s32 @!p0 $0x88, s6;
	s7 =	simm.s32 @p2 $0x1082  }
0x22: {  	[simem:s7], [sflag:s8] =	dma.local @!p0 [hbm:s6], $0xF7A  }
0x23: {  	s9 =	sor.u32 $0xD0000000, s2;
	s6 =	simm.s32 $0x108;
	_ =	swait.ge @!p0 [sflag:s8], $0x0  }
0x24: {  	s3 =	sadd.s32 $0x88, s3;
	s6 =	simm.s32 @!p1 $0x1082;
	[sflag:s4] =	ssyncset.s32 $0xFFFFF086  }
0x25: {  	[simem:s6], [sflag:s4] =	dma.local [hbm:s3], $0xF7A  }
0x26: {  	[smem:$0x3F96] =	sst s1;
	(tag) =	ssettag s2;
	_ =	strace s9  }
0x27: {  	s1 =	sld [smem:$0x3FA6]  }
0x28: {  	s2 =	sld [smem:$0x3FA7]  }
0x29: {  	s4 =	sld [smem:$0x3FA9]  }
0x2a: {  	p0 =	seq.s32 s5, $0x0;
	s5 =	sld [smem:$0x3FAA]  }
0x2b: {  	s6 =	sld [smem:$0x3FAB]  }
0x2c: {  	s7 =	sld [smem:$0x3FAC]  }
0x2d: {  	s3 =	simm.s32 $0x108;
	s8 =	sld [smem:$0x3FAD]  }
0x2e: {  	s3 =	simm.s32 @!p0 $0x1082;
	s9 =	sld [smem:$0x3FAE]  }
0x2f: {  	lr =	sadd.s32 s0, s3;
	s0 =	sld [smem:$0x3FA5]  }
0x30: {  	s3 =	sld [smem:$0x3FA8]  }
0x31: {  	[smem:$0x3FB1] =	sst s10  }
0x32: {  	s10 =	sld [smem:$0x3FAF];
	_ =	sdelay $0x3  }
0x33: {  	p0 =	seq.s32 s10, $0x1;
	s10 =	sld [smem:$0x3FB1];
	_ =	sdelay $0x3  }
0x34: {  	[smem:$0x3FB1] =	sst s10  }
0x35: {  	s10 =	sld [smem:$0x3FB0];
	_ =	sdelay $0x3  }
0x36: {  	p1 =	seq.s32 s10, $0x1;
	s10 =	sld [smem:$0x3FB1];
	_ =	sdelay $0x3  }
0x37: {  	[smem:$0x3FB1] =	sst s10  }
0x38: {  	s10 =	sld [smem:$0x3FB2]  }
0x39: {  	_ = 	snop;
	(pc) =	sbr.ind lr, $3  }
0x3a: {  	_ = 	snop  }
0x3b: {  	_ = 	snop  }
0x3c: {  	p2 =	seq.s32 s10, $0x1;
	s10 =	sld [smem:$0x3FB1]  }
0x3d: {  	_ =	shalt  }
0x3e: {  	_ =	shalt  }
0x3f: {  	_ =	shalt  }
0x40: {  	_ =	shalt  }
0x41: {  	_ =	shalt  }
0x42: {  	_ =	shalt  }
0x43: {  	_ =	shalt  }
0x44: {  	_ =	shalt  }
0x45: {  	_ =	shalt  }
0x46: {  	_ =	shalt  }
0x47: {  	_ =	shalt  }
0x48: {  	_ =	shalt  }
0x49: {  	_ =	shalt  }
0x4a: {  	_ =	shalt  }
0x4b: {  	_ =	shalt  }
0x4c: {  	_ =	shalt  }
0x4d: {  	_ =	shalt  }
0x4e: {  	_ =	shalt  }
0x4f: {  	_ =	shalt  }
0x50: {  	_ =	shalt  }
0x51: {  	_ =	shalt  }
0x52: {  	_ =	shalt  }
0x53: {  	_ =	shalt  }
0x54: {  	_ =	shalt  }
0x55: {  	_ =	shalt  }
0x56: {  	_ =	shalt  }
0x57: {  	_ =	shalt  }
0x58: {  	_ =	shalt  }
0x59: {  	_ =	shalt  }
0x5a: {  	_ =	shalt  }
0x5b: {  	_ =	shalt  }
0x5c: {  	_ =	shalt  }
0x5d: {  	_ =	shalt  }
0x5e: {  	_ =	shalt  }
0x5f: {  	_ =	shalt  }
0x60: {  	_ =	shalt  }
0x61: {  	_ =	shalt  }
0x62: {  	_ =	shalt  }
0x63: {  	_ =	shalt  }
0x64: {  	_ =	shalt  }
0x65: {  	_ =	shalt  }
0x66: {  	_ =	shalt  }
0x67: {  	_ =	shalt  }
0x68: {  	_ =	shalt  }
0x69: {  	_ =	shalt  }
0x6a: {  	_ =	shalt  }
0x6b: {  	_ =	shalt  }
0x6c: {  	_ =	shalt  }
0x6d: {  	_ =	shalt  }
0x6e: {  	_ =	shalt  }
0x6f: {  	_ =	shalt  }
0x70: {  	_ =	shalt  }
0x71: {  	_ =	shalt  }
0x72: {  	_ =	shalt  }
0x73: {  	_ =	shalt  }
0x74: {  	_ =	shalt  }
0x75: {  	_ =	shalt  }
0x76: {  	_ =	shalt  }
0x77: {  	_ =	shalt  }
0x78: {  	_ =	shalt  }
0x79: {  	_ =	shalt  }
0x7a: {  	_ =	shalt  }
0x7b: {  	_ =	shalt  }
0x7c: {  	_ =	shalt  }
0x7d: {  	_ =	shalt  }
0x7e: {  	_ =	shalt  }
0x7f: {  	_ =	shalt  }
0x80: {  	_ =	shalt  }
0x81: {  	_ =	shalt  }
0x82: {  	_ =	shalt  }
0x83: {  	_ =	shalt  }
0x84: {  	_ =	shalt  }
0x85: {  	_ =	shalt  }
0x86: {  	_ =	shalt  }
0x87: {  	_ =	shalt  }
.Lfunc_end0:
.L_simem_size_0:
called_computation.3_lowered:
.L_overlay_start_0:
0x88: {  	s2 =	sld [smem:$0x3FD9]  }
0x89: {  	s3 =	sld [smem:$0x3FFE];
	_ =	sdelay $0x1  }
0x8a: {  	s1 =	srdreg.scid  }
0x8b: {  	s0 =	sand.u32 $0x1, s1  }
0x8c: {  	s17 =	sshll.u32 s0, $0xA;
	s2 =	sadd.s32 s3, s2  }
0x8d: {  	s2 =	sadd.s32 s2, s17  }
0x8e: {  	[smem:$0x3FBD] =	sst s2  }
0x8f: {  	_ = 	snop  }
0x90: {  	s2 =	sld [smem:$0x3FD0];
	(tm) =	ssettm $0x1  }
0x91: {  	s18 =	sld [smem:$0x3FFB];
	_ =	sdelay $0x3  }
0x92: {  	_ =	strace s18  }
0x93: {  	s3 =	sld [smem:$0x3FFC];
	_ =	sdelay $0x3  }
0x94: {  	_ =	strace s3  }
0x95: {  	s3 =	sld [smem:$0x3FFD];
	_ =	sdelay $0x3  }
0x96: {  	_ =	strace s3  }
0x97: {  	_ =	strace $0x8FFFFFFF  }
0x98: {  	s19 =	sld [smem:$0x3FDB];
	_ =	sdelay $0x1  }
0x99: {  	s4 =	simm.s32 $_scs_section_size  }
0x9a: {  	s5 =	simm.s32 $_size__tile_overlayer_lowered;
	s6 =	simm.s32 $_tile_overlayer_lowered  }
0x9b: {  	s22 =	simm.s32 $0x1BFF;
	s21 =	sshll.u32 s6, $0x1;
	s3 =	sadd.s32 s4, s19  }
0x9c: {  	s7 =	simm.s32 $0x0;
	s20 =	sshll.u32 s5, $0x1;
	s5 =	sadd.s32 s21, s3  }
0x9d: {  	[timem:s7], [sflag:s22] =	dma.local [hbm:s5], s20  }
0x9e: {  	_ =	swait.ge [sflag:s22], s20  }
0x9f: {  	s4 =	ssub.s32 $0x0, s20;
	[sflag:s22] =	ssyncset.done $0x0  }
0xa0: {  	[sflag:s22] =	ssyncadd.s32 s4;
	_ =	sdelay $0x1  }
0xa1: {  	s23 =	simm.s32 $0x1B8B  }
0xa2: {  	_ =	swait.ge [sflag:s23], $0x1  }
0xa3: {  	[sflag:s23] =	ssyncset.done $0x0  }
0xa4: {  	s25 =	simm.s32 $0x1B8E;
	s24 =	sld [smem:$0x3FFE];
	[sflag:s23] =	ssyncadd.s32 $0xFFFFFFFF  }
0xa5: {  	s26 =	simm.s32 $execute0_lowered;
	[smem:$0x3FD2] =	sst s25  }
0xa6: {  	s5 =	sshll.u32 s26, $0x1;
	_ =	strace $0x8000004F;
	[dreg:$0x1] =	wrdreg $0xFFFFFFFF  }
0xa7: {  	s28 =	simm.s32 $_size_execute0_lowered;
	s3 =	sadd.s32 s3, s5;
	[dreg:$0x0] =	wrdreg $0x0  }
0xa8: {  	s5 =	sshll.u32 s28, $0x1;
	[dreg:$0x2] =	wrdreg s3  }
0xa9: {  	[dreg:$0x3] =	wrdreg s5  }
0xaa: {  	[dreg:$0x4] =	wrdreg $0xC0  }
0xab: {  	_ =	task [dreg:s7], $0x5FFFF  }
0xac: {  	[dreg:$0x1] =	wrdreg $0xFFFFFFFF  }
0xad: {  	[dreg:$0x0] =	wrdreg $0x60  }
0xae: {  	[dreg:$0x2] =	wrdreg s24  }
0xaf: {  	[dreg:$0x3] =	wrdreg s2  }
0xb0: {  	[dreg:$0x4] =	wrdreg $0x0  }
0xb1: {  	[dreg:$0x5] =	wrdreg $0x9  }
0xb2: {  	_ =	task.clear_ibuf [dreg:s7], $0x6FFFF;
	_ =	strace $0x9000004F  }
0xb3: {  	s29 =	simm.s32 $0x9;
	_ =	strace $0x80000051  }
0xb4: {  	_ =	swait.ge [sflag:s29], $0x1  }
0xb5: {  	[sflag:s29] =	ssyncadd.s32 $0xFFFFFFFF  }
0xb6: {  	_ =	strace $0x90000051  }
0xb7: {  	_ =	sfence  }
0xb8: {  	s30 =	sld [smem:$0x0];
	_ =	sdelay $0x2  }
0xb9: {  	s31 =	sshll.u32 s1, $0xD;
	s1 =	sshrl.u32 s1, $0x2  }
0xba: {  	s3 =	sand.u32 $0x4000, s31;
	s1 =	sadd.s32 s1, s30  }
0xbb: {  	s0 =	sor.u32 s3, s0;
	s1 =	sshll.u32 s1, $0x11  }
0xbc: {  	s0 =	sor.u32 s1, s0  }
0xbd: {  	s0 =	sadd.s32 $0x8F2B, s0  }
0xbe: {  	[sflag:s0] =	ssyncadd.remote.s32 $0x1  }
0xbf: {  	_ =	sfence.sel $0xFFFF  }
0xc0: {  	[dreg:$0x0] =	wrdreg $0xFFFFFFFF;
	(pc) =	sbr.abs _section_cstart, $3  }
0xc1: {  	[dreg:$0x1] =	wrdreg $0xFFFFFFFF  }
0xc2: {  	_ =	task.clear_ibuf [dreg:s7], $0x2FFFF;
	_ =	strace $0x9FFFFFFF  }
0xc3: {  	(tm) =	ssettm $0x7FFFFFFF  }
tec
execute0_lowered:
.L_overlay_start_1:
0x0: {  	(tag) =	ssettag $0x1  }
0x1: {  	s0 =	rddreg [dreg:$0x0]  }
0x2: {  	s1 =	srdreg.scid;
	s2 =	rddreg [dreg:$0x1]  }
0x3: {  	s3 =	rddreg [dreg:$0x2];
	s19 =	stileid.u32  }
0x4: {  	s4 =	simm.s32 $0x0;
	s31 =	simm.s32 $0x14200;
	s1 =	sand.u32 $0x1, s1  }
0x5: {  	[smem:$0x7FF] =	sst s4;
	s8 =	smul.u32 $0x14000, s19;
	s9 =	sadd.s32 $0x5DA00, s0  }
0x6: {  	s5 =	sshll.u32 s1, $0x4;
	s6 =	ssub.s32 $0x2, s1;
	s20 =	smul.u32 $0x140000, s1  }
0x7: {  	_ =	strace $0x80000050;
	s1 =	smul.u32 $0x27B00, s1;
	s5 =	sor.u32 s19, s5  }
0x8: {  	s7 =	sshrl.u32 s6, $0x1;
	s10 =	sor.u32 $0x2800, s8;
	s11 =	sadd.s32 $0x5000, s8  }
0x9: {  	s12 =	sadd.s32 $0x7800, s8;
	s15 =	sadd.s32 $0xA000, s8;
	s16 =	sadd.s32 $0xC800, s8  }
0xa: {  	s17 =	sadd.s32 $0xF000, s8;
	s18 =	sadd.s32 $0x11800, s8;
	s5 =	smul.u32 $0x27B0, s5  }
0xb: {  	s6 =	ssub.s32 s6, s7;
	s8 =	sadd.s32 s20, s8;
	s13 =	sadd.s32 s20, s10  }
0xc: {  	s14 =	sadd.s32 s20, s11;
	s23 =	sadd.s32 s20, s12;
	s24 =	sadd.s32 s20, s15  }
0xd: {  	s25 =	sadd.s32 s20, s16;
	s7 =	sadd.s32 s20, s18;
	s8 =	sshrl.u32 s8, $0x3  }
0xe: {  	s13 =	sshrl.u32 s13, $0x3;
	s22 =	sshrl.u32 s14, $0x3;
	s28 =	sshrl.u32 s25, $0x3  }
0xf: {  	s14 =	sadd.s32 s20, s17;
	s7 =	sshrl.u32 s7, $0x3;
	s20 =	smul.u32 $0x27B0, s19  }
0x10: {  	s25 =	smax.u32 s6, $0x1;
	s6 =	simm.s32 $0x14100;
	s8 =	sadd.s32 s9, s8  }
0x11: {  	s21 =	sadd.s32 s9, s13;
	s13 =	sshrl.u32 s24, $0x3;
	[dreg:$0xf] =	wrdreg s25  }
0x12: {  	s7 =	sadd.s32 s9, s7;
	s25 =	sadd.s32 s18, s3;
	[dreg:$0x4] =	wrdreg s8  }
0x13: {  	[dreg:$0x5] =	wrdreg s21;
	s8 =	sadd.s32 s9, s22;
	s26 =	sadd.s32 s9, s13  }
0x14: {  	s13 =	sshrl.u32 s14, $0x3;
	[dreg:$0xb] =	wrdreg s7;
	s1 =	sadd.s32 s20, s1  }
0x15: {  	s22 =	smul.u32 $0x50000, s19;
	s14 =	sadd.s32 $0x3A00, s0;
	[dreg:$0x12] =	wrdreg s25  }
0x16: {  	s20 =	sadd.s32 s10, s3;
	s7 =	simm.s32 $0x14180;
	[dreg:$0x6] =	wrdreg s8  }
0x17: {  	s10 =	simm.s32 $0x4;
	s8 =	sshrl.u32 s23, $0x3;
	[dreg:$0x8] =	wrdreg s26  }
0x18: {  	s21 =	sadd.s32 s9, s13;
	s13 =	sadd.s32 $0xDA00, s0;
	s0 =	sadd.s32 $0x35A00, s0  }
0x19: {  	s23 =	sshrl.u32 s5, $0x3;
	s26 =	sadd.s32 s15, s3;
	[dreg:$0xa] =	wrdreg s21  }
0x1a: {  	s15 =	simm.s32 $0x3;
	s8 =	sadd.s32 s9, s8;
	[dreg:$0xc] =	wrdreg s0  }
0x1b: {  	s5 =	sadd.s32 s2, s23;
	s0 =	sadd.s32 s14, s23;
	s24 =	sshrl.u32 s22, $0x2  }
0x1c: {  	s21 =	sadd.s32 s11, s3;
	s22 =	sadd.s32 s12, s3;
	s23 =	sadd.s32 s16, s3  }
0x1d: {  	s18 =	smov.u32 s26;
	s11 =	simm.s32 $0x16A00;
	[dreg:$0x7] =	wrdreg s8  }
0x1e: {  	s12 =	simm.s32 $0x2;
	s16 =	simm.s32 $0x0;
	[dreg:$0xd] =	wrdreg s5  }
0x1f: {  	s8 =	sadd.s32 s9, s28;
	[dreg:$0xe] =	wrdreg s0;
	s19 =	sadd.s32 s24, s3  }
0x20: {  	s24 =	sadd.s32 s17, s3;
	s28 =	sadd.s32 $0x50, s1;
	[dreg:$0x10] =	wrdreg s23  }
0x21: {  	s1 =	sadd.s32 $0xA0, s1;
	s5 =	simm.s32 $0x14080;
	[dreg:$0x9] =	wrdreg s8  }
0x22: {  	s9 =	simm.s32 $0x1;
	[dreg:$0x13] =	wrdreg s1;
	s0 =	sshrl.u32 s28, $0x3  }
0x23: {  	s1 =	simm.s32 $0x14000;
	s8 =	simm.s32 $0x50;
	[dreg:$0x11] =	wrdreg s24  }
0x24: {  	s29 =	sadd.s32 s0, s14;
	s30 =	sadd.s32 s0, s2;
	s0 =	simm.s32 $0x5  }
.LBB2_1:
0x25: {  	s17 =	rddreg [dreg:$0xc]  }
0x26: {  	[tilespmem:s31], [sflag:$0x5] =	stream.linear.gather [hbm4b:s17+s4], $0x2800, $0x38;
	[tilespmem:$0x19200] =	vst v63  }
0x27: {  	_ =	swait.ge [sflag:s0], $0x2800  }
0x28: {  	[sflag:s0] =	ssyncset.done $0x0  }
0x29: {  	[sflag:s0] =	ssyncadd.s32 $0xFFFFD800  }
0x2a: {  	[spmem:s19] =	stream.linear.scatter [tilespmem:s31], [sflag:$0x5], $0x2800, $0x38;
	[tilespmem:$0x19200] =	vst v63  }
0x2b: {  	_ =	swait.ge [sflag:s0], $0x2800  }
0x2c: {  	[sflag:s0] =	ssyncset.done $0x0  }
0x2d: {  	[sflag:s0] =	ssyncadd.s32 $0xFFFFD800  }
0x2e: {  	[spmem:s20] =	stream.linear.scatter [tilespmem:s31], [sflag:$0x5], $0x2800, $0x38;
	[tilespmem:$0x19200] =	vst v63  }
0x2f: {  	_ =	swait.ge [sflag:s0], $0x2800  }
0x30: {  	[sflag:s0] =	ssyncset.done $0x0  }
0x31: {  	[sflag:s0] =	ssyncadd.s32 $0xFFFFD800  }
0x32: {  	[spmem:s21] =	stream.linear.scatter [tilespmem:s31], [sflag:$0x5], $0x2800, $0x38;
	[tilespmem:$0x19200] =	vst v63  }
0x33: {  	_ =	swait.ge [sflag:s0], $0x2800  }
0x34: {  	[sflag:s0] =	ssyncset.done $0x0  }
0x35: {  	[sflag:s0] =	ssyncadd.s32 $0xFFFFD800  }
0x36: {  	[spmem:s22] =	stream.linear.scatter [tilespmem:s31], [sflag:$0x5], $0x2800, $0x38;
	[tilespmem:$0x19200] =	vst v63  }
0x37: {  	_ =	swait.ge [sflag:s0], $0x2800  }
0x38: {  	[sflag:s0] =	ssyncset.done $0x0  }
0x39: {  	[sflag:s0] =	ssyncadd.s32 $0xFFFFD800  }
0x3a: {  	[spmem:s18] =	stream.linear.scatter [tilespmem:s31], [sflag:$0x5], $0x2800, $0x38;
	[tilespmem:$0x19200] =	vst v63  }
0x3b: {  	_ =	swait.ge [sflag:s0], $0x2800  }
0x3c: {  	[sflag:s0] =	ssyncset.done $0x0  }
0x3d: {  	s17 =	smov.u32 s23;
	[sflag:s0] =	ssyncadd.s32 $0xFFFFD800  }
0x3e: {  	[spmem:s17] =	stream.linear.scatter [tilespmem:s31], [sflag:$0x5], $0x2800, $0x38;
	[tilespmem:$0x19200] =	vst v63  }
0x3f: {  	_ =	swait.ge [sflag:s0], $0x2800  }
0x40: {  	[sflag:s0] =	ssyncset.done $0x0  }
0x41: {  	s23 =	smov.u32 s19;
	s19 =	smov.u32 s24;
	[sflag:s0] =	ssyncadd.s32 $0xFFFFD800  }
0x42: {  	[spmem:s19] =	stream.linear.scatter [tilespmem:s31], [sflag:$0x5], $0x2800, $0x38;
	[tilespmem:$0x19200] =	vst v63  }
0x43: {  	_ =	swait.ge [sflag:s0], $0x2800  }
0x44: {  	[sflag:s0] =	ssyncset.done $0x0  }
0x45: {  	s24 =	smov.u32 s20;
	s20 =	smov.u32 s25;
	[sflag:s0] =	ssyncadd.s32 $0xFFFFD800  }
0x46: {  	[spmem:s20] =	stream.linear.scatter [tilespmem:s31], [sflag:$0x5], $0x2800, $0x38;
	[tilespmem:$0x19200] =	vst v63  }
0x47: {  	_ =	swait.ge [sflag:s0], $0x2800  }
0x48: {  	[sflag:s0] =	ssyncset.done $0x0  }
0x49: {  	s26 =	smov.u32 s22;
	s22 =	rddreg [dreg:$0xd];
	[sflag:s0] =	ssyncadd.s32 $0xFFFFD800  }
0x4a: {  	[tilespmem:s1], [sflag:$0x5] =	stream.linear.gather [hbm4b:s22+s4], $0x50, $0x38;
	[tilespmem:$0x19200] =	vst v63  }
0x4b: {  	_ =	swait.ge [sflag:s0], $0x50  }
0x4c: {  	[sflag:s0] =	ssyncset.done $0x0  }
0x4d: {  	s28 =	smov.u32 s18;
	s18 =	rddreg [dreg:$0xe];
	[sflag:s0] =	ssyncadd.s32 $0xFFFFFFB0  }
0x4e: {  	[tilespmem:s5], [sflag:$0x5] =	stream.linear.gather [hbm4b:s18+s4], $0x50, $0x38;
	[tilespmem:$0x19200] =	vst v63  }
0x4f: {  	_ =	swait.ge [sflag:s0], $0x50  }
0x50: {  	[sflag:s0] =	ssyncset.done $0x0  }
0x51: {  	[sflag:s0] =	ssyncadd.s32 $0xFFFFFFB0  }
0x52: {  	s19 =	sadd.s32 $0x0, s30;
	[bflag:$0x0] =	sbarrier.arrive $0xFFFF  }
0x53: {  	[tilespmem:s6], [sflag:$0x4] =	stream.linear.gather [hbm4b:s19+s4], $0x50, $0x38;
	[tilespmem:$0x19200] =	vst v63  }
0x54: {  	s20 =	sadd.s32 $0x0, s29  }
0x55: {  	[tilespmem:s7], [sflag:$0x4] =	stream.linear.gather [hbm4b:s20+s4], $0x50, $0x38;
	[tilespmem:$0x19200] =	vst v63  }
0x56: {  	_ = 	snop  }
0x57: {  	[tilespmem:s31], [sflag:$0x1] =	stream.indirect.gather [hbm4b:s13+s8], $0x80, s1, s8, $0xb8;
	[tilespmem:$0x19200] =	vst v63  }
0x58: {  	_ =	swait.ge [sflag:s9], $0x2800  }
0x59: {  	[sflag:s9] =	ssyncset.done $0x0  }
0x5a: {  	[sflag:s9] =	ssyncadd.s32 $0xFFFFD800  }
0x5b: {  	[spmem:s3] =	stream.indirect.scatter.add.f32 [tilespmem:s31], [sflag:$0x5], $0x80, s5, s8, $0xb8;
	[tilespmem:$0x19200] =	vst v63  }
0x5c: {  	_ =	swait.ge [sflag:s0], $0x2800  }
0x5d: {  	[sflag:s0] =	ssyncset.done $0x0  }
0x5e: {  	[sflag:s0] =	ssyncadd.s32 $0xFFFFD800  }
0x5f: {  	_ =	swait.ge [sflag:s10], $0x50  }
0x60: {  	[sflag:s10] =	ssyncset.done $0x0  }
0x61: {  	[sflag:s10] =	ssyncadd.s32 $0xFFFFFFB0  }
0x62: {  	_ =	swait.ge [sflag:s10], $0x50  }
0x63: {  	s20 =	rddreg [dreg:$0x13]  }
0x64: {  	s25 =	smov.u32 s21;
	[sflag:s10] =	ssyncset.done $0x0;
	s21 =	sshrl.u32 s20, $0x3  }
0x65: {  	[sflag:s10] =	ssyncadd.s32 $0xFFFFFFB0;
	s22 =	sadd.s32 s2, s21  }
0x66: {  	[tilespmem:s1], [sflag:$0x3] =	stream.linear.gather [hbm4b:s22+s4], $0x50, $0x38;
	[tilespmem:$0x19200] =	vst v63  }
0x67: {  	s17 =	sadd.s32 s14, s21  }
0x68: {  	[tilespmem:s5], [sflag:$0x3] =	stream.linear.gather [hbm4b:s17+s4], $0x50, $0x38;
	[tilespmem:$0x19200] =	vst v63  }
0x69: {  	_ = 	snop  }
0x6a: {  	[tilespmem:s11], [sflag:$0x2] =	stream.indirect.gather [hbm4b:s13+s8], $0x80, s6, s8, $0xb8;
	[tilespmem:$0x19200] =	vst v63  }
0x6b: {  	_ =	swait.ge [sflag:s12], $0x2800  }
0x6c: {  	[sflag:s12] =	ssyncset.done $0x0  }
0x6d: {  	[sflag:s12] =	ssyncadd.s32 $0xFFFFD800  }
0x6e: {  	[spmem:s3] =	stream.indirect.scatter.add.f32 [tilespmem:s11], [sflag:$0x5], $0x80, s7, s8, $0xb8;
	[tilespmem:$0x19200] =	vst v63  }
0x6f: {  	_ =	swait.ge [sflag:s0], $0x2800  }
0x70: {  	[sflag:s0] =	ssyncset.done $0x0  }
0x71: {  	[sflag:s0] =	ssyncadd.s32 $0xFFFFD800  }
0x72: {  	_ =	swait.ge [sflag:s15], $0x50  }
0x73: {  	[sflag:s15] =	ssyncset.done $0x0  }
0x74: {  	[sflag:s15] =	ssyncadd.s32 $0xFFFFFFB0  }
0x75: {  	s18 =	simm.s32 $0x28;
	_ =	swait.ge [sflag:s15], $0x50  }
0x76: {  	s19 =	simm.s32 $0x14;
	s17 =	sadd.s32 $0xA0, s20;
	[sflag:s15] =	ssyncset.done $0x0  }
.LBB2_2:
0x77: {  	s21 =	sadd.s32 s19, s30  }
0x78: {  	[sflag:s15] =	ssyncadd.s32 $0xFFFFFFB0;
	s22 =	smov.u32 s18;
	s20 =	sadd.s32 $0x14, s18  }
0x79: {  	[tilespmem:s6], [sflag:$0x4] =	stream.linear.gather [hbm4b:s21+s4], $0x50, $0x38;
	[tilespmem:$0x19200] =	vst v63  }
0x7a: {  	p0 =	sne.s32 s18, $0x4D8;
	s18 =	sadd.s32 s19, s29;
	s19 =	smov.u32 s22  }
0x7b: {  	[tilespmem:s7], [sflag:$0x4] =	stream.linear.gather [hbm4b:s18+s4], $0x50, $0x38;
	[tilespmem:$0x19200] =	vst v63  }
0x7c: {  	_ = 	snop  }
0x7d: {  	[tilespmem:s31], [sflag:$0x1] =	stream.indirect.gather [hbm4b:s13+s8], $0x80, s1, s8, $0xb8;
	[tilespmem:$0x19200] =	vst v63  }
0x7e: {  	_ =	swait.ge [sflag:s9], $0x2800  }
0x7f: {  	[sflag:s9] =	ssyncset.done $0x0  }
0x80: {  	[sflag:s9] =	ssyncadd.s32 $0xFFFFD800  }
0x81: {  	[spmem:s3] =	stream.indirect.scatter.add.f32 [tilespmem:s31], [sflag:$0x5], $0x80, s5, s8, $0xb8;
	[tilespmem:$0x19200] =	vst v63  }
0x82: {  	_ =	swait.ge [sflag:s0], $0x2800  }
0x83: {  	[sflag:s0] =	ssyncset.done $0x0  }
0x84: {  	[sflag:s0] =	ssyncadd.s32 $0xFFFFD800  }
0x85: {  	_ =	swait.ge [sflag:s10], $0x50  }
0x86: {  	[sflag:s10] =	ssyncset.done $0x0  }
0x87: {  	[sflag:s10] =	ssyncadd.s32 $0xFFFFFFB0  }
0x88: {  	_ =	swait.ge [sflag:s10], $0x50  }
0x89: {  	s18 =	sshrl.u32 s17, $0x3;
	[sflag:s10] =	ssyncset.done $0x0  }
0x8a: {  	s21 =	sadd.s32 s2, s18;
	[sflag:s10] =	ssyncadd.s32 $0xFFFFFFB0  }
0x8b: {  	[tilespmem:s1], [sflag:$0x3] =	stream.linear.gather [hbm4b:s21+s4], $0x50, $0x38;
	[tilespmem:$0x19200] =	vst v63  }
0x8c: {  	s18 =	sadd.s32 s14, s18  }
0x8d: {  	[tilespmem:s5], [sflag:$0x3] =	stream.linear.gather [hbm4b:s18+s4], $0x50, $0x38;
	[tilespmem:$0x19200] =	vst v63  }
0x8e: {  	_ = 	snop  }
0x8f: {  	[tilespmem:s11], [sflag:$0x2] =	stream.indirect.gather [hbm4b:s13+s8], $0x80, s6, s8, $0xb8;
	[tilespmem:$0x19200] =	vst v63  }
0x90: {  	_ =	swait.ge [sflag:s12], $0x2800  }
0x91: {  	[sflag:s12] =	ssyncset.done $0x0  }
0x92: {  	[sflag:s12] =	ssyncadd.s32 $0xFFFFD800  }
0x93: {  	[spmem:s3] =	stream.indirect.scatter.add.f32 [tilespmem:s11], [sflag:$0x5], $0x80, s7, s8, $0xb8;
	[tilespmem:$0x19200] =	vst v63  }
0x94: {  	_ =	swait.ge [sflag:s0], $0x2800  }
0x95: {  	[sflag:s0] =	ssyncset.done $0x0  }
0x96: {  	[sflag:s0] =	ssyncadd.s32 $0xFFFFD800  }
.Ltmp0:
0x97: {  	_ =	swait.ge [sflag:s15], $0x50;
	(pc) =	sbr.rel @p0 .LBB2_2-.Ltmp0, $4  }
0x98: {  	[sflag:s15] =	ssyncset.done $0x0  }
0x99: {  	[sflag:s15] =	ssyncadd.s32 $0xFFFFFFB0  }
0x9a: {  	_ =	swait.ge [sflag:s15], $0x50  }
0x9b: {  	s17 =	sadd.s32 $0xA0, s17;
	s18 =	smov.u32 s20;
	[sflag:s15] =	ssyncset.done $0x0  }
0x9c: {  	s18 =	sadd.s32 s19, s30;
	[sflag:s15] =	ssyncadd.s32 $0xFFFFFFB0  }
0x9d: {  	[tilespmem:s6], [sflag:$0x4] =	stream.linear.gather [hbm4b:s18+s4], $0x50, $0x38;
	[tilespmem:$0x19200] =	vst v63  }
0x9e: {  	s21 =	sadd.s32 s19, s29  }
0x9f: {  	[tilespmem:s7], [sflag:$0x4] =	stream.linear.gather [hbm4b:s21+s4], $0x50, $0x38;
	[tilespmem:$0x19200] =	vst v63  }
0xa0: {  	_ = 	snop  }
0xa1: {  	[tilespmem:s31], [sflag:$0x1] =	stream.indirect.gather [hbm4b:s13+s8], $0x80, s1, s8, $0xb8;
	[tilespmem:$0x19200] =	vst v63  }
0xa2: {  	_ =	swait.ge [sflag:s9], $0x2800  }
0xa3: {  	[sflag:s9] =	ssyncset.done $0x0  }
0xa4: {  	[sflag:s9] =	ssyncadd.s32 $0xFFFFD800  }
0xa5: {  	[spmem:s3] =	stream.indirect.scatter.add.f32 [tilespmem:s31], [sflag:$0x5], $0x80, s5, s8, $0xb8;
	[tilespmem:$0x19200] =	vst v63  }
0xa6: {  	_ =	swait.ge [sflag:s0], $0x2800  }
0xa7: {  	[sflag:s0] =	ssyncset.done $0x0  }
0xa8: {  	[sflag:s0] =	ssyncadd.s32 $0xFFFFD800  }
0xa9: {  	_ =	swait.ge [sflag:s10], $0x50  }
0xaa: {  	[sflag:s10] =	ssyncset.done $0x0  }
0xab: {  	[sflag:s10] =	ssyncadd.s32 $0xFFFFFFB0  }
0xac: {  	_ =	swait.ge [sflag:s10], $0x50  }
0xad: {  	s17 =	sshrl.u32 s17, $0x3;
	[sflag:s10] =	ssyncset.done $0x0  }
0xae: {  	s22 =	sadd.s32 s2, s17;
	[sflag:s10] =	ssyncadd.s32 $0xFFFFFFB0  }
0xaf: {  	[tilespmem:s1], [sflag:$0x3] =	stream.linear.gather [hbm4b:s22+s4], $0x50, $0x38;
	[tilespmem:$0x19200] =	vst v63  }
0xb0: {  	s17 =	sadd.s32 s14, s17  }
0xb1: {  	[tilespmem:s5], [sflag:$0x3] =	stream.linear.gather [hbm4b:s17+s4], $0x50, $0x38;
	[tilespmem:$0x19200] =	vst v63  }
0xb2: {  	_ = 	snop  }
0xb3: {  	[tilespmem:s11], [sflag:$0x2] =	stream.indirect.gather [hbm4b:s13+s8], $0x80, s6, s8, $0xb8;
	[tilespmem:$0x19200] =	vst v63  }
0xb4: {  	_ =	swait.ge [sflag:s12], $0x2800  }
0xb5: {  	[sflag:s12] =	ssyncset.done $0x0  }
0xb6: {  	[sflag:s12] =	ssyncadd.s32 $0xFFFFD800  }
0xb7: {  	[spmem:s3] =	stream.indirect.scatter.add.f32 [tilespmem:s11], [sflag:$0x5], $0x80, s7, s8, $0xb8;
	[tilespmem:$0x19200] =	vst v63  }
0xb8: {  	_ =	swait.ge [sflag:s0], $0x2800  }
0xb9: {  	[sflag:s0] =	ssyncset.done $0x0  }
0xba: {  	[sflag:s0] =	ssyncadd.s32 $0xFFFFD800  }
0xbb: {  	_ =	swait.ge [sflag:s15], $0x50  }
0xbc: {  	[sflag:s15] =	ssyncset.done $0x0  }
0xbd: {  	[sflag:s15] =	ssyncadd.s32 $0xFFFFFFB0  }
0xbe: {  	_ =	swait.ge [sflag:s15], $0x50  }
0xbf: {  	[sflag:s15] =	ssyncset.done $0x0  }
0xc0: {  	[sflag:s15] =	ssyncadd.s32 $0xFFFFFFB0  }
0xc1: {  	[bflag:$0x0] =	sbarrier.arrive $0xFFFF  }
0xc2: {  	[tilespmem:s31], [sflag:$0x5] =	stream.linear.gather [spmem:s23], $0x2800, $0x38;
	[tilespmem:$0x19200] =	vst v63  }
0xc3: {  	_ =	swait.ge [sflag:s0], $0x2800  }
0xc4: {  	[sflag:s0] =	ssyncset.done $0x0  }
0xc5: {  	s19 =	smov.u32 s23;
	s23 =	rddreg [dreg:$0x4];
	[sflag:s0] =	ssyncadd.s32 $0xFFFFD800  }
0xc6: {  	[hbm4b:s23+s4] =	stream.linear.scatter [tilespmem:s31], [sflag:$0x5], $0x2800, $0x38;
	[tilespmem:$0x19200] =	vst v63  }
0xc7: {  	_ =	swait.ge [sflag:s0], $0x2800  }
0xc8: {  	[sflag:s0] =	ssyncset.done $0x0  }
0xc9: {  	[sflag:s0] =	ssyncadd.s32 $0xFFFFD800  }
0xca: {  	[tilespmem:s31], [sflag:$0x5] =	stream.linear.gather [spmem:s24], $0x2800, $0x38;
	[tilespmem:$0x19200] =	vst v63  }
0xcb: {  	_ =	swait.ge [sflag:s0], $0x2800  }
0xcc: {  	[sflag:s0] =	ssyncset.done $0x0  }
0xcd: {  	s20 =	smov.u32 s24;
	s24 =	rddreg [dreg:$0x5];
	[sflag:s0] =	ssyncadd.s32 $0xFFFFD800  }
0xce: {  	[hbm4b:s24+s4] =	stream.linear.scatter [tilespmem:s31], [sflag:$0x5], $0x2800, $0x38;
	[tilespmem:$0x19200] =	vst v63  }
0xcf: {  	_ =	swait.ge [sflag:s0], $0x2800  }
0xd0: {  	[sflag:s0] =	ssyncset.done $0x0  }
0xd1: {  	[sflag:s0] =	ssyncadd.s32 $0xFFFFD800  }
0xd2: {  	[tilespmem:s31], [sflag:$0x5] =	stream.linear.gather [spmem:s25], $0x2800, $0x38;
	[tilespmem:$0x19200] =	vst v63  }
0xd3: {  	_ =	swait.ge [sflag:s0], $0x2800  }
0xd4: {  	[sflag:s0] =	ssyncset.done $0x0  }
0xd5: {  	s21 =	smov.u32 s25;
	s25 =	rddreg [dreg:$0x6];
	[sflag:s0] =	ssyncadd.s32 $0xFFFFD800  }
0xd6: {  	[hbm4b:s25+s4] =	stream.linear.scatter [tilespmem:s31], [sflag:$0x5], $0x2800, $0x38;
	[tilespmem:$0x19200] =	vst v63  }
0xd7: {  	_ =	swait.ge [sflag:s0], $0x2800  }
0xd8: {  	[sflag:s0] =	ssyncset.done $0x0  }
0xd9: {  	[sflag:s0] =	ssyncadd.s32 $0xFFFFD800  }
0xda: {  	[tilespmem:s31], [sflag:$0x5] =	stream.linear.gather [spmem:s26], $0x2800, $0x38;
	[tilespmem:$0x19200] =	vst v63  }
0xdb: {  	_ =	swait.ge [sflag:s0], $0x2800  }
0xdc: {  	[sflag:s0] =	ssyncset.done $0x0  }
0xdd: {  	s18 =	rddreg [dreg:$0x7];
	[sflag:s0] =	ssyncadd.s32 $0xFFFFD800  }
0xde: {  	[hbm4b:s18+s4] =	stream.linear.scatter [tilespmem:s31], [sflag:$0x5], $0x2800, $0x38;
	[tilespmem:$0x19200] =	vst v63  }
0xdf: {  	_ =	swait.ge [sflag:s0], $0x2800  }
0xe0: {  	[sflag:s0] =	ssyncset.done $0x0  }
0xe1: {  	[sflag:s0] =	ssyncadd.s32 $0xFFFFD800  }
0xe2: {  	[tilespmem:s31], [sflag:$0x5] =	stream.linear.gather [spmem:s28], $0x2800, $0x38;
	[tilespmem:$0x19200] =	vst v63  }
0xe3: {  	_ =	swait.ge [sflag:s0], $0x2800  }
0xe4: {  	[sflag:s0] =	ssyncset.done $0x0  }
0xe5: {  	s23 =	rddreg [dreg:$0x8];
	[sflag:s0] =	ssyncadd.s32 $0xFFFFD800  }
0xe6: {  	[hbm4b:s23+s4] =	stream.linear.scatter [tilespmem:s31], [sflag:$0x5], $0x2800, $0x38;
	[tilespmem:$0x19200] =	vst v63  }
0xe7: {  	_ =	swait.ge [sflag:s0], $0x2800  }
0xe8: {  	[sflag:s0] =	ssyncset.done $0x0  }
0xe9: {  	s23 =	rddreg [dreg:$0x10];
	[sflag:s0] =	ssyncadd.s32 $0xFFFFD800  }
0xea: {  	[tilespmem:s31], [sflag:$0x5] =	stream.linear.gather [spmem:s23], $0x2800, $0x38;
	[tilespmem:$0x19200] =	vst v63  }
0xeb: {  	_ =	swait.ge [sflag:s0], $0x2800  }
0xec: {  	[sflag:s0] =	ssyncset.done $0x0  }
0xed: {  	s24 =	rddreg [dreg:$0x9];
	[sflag:s0] =	ssyncadd.s32 $0xFFFFD800  }
0xee: {  	[hbm4b:s24+s4] =	stream.linear.scatter [tilespmem:s31], [sflag:$0x5], $0x2800, $0x38;
	[tilespmem:$0x19200] =	vst v63  }
0xef: {  	_ =	swait.ge [sflag:s0], $0x2800  }
0xf0: {  	[sflag:s0] =	ssyncset.done $0x0  }
0xf1: {  	s24 =	rddreg [dreg:$0x11];
	[sflag:s0] =	ssyncadd.s32 $0xFFFFD800  }
0xf2: {  	[tilespmem:s31], [sflag:$0x5] =	stream.linear.gather [spmem:s24], $0x2800, $0x38;
	[tilespmem:$0x19200] =	vst v63  }
0xf3: {  	_ =	swait.ge [sflag:s0], $0x2800  }
0xf4: {  	[sflag:s0] =	ssyncset.done $0x0  }
0xf5: {  	s25 =	rddreg [dreg:$0xa];
	[sflag:s0] =	ssyncadd.s32 $0xFFFFD800  }
0xf6: {  	[hbm4b:s25+s4] =	stream.linear.scatter [tilespmem:s31], [sflag:$0x5], $0x2800, $0x38;
	[tilespmem:$0x19200] =	vst v63  }
0xf7: {  	_ =	swait.ge [sflag:s0], $0x2800  }
0xf8: {  	[sflag:s0] =	ssyncset.done $0x0  }
0xf9: {  	s25 =	rddreg [dreg:$0x12];
	[sflag:s0] =	ssyncadd.s32 $0xFFFFD800  }
0xfa: {  	[tilespmem:s31], [sflag:$0x5] =	stream.linear.gather [spmem:s25], $0x2800, $0x38;
	[tilespmem:$0x19200] =	vst v63  }
0xfb: {  	_ =	swait.ge [sflag:s0], $0x2800  }
0xfc: {  	[sflag:s0] =	ssyncset.done $0x0  }
0xfd: {  	s22 =	smov.u32 s26;
	s26 =	rddreg [dreg:$0xb];
	[sflag:s0] =	ssyncadd.s32 $0xFFFFD800  }
0xfe: {  	[hbm4b:s26+s4] =	stream.linear.scatter [tilespmem:s31], [sflag:$0x5], $0x2800, $0x38;
	[tilespmem:$0x19200] =	vst v63  }
0xff: {  	_ =	swait.ge [sflag:s0], $0x2800  }
0x100: {  	s16 =	sadd.s32 $0x1, s16;
	s18 =	smov.u32 s28;
	s28 =	rddreg [dreg:$0xf]  }
0x101: {  	p0 =	sne.s32 s16, s28  }
.Ltmp1:
0x102: {  	_ = 	snop;
	(pc) =	sbr.rel @p0 .LBB2_1-.Ltmp1, $3  }
0x103: {  	_ =	sdelay $0x1  }
0x104: {  	[sflag:s0] =	ssyncset.done $0x0  }
0x105: {  	[sflag:s0] =	ssyncadd.s32 $0xFFFFD800  }
0x106: {  	_ =	sfence.sel $0x180000  }
0x107: {  	[bflag:$0x0] =	sbarrier.arrive $0xFFFF  }
0x108: {  	_ =	strace $0x90000050  }
0x109: {  	s0 =	stileid.u32;
	[bflag:$0x2] =	sbarrier.arrive $0xFFFF  }
0x10a: {  	p0 =	sne.s32 s0, $0x0;
	s0 =	rddreg [dreg:$0x3]  }
0x10b: {  	s0 =	sadd.s32 @!p0 $0x100000, s0  }
0x10c: {  	[sflag:s0] =	ssyncadd.tile.s32 @!p0 $0x1;
	_ =	shalt  }
.Lfunc_end2:
_tile_overlayer_lowered:
.L_overlay_start_2:
0x10d: {  	(tag) =	ssettag $0x2  }
0x10e: {  	s0 =	rddreg [dreg:$0x0];
	s2 =	stileid.u32  }
0x10f: {  	s1 =	rddreg [dreg:$0x1];
	p0 =	sne.s32 s2, $0x0  }
0x110: {  	s3 =	rddreg [dreg:$0x2];
	[bflag:$0x3] =	sbarrier.arrive $0xFFFF;
	s2 =	simm.s32 @!p0 $0x1C05  }
0x111: {  	[timem:s3], [sflag:s2] =	dma.local @!p0 [hbm:s0], s1  }
0x112: {  	s0 =	simm.s32 @!p0 $0x5  }
0x113: {  	_ =	swait.ge @!p0 [sflag:s0], s1  }
0x114: {  	s1 =	ssub.s32 @!p0 $0x0, s1;
	[sflag:s0] =	ssyncset.done @!p0 $0x0  }
0x115: {  	[sflag:s0] =	ssyncadd.s32 @!p0 s1  }
0x116: {  	[bflag:$0x3] =	sbarrier.arrive $0xFFFF  }
0x117: {  	_ =	shalt  }

</sc_bundles>
